<compile_context>
chip_gen: v7x
topology: tpu7x:2x2x1
jax: 0.10.2.dev20260603
libtpu: 0.0.44.dev20260713+nightly
codegen_flags: <defaults>
</compile_context>

<pallas_src>
import functools

import jax
import jax.numpy as jnp
from jax import lax
from jax.experimental import pallas as pl
from jax.experimental.pallas import tpu as pltpu
from jax.experimental.pallas import tpu_sc as plsc

BATCH = 4096
HIST = 200
EMBED = 32

NC = 2
NS = 16
NW = NC * NS
BG = BATCH // NW

_mesh = plsc.VectorSubcoreMesh(core_axis_name="c", subcore_axis_name="s")


@functools.partial(
    pl.kernel,
    mesh=_mesh,
    out_type=jax.ShapeDtypeStruct((HIST, 4, 32, 1024), jnp.float32),
    compiler_params=pltpu.CompilerParams(use_tc_tiling_on_sc=False,
                                         needs_layout_passes=False),
    scratch_types=[
        pltpu.VMEM((HIST, BG), jnp.int32),
        pltpu.VMEM((BG, EMBED), jnp.float32),
        pltpu.VMEM((BG, EMBED), jnp.float32),
        pltpu.VMEM((4096,), jnp.float32),
        pltpu.VMEM((4096,), jnp.float32),
        pltpu.SemaphoreType.DMA,
        pltpu.SemaphoreType.DMA,
        pltpu.SemaphoreType.DMA,
        pltpu.SemaphoreType.DMA,
    ],
)
def _embed_kernel(table_hbm, idxt_hbm, out_hbm, idx_v, g0, g1, t0, t1,
                  gsem0, gsem1, wsem0, wsem1):
    wid = lax.axis_index("s") * NC + lax.axis_index("c")
    b0 = wid * BG

    pltpu.sync_copy(idxt_hbm.at[:, pl.ds(b0, BG)], idx_v)

    g = (g0, g1)
    t = (t0, t1)
    gsems = (gsem0, gsem1)
    wsems = (wsem0, wsem1)

    def start_gather(h, b):
        pltpu.async_copy(table_hbm.at[idx_v.at[h]], g[b], gsems[b])

    def wait_gather(h, b):
        pltpu.make_async_copy(table_hbm.at[idx_v.at[h]], g[b], gsems[b]).wait()

    def start_write(h, b):
        for dh in range(4):
            pltpu.async_copy(t[b].at[pl.ds(dh * 1024, 1024)],
                             out_hbm.at[h, dh, wid], wsems[b])

    def wait_write(h, b):
        for dh in range(4):
            pltpu.make_async_copy(t[b].at[pl.ds(dh * 1024, 1024)],
                                  out_hbm.at[h, dh, wid], wsems[b]).wait()

    ii = lax.iota(jnp.int32, 16)
    rot = [(ii + j) & 15 for j in range(16)]
    dstb = [rot[j] * 128 + ii for j in range(16)]

    def transpose(b):
        @pl.loop(0, BG // 16)
        def _rows(m):
            rows = ii + m * 16
            for d0 in (0, 16):
                for j in range(16):
                    cols = rot[j] + d0
                    vec = plsc.load_gather(g[b], [rows, cols])
                    plsc.store_scatter(t[b], [dstb[j] + (d0 * 128) + m * 16],
                                       vec)

    start_gather(0, 0)
    start_gather(1, 1)

    @pl.loop(0, HIST, step=2)
    def _body(j):
        for b in range(2):
            h = j + b
            wait_gather(h, b)

            @pl.when(h >= 2)
            def _():
                wait_write(h - 2, b)

            transpose(b)
            start_write(h, b)

            @pl.when(h + 2 < HIST)
            def _():
                start_gather(h + 2, b)

    wait_write(HIST - 2, 0)
    wait_write(HIST - 1, 1)


def kernel(input, table):
    idxt = input.astype(jnp.int32).T
    out = _embed_kernel(table, idxt)
    return (out.reshape(HIST, 4, 32, 8, 128)
               .transpose(2, 4, 0, 1, 3)
               .reshape(BATCH, HIST, EMBED))

# --- scband reference (transcript-rebuilt; emitter-appended) ---
"""Pipeline reference for scband-embedding-layer-10514079941507 (READ-ONLY COPY).

The authoritative reference and input builder live on the scoring server;
editing this copy changes nothing except your own understanding.
"""

import jax, jax.numpy as jnp
import numpy as np

VOCAB = 1000000
EMBED_DIM = 32
BATCH = 4096
HIST = 200

def setup_inputs(seed: int = 0) -> dict:
    key = jax.random.key(seed)
    k_idx, k_tab = jax.random.split(key)
    indices = jax.random.randint(k_idx, (BATCH, HIST), 0, VOCAB, dtype=jnp.int64 if jax.config.jax_enable_x64 else jnp.int32)
    table = jax.random.normal(k_tab, (VOCAB, EMBED_DIM), dtype=jnp.float32)
    return {"input": indices, "table": table}

def reference(input, table):
    # nn.Embedding lookup: gather rows of the table by index.
    embedded_words = jnp.take(table, input, axis=0)
    # Dropout with rate 0.0 (or eval mode) is the identity.
    final_embeddings = embedded_words
    return final_embeddings

if __name__ == "__main__":
    import jax
    _d = setup_inputs()
    print(jax.jit(kernel)(*tuple(_d.values())))

</pallas_src>

<mosaic_0001>
#map = affine_map<(d0, d1) -> (0, 0)>
#map1 = affine_map<(d0, d1) -> (0, 0, 0, 0)>
module attributes {stable_mosaic.version = 14 : i64} {
  func.func @_embed_kernel(%arg0: i32, %arg1: i32, %arg2: memref<1000000x32xf32, #tpu.memory_space<hbm>>, %arg3: memref<200x4096xi32, #tpu.memory_space<hbm>>, %arg4: memref<200x4x32x1024xf32, #tpu.memory_space<hbm>>, %arg5: memref<200x128xi32, #tpu.memory_space<vmem>>, %arg6: memref<128x32xf32, #tpu.memory_space<vmem>>, %arg7: memref<128x32xf32, #tpu.memory_space<vmem>>, %arg8: memref<4096xf32, #tpu.memory_space<vmem>>, %arg9: memref<4096xf32, #tpu.memory_space<vmem>>, %arg10: memref<!tpu.dma_semaphore, #tpu.memory_space<semaphore_mem>>, %arg11: memref<!tpu.dma_semaphore, #tpu.memory_space<semaphore_mem>>, %arg12: memref<!tpu.dma_semaphore, #tpu.memory_space<semaphore_mem>>, %arg13: memref<!tpu.dma_semaphore, #tpu.memory_space<semaphore_mem>>) attributes {dimension_semantics = [#tpu.dimension_semantics<core_parallel>, #tpu.dimension_semantics<subcore_parallel>], iteration_bounds = array<i64: 2, 16>, scalar_prefetch = 0 : i64, scratch_operands = 9 : i64, tpu.core_type = #tpu.core_type<sc_vector_subcore>, window_params = [{transform_indices = #map}, {transform_indices = #map}, {transform_indices = #map1}]} {
    %mul3A = arith.constant 2 : i32
    %mul3A_0 = arith.muli %arg1, %mul3A : i32
    %add3A = arith.addi %mul3A_0, %arg0 : i32
    %mul3A_1 = arith.constant 128 : i32
    %mul3A_2 = arith.muli %add3A, %mul3A_1 : i32
    "tpu.region"() ({
      %run_scoped3A = tpu.sem_alloc : memref<!tpu.dma_semaphore, #tpu.memory_space<semaphore_mem>>
      %dma_start3A_274 = arith.constant 0 : i32
      %dma_start3A_275 = tpu.memref_slice %arg3[%dma_start3A_274, %mul3A_2] : memref<200x4096xi32, #tpu.memory_space<hbm>> -> memref<200x128xi32, #tpu.memory_space<hbm>>
      %dma_start3A_276 = arith.constant 0 : i32
      %dma_start3A_277 = tpu.memref_slice %arg3[%dma_start3A_276, %mul3A_2] : memref<200x4096xi32, #tpu.memory_space<hbm>> -> memref<200x128xi32, #tpu.memory_space<hbm>>
      tpu.enqueue_dma source(%dma_start3A_277 : memref<200x128xi32, #tpu.memory_space<hbm>>) target(%arg5 : memref<200x128xi32, #tpu.memory_space<vmem>>) target_semaphore(%run_scoped3A : memref<!tpu.dma_semaphore, #tpu.memory_space<semaphore_mem>>)
      %dma_wait3A_278 = arith.constant 0 : i32
      %dma_wait3A_279 = tpu.memref_slice %arg3[%dma_wait3A_278, %mul3A_2] : memref<200x4096xi32, #tpu.memory_space<hbm>> -> memref<200x128xi32, #tpu.memory_space<hbm>>
      %dma_wait3A_280 = arith.constant 0 : i32
      %dma_wait3A_281 = tpu.memref_slice %arg3[%dma_wait3A_280, %mul3A_2] : memref<200x4096xi32, #tpu.memory_space<hbm>> -> memref<200x128xi32, #tpu.memory_space<hbm>>
      tpu.wait_dma2 semaphore(%run_scoped3A : memref<!tpu.dma_semaphore, #tpu.memory_space<semaphore_mem>>) src(%dma_wait3A_281 : memref<200x128xi32, #tpu.memory_space<hbm>>) dst(%arg5 : memref<200x128xi32, #tpu.memory_space<vmem>>)
      tpu.yield
    }) : () -> ()
    %iota3A = tpu.iota {dimensions = array<i32: 0>} : vector<16xi32>
    %add3A_3 = arith.constant 0 : i32
    %add3A_4 = vector.broadcast %add3A_3 : i32 to vector<16xi32>
    %add3A_5 = arith.addi %iota3A, %add3A_4 : vector<16xi32>
    %and3A = arith.constant 15 : i32
    %and3A_6 = vector.broadcast %and3A : i32 to vector<16xi32>
    %and3A_7 = arith.andi %add3A_5, %and3A_6 : vector<16xi32>
    %add3A_8 = arith.constant 1 : i32
    %add3A_9 = vector.broadcast %add3A_8 : i32 to vector<16xi32>
    %add3A_10 = arith.addi %iota3A, %add3A_9 : vector<16xi32>
    %and3A_11 = arith.constant 15 : i32
    %and3A_12 = vector.broadcast %and3A_11 : i32 to vector<16xi32>
    %and3A_13 = arith.andi %add3A_10, %and3A_12 : vector<16xi32>
    %add3A_14 = arith.constant 2 : i32
    %add3A_15 = vector.broadcast %add3A_14 : i32 to vector<16xi32>
    %add3A_16 = arith.addi %iota3A, %add3A_15 : vector<16xi32>
    %and3A_17 = arith.constant 15 : i32
    %and3A_18 = vector.broadcast %and3A_17 : i32 to vector<16xi32>
    %and3A_19 = arith.andi %add3A_16, %and3A_18 : vector<16xi32>
    %add3A_20 = arith.constant 3 : i32
    %add3A_21 = vector.broadcast %add3A_20 : i32 to vector<16xi32>
    %add3A_22 = arith.addi %iota3A, %add3A_21 : vector<16xi32>
    %and3A_23 = arith.constant 15 : i32
    %and3A_24 = vector.broadcast %and3A_23 : i32 to vector<16xi32>
    %and3A_25 = arith.andi %add3A_22, %and3A_24 : vector<16xi32>
    %add3A_26 = arith.constant 4 : i32
    %add3A_27 = vector.broadcast %add3A_26 : i32 to vector<16xi32>
    %add3A_28 = arith.addi %iota3A, %add3A_27 : vector<16xi32>
    %and3A_29 = arith.constant 15 : i32
    %and3A_30 = vector.broadcast %and3A_29 : i32 to vector<16xi32>
    %and3A_31 = arith.andi %add3A_28, %and3A_30 : vector<16xi32>
    %add3A_32 = arith.constant 5 : i32
    %add3A_33 = vector.broadcast %add3A_32 : i32 to vector<16xi32>
    %add3A_34 = arith.addi %iota3A, %add3A_33 : vector<16xi32>
    %and3A_35 = arith.constant 15 : i32
    %and3A_36 = vector.broadcast %and3A_35 : i32 to vector<16xi32>
    %and3A_37 = arith.andi %add3A_34, %and3A_36 : vector<16xi32>
    %add3A_38 = arith.constant 6 : i32
    %add3A_39 = vector.broadcast %add3A_38 : i32 to vector<16xi32>
    %add3A_40 = arith.addi %iota3A, %add3A_39 : vector<16xi32>
    %and3A_41 = arith.constant 15 : i32
    %and3A_42 = vector.broadcast %and3A_41 : i32 to vector<16xi32>
    %and3A_43 = arith.andi %add3A_40, %and3A_42 : vector<16xi32>
    %add3A_44 = arith.constant 7 : i32
    %add3A_45 = vector.broadcast %add3A_44 : i32 to vector<16xi32>
    %add3A_46 = arith.addi %iota3A, %add3A_45 : vector<16xi32>
    %and3A_47 = arith.constant 15 : i32
    %and3A_48 = vector.broadcast %and3A_47 : i32 to vector<16xi32>
    %and3A_49 = arith.andi %add3A_46, %and3A_48 : vector<16xi32>
    %add3A_50 = arith.constant 8 : i32
    %add3A_51 = vector.broadcast %add3A_50 : i32 to vector<16xi32>
    %add3A_52 = arith.addi %iota3A, %add3A_51 : vector<16xi32>
    %and3A_53 = arith.constant 15 : i32
    %and3A_54 = vector.broadcast %and3A_53 : i32 to vector<16xi32>
    %and3A_55 = arith.andi %add3A_52, %and3A_54 : vector<16xi32>
    %add3A_56 = arith.constant 9 : i32
    %add3A_57 = vector.broadcast %add3A_56 : i32 to vector<16xi32>
    %add3A_58 = arith.addi %iota3A, %add3A_57 : vector<16xi32>
    %and3A_59 = arith.constant 15 : i32
    %and3A_60 = vector.broadcast %and3A_59 : i32 to vector<16xi32>
    %and3A_61 = arith.andi %add3A_58, %and3A_60 : vector<16xi32>
    %add3A_62 = arith.constant 10 : i32
    %add3A_63 = vector.broadcast %add3A_62 : i32 to vector<16xi32>
    %add3A_64 = arith.addi %iota3A, %add3A_63 : vector<16xi32>
    %and3A_65 = arith.constant 15 : i32
    %and3A_66 = vector.broadcast %and3A_65 : i32 to vector<16xi32>
    %and3A_67 = arith.andi %add3A_64, %and3A_66 : vector<16xi32>
    %add3A_68 = arith.constant 11 : i32
    %add3A_69 = vector.broadcast %add3A_68 : i32 to vector<16xi32>
    %add3A_70 = arith.addi %iota3A, %add3A_69 : vector<16xi32>
    %and3A_71 = arith.constant 15 : i32
    %and3A_72 = vector.broadcast %and3A_71 : i32 to vector<16xi32>
    %and3A_73 = arith.andi %add3A_70, %and3A_72 : vector<16xi32>
    %add3A_74 = arith.constant 12 : i32
    %add3A_75 = vector.broadcast %add3A_74 : i32 to vector<16xi32>
    %add3A_76 = arith.addi %iota3A, %add3A_75 : vector<16xi32>
    %and3A_77 = arith.constant 15 : i32
    %and3A_78 = vector.broadcast %and3A_77 : i32 to vector<16xi32>
    %and3A_79 = arith.andi %add3A_76, %and3A_78 : vector<16xi32>
    %add3A_80 = arith.constant 13 : i32
    %add3A_81 = vector.broadcast %add3A_80 : i32 to vector<16xi32>
    %add3A_82 = arith.addi %iota3A, %add3A_81 : vector<16xi32>
    %and3A_83 = arith.constant 15 : i32
    %and3A_84 = vector.broadcast %and3A_83 : i32 to vector<16xi32>
    %and3A_85 = arith.andi %add3A_82, %and3A_84 : vector<16xi32>
    %add3A_86 = arith.constant 14 : i32
    %add3A_87 = vector.broadcast %add3A_86 : i32 to vector<16xi32>
    %add3A_88 = arith.addi %iota3A, %add3A_87 : vector<16xi32>
    %and3A_89 = arith.constant 15 : i32
    %and3A_90 = vector.broadcast %and3A_89 : i32 to vector<16xi32>
    %and3A_91 = arith.andi %add3A_88, %and3A_90 : vector<16xi32>
    %add3A_92 = arith.constant 15 : i32
    %add3A_93 = vector.broadcast %add3A_92 : i32 to vector<16xi32>
    %add3A_94 = arith.addi %iota3A, %add3A_93 : vector<16xi32>
    %and3A_95 = arith.constant 15 : i32
    %and3A_96 = vector.broadcast %and3A_95 : i32 to vector<16xi32>
    %and3A_97 = arith.andi %add3A_94, %and3A_96 : vector<16xi32>
    %mul3A_98 = arith.constant 128 : i32
    %mul3A_99 = vector.broadcast %mul3A_98 : i32 to vector<16xi32>
    %mul3A_100 = arith.muli %and3A_7, %mul3A_99 : vector<16xi32>
    %add3A_101 = arith.addi %mul3A_100, %iota3A : vector<16xi32>
    %mul3A_102 = arith.constant 128 : i32
    %mul3A_103 = vector.broadcast %mul3A_102 : i32 to vector<16xi32>
    %mul3A_104 = arith.muli %and3A_13, %mul3A_103 : vector<16xi32>
    %add3A_105 = arith.addi %mul3A_104, %iota3A : vector<16xi32>
    %mul3A_106 = arith.constant 128 : i32
    %mul3A_107 = vector.broadcast %mul3A_106 : i32 to vector<16xi32>
    %mul3A_108 = arith.muli %and3A_19, %mul3A_107 : vector<16xi32>
    %add3A_109 = arith.addi %mul3A_108, %iota3A : vector<16xi32>
    %mul3A_110 = arith.constant 128 : i32
    %mul3A_111 = vector.broadcast %mul3A_110 : i32 to vector<16xi32>
    %mul3A_112 = arith.muli %and3A_25, %mul3A_111 : vector<16xi32>
    %add3A_113 = arith.addi %mul3A_112, %iota3A : vector<16xi32>
    %mul3A_114 = arith.constant 128 : i32
    %mul3A_115 = vector.broadcast %mul3A_114 : i32 to vector<16xi32>
    %mul3A_116 = arith.muli %and3A_31, %mul3A_115 : vector<16xi32>
    %add3A_117 = arith.addi %mul3A_116, %iota3A : vector<16xi32>
    %mul3A_118 = arith.constant 128 : i32
    %mul3A_119 = vector.broadcast %mul3A_118 : i32 to vector<16xi32>
    %mul3A_120 = arith.muli %and3A_37, %mul3A_119 : vector<16xi32>
    %add3A_121 = arith.addi %mul3A_120, %iota3A : vector<16xi32>
    %mul3A_122 = arith.constant 128 : i32
    %mul3A_123 = vector.broadcast %mul3A_122 : i32 to vector<16xi32>
    %mul3A_124 = arith.muli %and3A_43, %mul3A_123 : vector<16xi32>
    %add3A_125 = arith.addi %mul3A_124, %iota3A : vector<16xi32>
    %mul3A_126 = arith.constant 128 : i32
    %mul3A_127 = vector.broadcast %mul3A_126 : i32 to vector<16xi32>
    %mul3A_128 = arith.muli %and3A_49, %mul3A_127 : vector<16xi32>
    %add3A_129 = arith.addi %mul3A_128, %iota3A : vector<16xi32>
    %mul3A_130 = arith.constant 128 : i32
    %mul3A_131 = vector.broadcast %mul3A_130 : i32 to vector<16xi32>
    %mul3A_132 = arith.muli %and3A_55, %mul3A_131 : vector<16xi32>
    %add3A_133 = arith.addi %mul3A_132, %iota3A : vector<16xi32>
    %mul3A_134 = arith.constant 128 : i32
    %mul3A_135 = vector.broadcast %mul3A_134 : i32 to vector<16xi32>
    %mul3A_136 = arith.muli %and3A_61, %mul3A_135 : vector<16xi32>
    %add3A_137 = arith.addi %mul3A_136, %iota3A : vector<16xi32>
    %mul3A_138 = arith.constant 128 : i32
    %mul3A_139 = vector.broadcast %mul3A_138 : i32 to vector<16xi32>
    %mul3A_140 = arith.muli %and3A_67, %mul3A_139 : vector<16xi32>
    %add3A_141 = arith.addi %mul3A_140, %iota3A : vector<16xi32>
    %mul3A_142 = arith.constant 128 : i32
    %mul3A_143 = vector.broadcast %mul3A_142 : i32 to vector<16xi32>
    %mul3A_144 = arith.muli %and3A_73, %mul3A_143 : vector<16xi32>
    %add3A_145 = arith.addi %mul3A_144, %iota3A : vector<16xi32>
    %mul3A_146 = arith.constant 128 : i32
    %mul3A_147 = vector.broadcast %mul3A_146 : i32 to vector<16xi32>
    %mul3A_148 = arith.muli %and3A_79, %mul3A_147 : vector<16xi32>
    %add3A_149 = arith.addi %mul3A_148, %iota3A : vector<16xi32>
    %mul3A_150 = arith.constant 128 : i32
    %mul3A_151 = vector.broadcast %mul3A_150 : i32 to vector<16xi32>
    %mul3A_152 = arith.muli %and3A_85, %mul3A_151 : vector<16xi32>
    %add3A_153 = arith.addi %mul3A_152, %iota3A : vector<16xi32>
    %mul3A_154 = arith.constant 128 : i32
    %mul3A_155 = vector.broadcast %mul3A_154 : i32 to vector<16xi32>
    %mul3A_156 = arith.muli %and3A_91, %mul3A_155 : vector<16xi32>
    %add3A_157 = arith.addi %mul3A_156, %iota3A : vector<16xi32>
    %mul3A_158 = arith.constant 128 : i32
    %mul3A_159 = vector.broadcast %mul3A_158 : i32 to vector<16xi32>
    %mul3A_160 = arith.muli %and3A_97, %mul3A_159 : vector<16xi32>
    %add3A_161 = arith.addi %mul3A_160, %iota3A : vector<16xi32>
    %dma_start3A = arith.constant 0 : i32
    %dma_start3A_162 = arith.constant 0 : i32
    %dma_start3A_163 = tpu.memref_slice %arg5[%dma_start3A, %dma_start3A_162] : memref<200x128xi32, #tpu.memory_space<vmem>> -> memref<1x128xi32, #tpu.memory_space<vmem>>
    %dma_start3A_164 = tpu.memref_squeeze %dma_start3A_163 : memref<1x128xi32, #tpu.memory_space<vmem>> -> memref<128xi32, #tpu.memory_space<vmem>>
    %dma_start3A_165 = arith.constant 0 : i32
    %dma_start3A_166 = arith.constant 0 : i32
    %dma_start3A_167 = tpu.memref_slice %arg2[%dma_start3A_165, %dma_start3A_166] : memref<1000000x32xf32, #tpu.memory_space<hbm>> -> memref<1000000x32xf32, #tpu.memory_space<hbm>>
    tpu.enqueue_indirect_dma source(%dma_start3A_167 : memref<1000000x32xf32, #tpu.memory_space<hbm>>) target(%arg6 : memref<128x32xf32, #tpu.memory_space<vmem>>) offsets(%dma_start3A_164 : memref<128xi32, #tpu.memory_space<vmem>>) semaphore(%arg10 : memref<!tpu.dma_semaphore, #tpu.memory_space<semaphore_mem>>)
    %dma_start3A_168 = arith.constant 1 : i32
    %dma_start3A_169 = arith.constant 0 : i32
    %dma_start3A_170 = tpu.memref_slice %arg5[%dma_start3A_168, %dma_start3A_169] : memref<200x128xi32, #tpu.memory_space<vmem>> -> memref<1x128xi32, #tpu.memory_space<vmem>>
    %dma_start3A_171 = tpu.memref_squeeze %dma_start3A_170 : memref<1x128xi32, #tpu.memory_space<vmem>> -> memref<128xi32, #tpu.memory_space<vmem>>
    %dma_start3A_172 = arith.constant 0 : i32
    %dma_start3A_173 = arith.constant 0 : i32
    %dma_start3A_174 = tpu.memref_slice %arg2[%dma_start3A_172, %dma_start3A_173] : memref<1000000x32xf32, #tpu.memory_space<hbm>> -> memref<1000000x32xf32, #tpu.memory_space<hbm>>
    tpu.enqueue_indirect_dma source(%dma_start3A_174 : memref<1000000x32xf32, #tpu.memory_space<hbm>>) target(%arg7 : memref<128x32xf32, #tpu.memory_space<vmem>>) offsets(%dma_start3A_171 : memref<128xi32, #tpu.memory_space<vmem>>) semaphore(%arg11 : memref<!tpu.dma_semaphore, #tpu.memory_space<semaphore_mem>>)
    %scan3A = arith.constant 0 : i32
    %scan3A_175 = arith.constant 100 : i32
    %scan3A_176 = arith.addi %scan3A, %scan3A_175 : i32
    %scan3A_177 = arith.constant 1 : i32
    scf.for %scan3A_274 = %scan3A to %scan3A_176 step %scan3A_177  : i32 {
      %mul3A_275 = arith.constant 2 : i32
      %mul3A_276 = arith.muli %scan3A_274, %mul3A_275 : i32
      %add3A_277 = arith.constant 0 : i32
      %add3A_278 = arith.addi %add3A_277, %mul3A_276 : i32
      %add3A_279 = arith.constant 0 : i32
      %add3A_280 = arith.addi %add3A_278, %add3A_279 : i32
      %dma_wait3A_281 = arith.constant 0 : i32
      %dma_wait3A_282 = tpu.memref_slice %arg5[%add3A_280, %dma_wait3A_281] : memref<200x128xi32, #tpu.memory_space<vmem>> -> memref<1x128xi32, #tpu.memory_space<vmem>>
      %dma_wait3A_283 = tpu.memref_squeeze %dma_wait3A_282 : memref<1x128xi32, #tpu.memory_space<vmem>> -> memref<128xi32, #tpu.memory_space<vmem>>
      %dma_wait3A_284 = arith.constant 0 : i32
      %dma_wait3A_285 = arith.constant 0 : i32
      %dma_wait3A_286 = tpu.memref_slice %arg2[%dma_wait3A_284, %dma_wait3A_285] : memref<1000000x32xf32, #tpu.memory_space<hbm>> -> memref<1000000x32xf32, #tpu.memory_space<hbm>>
      tpu.wait_indirect_dma semaphore(%arg10 : memref<!tpu.dma_semaphore, #tpu.memory_space<semaphore_mem>>) src(%dma_wait3A_286 : memref<1000000x32xf32, #tpu.memory_space<hbm>>) dst(%arg6 : memref<128x32xf32, #tpu.memory_space<vmem>>)
      %ge3A = arith.constant 2 : i32
      %ge3A_287 = arith.cmpi sge, %add3A_280, %ge3A : i32
      %convert_element_type3A = arith.extui %ge3A_287 : i1 to i32
      %cond3A = arith.constant 0 : i32
      %cond3A_288 = arith.cmpi ne, %convert_element_type3A, %cond3A : i32
      scf.if %cond3A_288 {
        %sub3A = arith.constant 2 : i32
        %sub3A_413 = arith.subi %add3A_280, %sub3A : i32
        %dma_wait3A_414 = arith.constant 0 : i32
        %dma_wait3A_415 = arith.constant 0 : i32
        %dma_wait3A_416 = tpu.memref_slice %arg8[%dma_wait3A_415] : memref<4096xf32, #tpu.memory_space<vmem>> -> memref<1024xf32, #tpu.memory_space<vmem>>
        %dma_wait3A_417 = arith.constant 0 : i32
        %dma_wait3A_418 = tpu.memref_slice %arg4[%sub3A_413, %dma_wait3A_414, %add3A, %dma_wait3A_417] : memref<200x4x32x1024xf32, #tpu.memory_space<hbm>> -> memref<1x1x1x1024xf32, #tpu.memory_space<hbm>>
        %dma_wait3A_419 = tpu.memref_squeeze %dma_wait3A_418 : memref<1x1x1x1024xf32, #tpu.memory_space<hbm>> -> memref<1024xf32, #tpu.memory_space<hbm>>
        %dma_wait3A_420 = arith.constant 0 : i32
        %dma_wait3A_421 = tpu.memref_slice %arg4[%sub3A_413, %dma_wait3A_414, %add3A, %dma_wait3A_420] : memref<200x4x32x1024xf32, #tpu.memory_space<hbm>> -> memref<1x1x1x1024xf32, #tpu.memory_space<hbm>>
        %dma_wait3A_422 = tpu.memref_squeeze %dma_wait3A_421 : memref<1x1x1x1024xf32, #tpu.memory_space<hbm>> -> memref<1024xf32, #tpu.memory_space<hbm>>
        %dma_wait3A_423 = arith.constant 0 : i32
        %dma_wait3A_424 = tpu.memref_slice %arg8[%dma_wait3A_423] : memref<4096xf32, #tpu.memory_space<vmem>> -> memref<1024xf32, #tpu.memory_space<vmem>>
        tpu.wait_dma2 semaphore(%arg12 : memref<!tpu.dma_semaphore, #tpu.memory_space<semaphore_mem>>) src(%dma_wait3A_424 : memref<1024xf32, #tpu.memory_space<vmem>>) dst(%dma_wait3A_422 : memref<1024xf32, #tpu.memory_space<hbm>>)
        %dma_wait3A_425 = arith.constant 1 : i32
        %dma_wait3A_426 = arith.constant 1024 : i32
        %dma_wait3A_427 = tpu.memref_slice %arg8[%dma_wait3A_426] : memref<4096xf32, #tpu.memory_space<vmem>> -> memref<1024xf32, #tpu.memory_space<vmem>>
        %dma_wait3A_428 = arith.constant 0 : i32
        %dma_wait3A_429 = tpu.memref_slice %arg4[%sub3A_413, %dma_wait3A_425, %add3A, %dma_wait3A_428] : memref<200x4x32x1024xf32, #tpu.memory_space<hbm>> -> memref<1x1x1x1024xf32, #tpu.memory_space<hbm>>
        %dma_wait3A_430 = tpu.memref_squeeze %dma_wait3A_429 : memref<1x1x1x1024xf32, #tpu.memory_space<hbm>> -> memref<1024xf32, #tpu.memory_space<hbm>>
        %dma_wait3A_431 = arith.constant 0 : i32
        %dma_wait3A_432 = tpu.memref_slice %arg4[%sub3A_413, %dma_wait3A_425, %add3A, %dma_wait3A_431] : memref<200x4x32x1024xf32, #tpu.memory_space<hbm>> -> memref<1x1x1x1024xf32, #tpu.memory_space<hbm>>
        %dma_wait3A_433 = tpu.memref_squeeze %dma_wait3A_432 : memref<1x1x1x1024xf32, #tpu.memory_space<hbm>> -> memref<1024xf32, #tpu.memory_space<hbm>>
        %dma_wait3A_434 = arith.constant 1024 : i32
        %dma_wait3A_435 = tpu.memref_slice %arg8[%dma_wait3A_434] : memref<4096xf32, #tpu.memory_space<vmem>> -> memref<1024xf32, #tpu.memory_space<vmem>>
        tpu.wait_dma2 semaphore(%arg12 : memref<!tpu.dma_semaphore, #tpu.memory_space<semaphore_mem>>) src(%dma_wait3A_435 : memref<1024xf32, #tpu.memory_space<vmem>>) dst(%dma_wait3A_433 : memref<1024xf32, #tpu.memory_space<hbm>>)
        %dma_wait3A_436 = arith.constant 2 : i32
        %dma_wait3A_437 = arith.constant 2048 : i32
        %dma_wait3A_438 = tpu.memref_slice %arg8[%dma_wait3A_437] : memref<4096xf32, #tpu.memory_space<vmem>> -> memref<1024xf32, #tpu.memory_space<vmem>>
        %dma_wait3A_439 = arith.constant 0 : i32
        %dma_wait3A_440 = tpu.memref_slice %arg4[%sub3A_413, %dma_wait3A_436, %add3A, %dma_wait3A_439] : memref<200x4x32x1024xf32, #tpu.memory_space<hbm>> -> memref<1x1x1x1024xf32, #tpu.memory_space<hbm>>
        %dma_wait3A_441 = tpu.memref_squeeze %dma_wait3A_440 : memref<1x1x1x1024xf32, #tpu.memory_space<hbm>> -> memref<1024xf32, #tpu.memory_space<hbm>>
        %dma_wait3A_442 = arith.constant 0 : i32
        %dma_wait3A_443 = tpu.memref_slice %arg4[%sub3A_413, %dma_wait3A_436, %add3A, %dma_wait3A_442] : memref<200x4x32x1024xf32, #tpu.memory_space<hbm>> -> memref<1x1x1x1024xf32, #tpu.memory_space<hbm>>
        %dma_wait3A_444 = tpu.memref_squeeze %dma_wait3A_443 : memref<1x1x1x1024xf32, #tpu.memory_space<hbm>> -> memref<1024xf32, #tpu.memory_space<hbm>>
        %dma_wait3A_445 = arith.constant 2048 : i32
        %dma_wait3A_446 = tpu.memref_slice %arg8[%dma_wait3A_445] : memref<4096xf32, #tpu.memory_space<vmem>> -> memref<1024xf32, #tpu.memory_space<vmem>>
        tpu.wait_dma2 semaphore(%arg12 : memref<!tpu.dma_semaphore, #tpu.memory_space<semaphore_mem>>) src(%dma_wait3A_446 : memref<1024xf32, #tpu.memory_space<vmem>>) dst(%dma_wait3A_444 : memref<1024xf32, #tpu.memory_space<hbm>>)
        %dma_wait3A_447 = arith.constant 3 : i32
        %dma_wait3A_448 = arith.constant 3072 : i32
        %dma_wait3A_449 = tpu.memref_slice %arg8[%dma_wait3A_448] : memref<4096xf32, #tpu.memory_space<vmem>> -> memref<1024xf32, #tpu.memory_space<vmem>>
        %dma_wait3A_450 = arith.constant 0 : i32
        %dma_wait3A_451 = tpu.memref_slice %arg4[%sub3A_413, %dma_wait3A_447, %add3A, %dma_wait3A_450] : memref<200x4x32x1024xf32, #tpu.memory_space<hbm>> -> memref<1x1x1x1024xf32, #tpu.memory_space<hbm>>
        %dma_wait3A_452 = tpu.memref_squeeze %dma_wait3A_451 : memref<1x1x1x1024xf32, #tpu.memory_space<hbm>> -> memref<1024xf32, #tpu.memory_space<hbm>>
        %dma_wait3A_453 = arith.constant 0 : i32
        %dma_wait3A_454 = tpu.memref_slice %arg4[%sub3A_413, %dma_wait3A_447, %add3A, %dma_wait3A_453] : memref<200x4x32x1024xf32, #tpu.memory_space<hbm>> -> memref<1x1x1x1024xf32, #tpu.memory_space<hbm>>
        %dma_wait3A_455 = tpu.memref_squeeze %dma_wait3A_454 : memref<1x1x1x1024xf32, #tpu.memory_space<hbm>> -> memref<1024xf32, #tpu.memory_space<hbm>>
        %dma_wait3A_456 = arith.constant 3072 : i32
        %dma_wait3A_457 = tpu.memref_slice %arg8[%dma_wait3A_456] : memref<4096xf32, #tpu.memory_space<vmem>> -> memref<1024xf32, #tpu.memory_space<vmem>>
        tpu.wait_dma2 semaphore(%arg12 : memref<!tpu.dma_semaphore, #tpu.memory_space<semaphore_mem>>) src(%dma_wait3A_457 : memref<1024xf32, #tpu.memory_space<vmem>>) dst(%dma_wait3A_455 : memref<1024xf32, #tpu.memory_space<hbm>>)
      } else {
      }
      %scan3A_289 = arith.constant 0 : i32
      %scan3A_290 = arith.constant 8 : i32
      %scan3A_291 = arith.addi %scan3A_289, %scan3A_290 : i32
      %scan3A_292 = arith.constant 1 : i32
      scf.for %scan3A_413 = %scan3A_289 to %scan3A_291 step %scan3A_292  : i32 {
        %mul3A_414 = arith.constant 1 : i32
        %mul3A_415 = arith.muli %scan3A_413, %mul3A_414 : i32
        %add3A_416 = arith.constant 0 : i32
        %add3A_417 = arith.addi %add3A_416, %mul3A_415 : i32
        %mul3A_418 = arith.constant 16 : i32
        %mul3A_419 = arith.muli %add3A_417, %mul3A_418 : i32
        %add3A_420 = vector.broadcast %mul3A_419 : i32 to vector<16xi32>
        %add3A_421 = arith.addi %iota3A, %add3A_420 : vector<16xi32>
        %add3A_422 = arith.constant 0 : i32
        %add3A_423 = vector.broadcast %add3A_422 : i32 to vector<16xi32>
        %add3A_424 = arith.addi %and3A_7, %add3A_423 : vector<16xi32>
        %gather3A = tpu.vector_load_idx %arg6[%add3A_421, %add3A_424] : memref<128x32xf32, #tpu.memory_space<vmem>>[vector<16xi32>, vector<16xi32>], vector<16xf32>,
        %add3A_425 = arith.constant 0 : i32
        %add3A_426 = vector.broadcast %add3A_425 : i32 to vector<16xi32>
        %add3A_427 = arith.addi %add3A_101, %add3A_426 : vector<16xi32>
        %mul3A_428 = arith.constant 16 : i32
        %mul3A_429 = arith.muli %add3A_417, %mul3A_428 : i32
        %add3A_430 = vector.broadcast %mul3A_429 : i32 to vector<16xi32>
        %add3A_431 = arith.addi %add3A_427, %add3A_430 : vector<16xi32>
        tpu.vector_store_idx %arg8[%add3A_431], %gather3A : memref<4096xf32, #tpu.memory_space<vmem>>[vector<16xi32>], vector<16xf32>,
        %add3A_432 = arith.constant 0 : i32
        %add3A_433 = vector.broadcast %add3A_432 : i32 to vector<16xi32>
        %add3A_434 = arith.addi %and3A_13, %add3A_433 : vector<16xi32>
        %gather3A_435 = tpu.vector_load_idx %arg6[%add3A_421, %add3A_434] : memref<128x32xf32, #tpu.memory_space<vmem>>[vector<16xi32>, vector<16xi32>], vector<16xf32>,
        %add3A_436 = arith.constant 0 : i32
        %add3A_437 = vector.broadcast %add3A_436 : i32 to vector<16xi32>
        %add3A_438 = arith.addi %add3A_105, %add3A_437 : vector<16xi32>
        %mul3A_439 = arith.constant 16 : i32
        %mul3A_440 = arith.muli %add3A_417, %mul3A_439 : i32
        %add3A_441 = vector.broadcast %mul3A_440 : i32 to vector<16xi32>
        %add3A_442 = arith.addi %add3A_438, %add3A_441 : vector<16xi32>
        tpu.vector_store_idx %arg8[%add3A_442], %gather3A_435 : memref<4096xf32, #tpu.memory_space<vmem>>[vector<16xi32>], vector<16xf32>,
        %add3A_443 = arith.constant 0 : i32
        %add3A_444 = vector.broadcast %add3A_443 : i32 to vector<16xi32>
        %add3A_445 = arith.addi %and3A_19, %add3A_444 : vector<16xi32>
        %gather3A_446 = tpu.vector_load_idx %arg6[%add3A_421, %add3A_445] : memref<128x32xf32, #tpu.memory_space<vmem>>[vector<16xi32>, vector<16xi32>], vector<16xf32>,
        %add3A_447 = arith.constant 0 : i32
        %add3A_448 = vector.broadcast %add3A_447 : i32 to vector<16xi32>
        %add3A_449 = arith.addi %add3A_109, %add3A_448 : vector<16xi32>
        %mul3A_450 = arith.constant 16 : i32
        %mul3A_451 = arith.muli %add3A_417, %mul3A_450 : i32
        %add3A_452 = vector.broadcast %mul3A_451 : i32 to vector<16xi32>
        %add3A_453 = arith.addi %add3A_449, %add3A_452 : vector<16xi32>
        tpu.vector_store_idx %arg8[%add3A_453], %gather3A_446 : memref<4096xf32, #tpu.memory_space<vmem>>[vector<16xi32>], vector<16xf32>,
        %add3A_454 = arith.constant 0 : i32
        %add3A_455 = vector.broadcast %add3A_454 : i32 to vector<16xi32>
        %add3A_456 = arith.addi %and3A_25, %add3A_455 : vector<16xi32>
        %gather3A_457 = tpu.vector_load_idx %arg6[%add3A_421, %add3A_456] : memref<128x32xf32, #tpu.memory_space<vmem>>[vector<16xi32>, vector<16xi32>], vector<16xf32>,
        %add3A_458 = arith.constant 0 : i32
        %add3A_459 = vector.broadcast %add3A_458 : i32 to vector<16xi32>
        %add3A_460 = arith.addi %add3A_113, %add3A_459 : vector<16xi32>
        %mul3A_461 = arith.constant 16 : i32
        %mul3A_462 = arith.muli %add3A_417, %mul3A_461 : i32
        %add3A_463 = vector.broadcast %mul3A_462 : i32 to vector<16xi32>
        %add3A_464 = arith.addi %add3A_460, %add3A_463 : vector<16xi32>
        tpu.vector_store_idx %arg8[%add3A_464], %gather3A_457 : memref<4096xf32, #tpu.memory_space<vmem>>[vector<16xi32>], vector<16xf32>,
        %add3A_465 = arith.constant 0 : i32
        %add3A_466 = vector.broadcast %add3A_465 : i32 to vector<16xi32>
        %add3A_467 = arith.addi %and3A_31, %add3A_466 : vector<16xi32>
        %gather3A_468 = tpu.vector_load_idx %arg6[%add3A_421, %add3A_467] : memref<128x32xf32, #tpu.memory_space<vmem>>[vector<16xi32>, vector<16xi32>], vector<16xf32>,
        %add3A_469 = arith.constant 0 : i32
        %add3A_470 = vector.broadcast %add3A_469 : i32 to vector<16xi32>
        %add3A_471 = arith.addi %add3A_117, %add3A_470 : vector<16xi32>
        %mul3A_472 = arith.constant 16 : i32
        %mul3A_473 = arith.muli %add3A_417, %mul3A_472 : i32
        %add3A_474 = vector.broadcast %mul3A_473 : i32 to vector<16xi32>
        %add3A_475 = arith.addi %add3A_471, %add3A_474 : vector<16xi32>
        tpu.vector_store_idx %arg8[%add3A_475], %gather3A_468 : memref<4096xf32, #tpu.memory_space<vmem>>[vector<16xi32>], vector<16xf32>,
        %add3A_476 = arith.constant 0 : i32
        %add3A_477 = vector.broadcast %add3A_476 : i32 to vector<16xi32>
        %add3A_478 = arith.addi %and3A_37, %add3A_477 : vector<16xi32>
        %gather3A_479 = tpu.vector_load_idx %arg6[%add3A_421, %add3A_478] : memref<128x32xf32, #tpu.memory_space<vmem>>[vector<16xi32>, vector<16xi32>], vector<16xf32>,
        %add3A_480 = arith.constant 0 : i32
        %add3A_481 = vector.broadcast %add3A_480 : i32 to vector<16xi32>
        %add3A_482 = arith.addi %add3A_121, %add3A_481 : vector<16xi32>
        %mul3A_483 = arith.constant 16 : i32
        %mul3A_484 = arith.muli %add3A_417, %mul3A_483 : i32
        %add3A_485 = vector.broadcast %mul3A_484 : i32 to vector<16xi32>
        %add3A_486 = arith.addi %add3A_482, %add3A_485 : vector<16xi32>
        tpu.vector_store_idx %arg8[%add3A_486], %gather3A_479 : memref<4096xf32, #tpu.memory_space<vmem>>[vector<16xi32>], vector<16xf32>,
        %add3A_487 = arith.constant 0 : i32
        %add3A_488 = vector.broadcast %add3A_487 : i32 to vector<16xi32>
        %add3A_489 = arith.addi %and3A_43, %add3A_488 : vector<16xi32>
        %gather3A_490 = tpu.vector_load_idx %arg6[%add3A_421, %add3A_489] : memref<128x32xf32, #tpu.memory_space<vmem>>[vector<16xi32>, vector<16xi32>], vector<16xf32>,
        %add3A_491 = arith.constant 0 : i32
        %add3A_492 = vector.broadcast %add3A_491 : i32 to vector<16xi32>
        %add3A_493 = arith.addi %add3A_125, %add3A_492 : vector<16xi32>
        %mul3A_494 = arith.constant 16 : i32
        %mul3A_495 = arith.muli %add3A_417, %mul3A_494 : i32
        %add3A_496 = vector.broadcast %mul3A_495 : i32 to vector<16xi32>
        %add3A_497 = arith.addi %add3A_493, %add3A_496 : vector<16xi32>
        tpu.vector_store_idx %arg8[%add3A_497], %gather3A_490 : memref<4096xf32, #tpu.memory_space<vmem>>[vector<16xi32>], vector<16xf32>,
        %add3A_498 = arith.constant 0 : i32
        %add3A_499 = vector.broadcast %add3A_498 : i32 to vector<16xi32>
        %add3A_500 = arith.addi %and3A_49, %add3A_499 : vector<16xi32>
        %gather3A_501 = tpu.vector_load_idx %arg6[%add3A_421, %add3A_500] : memref<128x32xf32, #tpu.memory_space<vmem>>[vector<16xi32>, vector<16xi32>], vector<16xf32>,
        %add3A_502 = arith.constant 0 : i32
        %add3A_503 = vector.broadcast %add3A_502 : i32 to vector<16xi32>
        %add3A_504 = arith.addi %add3A_129, %add3A_503 : vector<16xi32>
        %mul3A_505 = arith.constant 16 : i32
        %mul3A_506 = arith.muli %add3A_417, %mul3A_505 : i32
        %add3A_507 = vector.broadcast %mul3A_506 : i32 to vector<16xi32>
        %add3A_508 = arith.addi %add3A_504, %add3A_507 : vector<16xi32>
        tpu.vector_store_idx %arg8[%add3A_508], %gather3A_501 : memref<4096xf32, #tpu.memory_space<vmem>>[vector<16xi32>], vector<16xf32>,
        %add3A_509 = arith.constant 0 : i32
        %add3A_510 = vector.broadcast %add3A_509 : i32 to vector<16xi32>
        %add3A_511 = arith.addi %and3A_55, %add3A_510 : vector<16xi32>
        %gather3A_512 = tpu.vector_load_idx %arg6[%add3A_421, %add3A_511] : memref<128x32xf32, #tpu.memory_space<vmem>>[vector<16xi32>, vector<16xi32>], vector<16xf32>,
        %add3A_513 = arith.constant 0 : i32
        %add3A_514 = vector.broadcast %add3A_513 : i32 to vector<16xi32>
        %add3A_515 = arith.addi %add3A_133, %add3A_514 : vector<16xi32>
        %mul3A_516 = arith.constant 16 : i32
        %mul3A_517 = arith.muli %add3A_417, %mul3A_516 : i32
        %add3A_518 = vector.broadcast %mul3A_517 : i32 to vector<16xi32>
        %add3A_519 = arith.addi %add3A_515, %add3A_518 : vector<16xi32>
        tpu.vector_store_idx %arg8[%add3A_519], %gather3A_512 : memref<4096xf32, #tpu.memory_space<vmem>>[vector<16xi32>], vector<16xf32>,
        %add3A_520 = arith.constant 0 : i32
        %add3A_521 = vector.broadcast %add3A_520 : i32 to vector<16xi32>
        %add3A_522 = arith.addi %and3A_61, %add3A_521 : vector<16xi32>
        %gather3A_523 = tpu.vector_load_idx %arg6[%add3A_421, %add3A_522] : memref<128x32xf32, #tpu.memory_space<vmem>>[vector<16xi32>, vector<16xi32>], vector<16xf32>,
        %add3A_524 = arith.constant 0 : i32
        %add3A_525 = vector.broadcast %add3A_524 : i32 to vector<16xi32>
        %add3A_526 = arith.addi %add3A_137, %add3A_525 : vector<16xi32>
        %mul3A_527 = arith.constant 16 : i32
        %mul3A_528 = arith.muli %add3A_417, %mul3A_527 : i32
        %add3A_529 = vector.broadcast %mul3A_528 : i32 to vector<16xi32>
        %add3A_530 = arith.addi %add3A_526, %add3A_529 : vector<16xi32>
        tpu.vector_store_idx %arg8[%add3A_530], %gather3A_523 : memref<4096xf32, #tpu.memory_space<vmem>>[vector<16xi32>], vector<16xf32>,
        %add3A_531 = arith.constant 0 : i32
        %add3A_532 = vector.broadcast %add3A_531 : i32 to vector<16xi32>
        %add3A_533 = arith.addi %and3A_67, %add3A_532 : vector<16xi32>
        %gather3A_534 = tpu.vector_load_idx %arg6[%add3A_421, %add3A_533] : memref<128x32xf32, #tpu.memory_space<vmem>>[vector<16xi32>, vector<16xi32>], vector<16xf32>,
        %add3A_535 = arith.constant 0 : i32
        %add3A_536 = vector.broadcast %add3A_535 : i32 to vector<16xi32>
        %add3A_537 = arith.addi %add3A_141, %add3A_536 : vector<16xi32>
        %mul3A_538 = arith.constant 16 : i32
        %mul3A_539 = arith.muli %add3A_417, %mul3A_538 : i32
        %add3A_540 = vector.broadcast %mul3A_539 : i32 to vector<16xi32>
        %add3A_541 = arith.addi %add3A_537, %add3A_540 : vector<16xi32>
        tpu.vector_store_idx %arg8[%add3A_541], %gather3A_534 : memref<4096xf32, #tpu.memory_space<vmem>>[vector<16xi32>], vector<16xf32>,
        %add3A_542 = arith.constant 0 : i32
        %add3A_543 = vector.broadcast %add3A_542 : i32 to vector<16xi32>
        %add3A_544 = arith.addi %and3A_73, %add3A_543 : vector<16xi32>
        %gather3A_545 = tpu.vector_load_idx %arg6[%add3A_421, %add3A_544] : memref<128x32xf32, #tpu.memory_space<vmem>>[vector<16xi32>, vector<16xi32>], vector<16xf32>,
        %add3A_546 = arith.constant 0 : i32
        %add3A_547 = vector.broadcast %add3A_546 : i32 to vector<16xi32>
        %add3A_548 = arith.addi %add3A_145, %add3A_547 : vector<16xi32>
        %mul3A_549 = arith.constant 16 : i32
        %mul3A_550 = arith.muli %add3A_417, %mul3A_549 : i32
        %add3A_551 = vector.broadcast %mul3A_550 : i32 to vector<16xi32>
        %add3A_552 = arith.addi %add3A_548, %add3A_551 : vector<16xi32>
        tpu.vector_store_idx %arg8[%add3A_552], %gather3A_545 : memref<4096xf32, #tpu.memory_space<vmem>>[vector<16xi32>], vector<16xf32>,
        %add3A_553 = arith.constant 0 : i32
        %add3A_554 = vector.broadcast %add3A_553 : i32 to vector<16xi32>
        %add3A_555 = arith.addi %and3A_79, %add3A_554 : vector<16xi32>
        %gather3A_556 = tpu.vector_load_idx %arg6[%add3A_421, %add3A_555] : memref<128x32xf32, #tpu.memory_space<vmem>>[vector<16xi32>, vector<16xi32>], vector<16xf32>,
        %add3A_557 = arith.constant 0 : i32
        %add3A_558 = vector.broadcast %add3A_557 : i32 to vector<16xi32>
        %add3A_559 = arith.addi %add3A_149, %add3A_558 : vector<16xi32>
        %mul3A_560 = arith.constant 16 : i32
        %mul3A_561 = arith.muli %add3A_417, %mul3A_560 : i32
        %add3A_562 = vector.broadcast %mul3A_561 : i32 to vector<16xi32>
        %add3A_563 = arith.addi %add3A_559, %add3A_562 : vector<16xi32>
        tpu.vector_store_idx %arg8[%add3A_563], %gather3A_556 : memref<4096xf32, #tpu.memory_space<vmem>>[vector<16xi32>], vector<16xf32>,
        %add3A_564 = arith.constant 0 : i32
        %add3A_565 = vector.broadcast %add3A_564 : i32 to vector<16xi32>
        %add3A_566 = arith.addi %and3A_85, %add3A_565 : vector<16xi32>
        %gather3A_567 = tpu.vector_load_idx %arg6[%add3A_421, %add3A_566] : memref<128x32xf32, #tpu.memory_space<vmem>>[vector<16xi32>, vector<16xi32>], vector<16xf32>,
        %add3A_568 = arith.constant 0 : i32
        %add3A_569 = vector.broadcast %add3A_568 : i32 to vector<16xi32>
        %add3A_570 = arith.addi %add3A_153, %add3A_569 : vector<16xi32>
        %mul3A_571 = arith.constant 16 : i32
        %mul3A_572 = arith.muli %add3A_417, %mul3A_571 : i32
        %add3A_573 = vector.broadcast %mul3A_572 : i32 to vector<16xi32>
        %add3A_574 = arith.addi %add3A_570, %add3A_573 : vector<16xi32>
        tpu.vector_store_idx %arg8[%add3A_574], %gather3A_567 : memref<4096xf32, #tpu.memory_space<vmem>>[vector<16xi32>], vector<16xf32>,
        %add3A_575 = arith.constant 0 : i32
        %add3A_576 = vector.broadcast %add3A_575 : i32 to vector<16xi32>
        %add3A_577 = arith.addi %and3A_91, %add3A_576 : vector<16xi32>
        %gather3A_578 = tpu.vector_load_idx %arg6[%add3A_421, %add3A_577] : memref<128x32xf32, #tpu.memory_space<vmem>>[vector<16xi32>, vector<16xi32>], vector<16xf32>,
        %add3A_579 = arith.constant 0 : i32
        %add3A_580 = vector.broadcast %add3A_579 : i32 to vector<16xi32>
        %add3A_581 = arith.addi %add3A_157, %add3A_580 : vector<16xi32>
        %mul3A_582 = arith.constant 16 : i32
        %mul3A_583 = arith.muli %add3A_417, %mul3A_582 : i32
        %add3A_584 = vector.broadcast %mul3A_583 : i32 to vector<16xi32>
        %add3A_585 = arith.addi %add3A_581, %add3A_584 : vector<16xi32>
        tpu.vector_store_idx %arg8[%add3A_585], %gather3A_578 : memref<4096xf32, #tpu.memory_space<vmem>>[vector<16xi32>], vector<16xf32>,
        %add3A_586 = arith.constant 0 : i32
        %add3A_587 = vector.broadcast %add3A_586 : i32 to vector<16xi32>
        %add3A_588 = arith.addi %and3A_97, %add3A_587 : vector<16xi32>
        %gather3A_589 = tpu.vector_load_idx %arg6[%add3A_421, %add3A_588] : memref<128x32xf32, #tpu.memory_space<vmem>>[vector<16xi32>, vector<16xi32>], vector<16xf32>,
        %add3A_590 = arith.constant 0 : i32
        %add3A_591 = vector.broadcast %add3A_590 : i32 to vector<16xi32>
        %add3A_592 = arith.addi %add3A_161, %add3A_591 : vector<16xi32>
        %mul3A_593 = arith.constant 16 : i32
        %mul3A_594 = arith.muli %add3A_417, %mul3A_593 : i32
        %add3A_595 = vector.broadcast %mul3A_594 : i32 to vector<16xi32>
        %add3A_596 = arith.addi %add3A_592, %add3A_595 : vector<16xi32>
        tpu.vector_store_idx %arg8[%add3A_596], %gather3A_589 : memref<4096xf32, #tpu.memory_space<vmem>>[vector<16xi32>], vector<16xf32>,
        %add3A_597 = arith.constant 16 : i32
        %add3A_598 = vector.broadcast %add3A_597 : i32 to vector<16xi32>
        %add3A_599 = arith.addi %and3A_7, %add3A_598 : vector<16xi32>
        %gather3A_600 = tpu.vector_load_idx %arg6[%add3A_421, %add3A_599] : memref<128x32xf32, #tpu.memory_space<vmem>>[vector<16xi32>, vector<16xi32>], vector<16xf32>,
        %add3A_601 = arith.constant 2048 : i32
        %add3A_602 = vector.broadcast %add3A_601 : i32 to vector<16xi32>
        %add3A_603 = arith.addi %add3A_101, %add3A_602 : vector<16xi32>
        %mul3A_604 = arith.constant 16 : i32
        %mul3A_605 = arith.muli %add3A_417, %mul3A_604 : i32
        %add3A_606 = vector.broadcast %mul3A_605 : i32 to vector<16xi32>
        %add3A_607 = arith.addi %add3A_603, %add3A_606 : vector<16xi32>
        tpu.vector_store_idx %arg8[%add3A_607], %gather3A_600 : memref<4096xf32, #tpu.memory_space<vmem>>[vector<16xi32>], vector<16xf32>,
        %add3A_608 = arith.constant 16 : i32
        %add3A_609 = vector.broadcast %add3A_608 : i32 to vector<16xi32>
        %add3A_610 = arith.addi %and3A_13, %add3A_609 : vector<16xi32>
        %gather3A_611 = tpu.vector_load_idx %arg6[%add3A_421, %add3A_610] : memref<128x32xf32, #tpu.memory_space<vmem>>[vector<16xi32>, vector<16xi32>], vector<16xf32>,
        %add3A_612 = arith.constant 2048 : i32
        %add3A_613 = vector.broadcast %add3A_612 : i32 to vector<16xi32>
        %add3A_614 = arith.addi %add3A_105, %add3A_613 : vector<16xi32>
        %mul3A_615 = arith.constant 16 : i32
        %mul3A_616 = arith.muli %add3A_417, %mul3A_615 : i32
        %add3A_617 = vector.broadcast %mul3A_616 : i32 to vector<16xi32>
        %add3A_618 = arith.addi %add3A_614, %add3A_617 : vector<16xi32>
        tpu.vector_store_idx %arg8[%add3A_618], %gather3A_611 : memref<4096xf32, #tpu.memory_space<vmem>>[vector<16xi32>], vector<16xf32>,
        %add3A_619 = arith.constant 16 : i32
        %add3A_620 = vector.broadcast %add3A_619 : i32 to vector<16xi32>
        %add3A_621 = arith.addi %and3A_19, %add3A_620 : vector<16xi32>
        %gather3A_622 = tpu.vector_load_idx %arg6[%add3A_421, %add3A_621] : memref<128x32xf32, #tpu.memory_space<vmem>>[vector<16xi32>, vector<16xi32>], vector<16xf32>,
        %add3A_623 = arith.constant 2048 : i32
        %add3A_624 = vector.broadcast %add3A_623 : i32 to vector<16xi32>
        %add3A_625 = arith.addi %add3A_109, %add3A_624 : vector<16xi32>
        %mul3A_626 = arith.constant 16 : i32
        %mul3A_627 = arith.muli %add3A_417, %mul3A_626 : i32
        %add3A_628 = vector.broadcast %mul3A_627 : i32 to vector<16xi32>
        %add3A_629 = arith.addi %add3A_625, %add3A_628 : vector<16xi32>
        tpu.vector_store_idx %arg8[%add3A_629], %gather3A_622 : memref<4096xf32, #tpu.memory_space<vmem>>[vector<16xi32>], vector<16xf32>,
        %add3A_630 = arith.constant 16 : i32
        %add3A_631 = vector.broadcast %add3A_630 : i32 to vector<16xi32>
        %add3A_632 = arith.addi %and3A_25, %add3A_631 : vector<16xi32>
        %gather3A_633 = tpu.vector_load_idx %arg6[%add3A_421, %add3A_632] : memref<128x32xf32, #tpu.memory_space<vmem>>[vector<16xi32>, vector<16xi32>], vector<16xf32>,
        %add3A_634 = arith.constant 2048 : i32
        %add3A_635 = vector.broadcast %add3A_634 : i32 to vector<16xi32>
        %add3A_636 = arith.addi %add3A_113, %add3A_635 : vector<16xi32>
        %mul3A_637 = arith.constant 16 : i32
        %mul3A_638 = arith.muli %add3A_417, %mul3A_637 : i32
        %add3A_639 = vector.broadcast %mul3A_638 : i32 to vector<16xi32>
        %add3A_640 = arith.addi %add3A_636, %add3A_639 : vector<16xi32>
        tpu.vector_store_idx %arg8[%add3A_640], %gather3A_633 : memref<4096xf32, #tpu.memory_space<vmem>>[vector<16xi32>], vector<16xf32>,
        %add3A_641 = arith.constant 16 : i32
        %add3A_642 = vector.broadcast %add3A_641 : i32 to vector<16xi32>
        %add3A_643 = arith.addi %and3A_31, %add3A_642 : vector<16xi32>
        %gather3A_644 = tpu.vector_load_idx %arg6[%add3A_421, %add3A_643] : memref<128x32xf32, #tpu.memory_space<vmem>>[vector<16xi32>, vector<16xi32>], vector<16xf32>,
        %add3A_645 = arith.constant 2048 : i32
        %add3A_646 = vector.broadcast %add3A_645 : i32 to vector<16xi32>
        %add3A_647 = arith.addi %add3A_117, %add3A_646 : vector<16xi32>
        %mul3A_648 = arith.constant 16 : i32
        %mul3A_649 = arith.muli %add3A_417, %mul3A_648 : i32
        %add3A_650 = vector.broadcast %mul3A_649 : i32 to vector<16xi32>
        %add3A_651 = arith.addi %add3A_647, %add3A_650 : vector<16xi32>
        tpu.vector_store_idx %arg8[%add3A_651], %gather3A_644 : memref<4096xf32, #tpu.memory_space<vmem>>[vector<16xi32>], vector<16xf32>,
        %add3A_652 = arith.constant 16 : i32
        %add3A_653 = vector.broadcast %add3A_652 : i32 to vector<16xi32>
        %add3A_654 = arith.addi %and3A_37, %add3A_653 : vector<16xi32>
        %gather3A_655 = tpu.vector_load_idx %arg6[%add3A_421, %add3A_654] : memref<128x32xf32, #tpu.memory_space<vmem>>[vector<16xi32>, vector<16xi32>], vector<16xf32>,
        %add3A_656 = arith.constant 2048 : i32
        %add3A_657 = vector.broadcast %add3A_656 : i32 to vector<16xi32>
        %add3A_658 = arith.addi %add3A_121, %add3A_657 : vector<16xi32>
        %mul3A_659 = arith.constant 16 : i32
        %mul3A_660 = arith.muli %add3A_417, %mul3A_659 : i32
        %add3A_661 = vector.broadcast %mul3A_660 : i32 to vector<16xi32>
        %add3A_662 = arith.addi %add3A_658, %add3A_661 : vector<16xi32>
        tpu.vector_store_idx %arg8[%add3A_662], %gather3A_655 : memref<4096xf32, #tpu.memory_space<vmem>>[vector<16xi32>], vector<16xf32>,
        %add3A_663 = arith.constant 16 : i32
        %add3A_664 = vector.broadcast %add3A_663 : i32 to vector<16xi32>
        %add3A_665 = arith.addi %and3A_43, %add3A_664 : vector<16xi32>
        %gather3A_666 = tpu.vector_load_idx %arg6[%add3A_421, %add3A_665] : memref<128x32xf32, #tpu.memory_space<vmem>>[vector<16xi32>, vector<16xi32>], vector<16xf32>,
        %add3A_667 = arith.constant 2048 : i32
        %add3A_668 = vector.broadcast %add3A_667 : i32 to vector<16xi32>
        %add3A_669 = arith.addi %add3A_125, %add3A_668 : vector<16xi32>
        %mul3A_670 = arith.constant 16 : i32
        %mul3A_671 = arith.muli %add3A_417, %mul3A_670 : i32
        %add3A_672 = vector.broadcast %mul3A_671 : i32 to vector<16xi32>
        %add3A_673 = arith.addi %add3A_669, %add3A_672 : vector<16xi32>
        tpu.vector_store_idx %arg8[%add3A_673], %gather3A_666 : memref<4096xf32, #tpu.memory_space<vmem>>[vector<16xi32>], vector<16xf32>,
        %add3A_674 = arith.constant 16 : i32
        %add3A_675 = vector.broadcast %add3A_674 : i32 to vector<16xi32>
        %add3A_676 = arith.addi %and3A_49, %add3A_675 : vector<16xi32>
        %gather3A_677 = tpu.vector_load_idx %arg6[%add3A_421, %add3A_676] : memref<128x32xf32, #tpu.memory_space<vmem>>[vector<16xi32>, vector<16xi32>], vector<16xf32>,
        %add3A_678 = arith.constant 2048 : i32
        %add3A_679 = vector.broadcast %add3A_678 : i32 to vector<16xi32>
        %add3A_680 = arith.addi %add3A_129, %add3A_679 : vector<16xi32>
        %mul3A_681 = arith.constant 16 : i32
        %mul3A_682 = arith.muli %add3A_417, %mul3A_681 : i32
        %add3A_683 = vector.broadcast %mul3A_682 : i32 to vector<16xi32>
        %add3A_684 = arith.addi %add3A_680, %add3A_683 : vector<16xi32>
        tpu.vector_store_idx %arg8[%add3A_684], %gather3A_677 : memref<4096xf32, #tpu.memory_space<vmem>>[vector<16xi32>], vector<16xf32>,
        %add3A_685 = arith.constant 16 : i32
        %add3A_686 = vector.broadcast %add3A_685 : i32 to vector<16xi32>
        %add3A_687 = arith.addi %and3A_55, %add3A_686 : vector<16xi32>
        %gather3A_688 = tpu.vector_load_idx %arg6[%add3A_421, %add3A_687] : memref<128x32xf32, #tpu.memory_space<vmem>>[vector<16xi32>, vector<16xi32>], vector<16xf32>,
        %add3A_689 = arith.constant 2048 : i32
        %add3A_690 = vector.broadcast %add3A_689 : i32 to vector<16xi32>
        %add3A_691 = arith.addi %add3A_133, %add3A_690 : vector<16xi32>
        %mul3A_692 = arith.constant 16 : i32
        %mul3A_693 = arith.muli %add3A_417, %mul3A_692 : i32
        %add3A_694 = vector.broadcast %mul3A_693 : i32 to vector<16xi32>
        %add3A_695 = arith.addi %add3A_691, %add3A_694 : vector<16xi32>
        tpu.vector_store_idx %arg8[%add3A_695], %gather3A_688 : memref<4096xf32, #tpu.memory_space<vmem>>[vector<16xi32>], vector<16xf32>,
        %add3A_696 = arith.constant 16 : i32
        %add3A_697 = vector.broadcast %add3A_696 : i32 to vector<16xi32>
        %add3A_698 = arith.addi %and3A_61, %add3A_697 : vector<16xi32>
        %gather3A_699 = tpu.vector_load_idx %arg6[%add3A_421, %add3A_698] : memref<128x32xf32, #tpu.memory_space<vmem>>[vector<16xi32>, vector<16xi32>], vector<16xf32>,
        %add3A_700 = arith.constant 2048 : i32
        %add3A_701 = vector.broadcast %add3A_700 : i32 to vector<16xi32>
        %add3A_702 = arith.addi %add3A_137, %add3A_701 : vector<16xi32>
        %mul3A_703 = arith.constant 16 : i32
        %mul3A_704 = arith.muli %add3A_417, %mul3A_703 : i32
        %add3A_705 = vector.broadcast %mul3A_704 : i32 to vector<16xi32>
        %add3A_706 = arith.addi %add3A_702, %add3A_705 : vector<16xi32>
        tpu.vector_store_idx %arg8[%add3A_706], %gather3A_699 : memref<4096xf32, #tpu.memory_space<vmem>>[vector<16xi32>], vector<16xf32>,
        %add3A_707 = arith.constant 16 : i32
        %add3A_708 = vector.broadcast %add3A_707 : i32 to vector<16xi32>
        %add3A_709 = arith.addi %and3A_67, %add3A_708 : vector<16xi32>
        %gather3A_710 = tpu.vector_load_idx %arg6[%add3A_421, %add3A_709] : memref<128x32xf32, #tpu.memory_space<vmem>>[vector<16xi32>, vector<16xi32>], vector<16xf32>,
        %add3A_711 = arith.constant 2048 : i32
        %add3A_712 = vector.broadcast %add3A_711 : i32 to vector<16xi32>
        %add3A_713 = arith.addi %add3A_141, %add3A_712 : vector<16xi32>
        %mul3A_714 = arith.constant 16 : i32
        %mul3A_715 = arith.muli %add3A_417, %mul3A_714 : i32
        %add3A_716 = vector.broadcast %mul3A_715 : i32 to vector<16xi32>
        %add3A_717 = arith.addi %add3A_713, %add3A_716 : vector<16xi32>
        tpu.vector_store_idx %arg8[%add3A_717], %gather3A_710 : memref<4096xf32, #tpu.memory_space<vmem>>[vector<16xi32>], vector<16xf32>,
        %add3A_718 = arith.constant 16 : i32
        %add3A_719 = vector.broadcast %add3A_718 : i32 to vector<16xi32>
        %add3A_720 = arith.addi %and3A_73, %add3A_719 : vector<16xi32>
        %gather3A_721 = tpu.vector_load_idx %arg6[%add3A_421, %add3A_720] : memref<128x32xf32, #tpu.memory_space<vmem>>[vector<16xi32>, vector<16xi32>], vector<16xf32>,
        %add3A_722 = arith.constant 2048 : i32
        %add3A_723 = vector.broadcast %add3A_722 : i32 to vector<16xi32>
        %add3A_724 = arith.addi %add3A_145, %add3A_723 : vector<16xi32>
        %mul3A_725 = arith.constant 16 : i32
        %mul3A_726 = arith.muli %add3A_417, %mul3A_725 : i32
        %add3A_727 = vector.broadcast %mul3A_726 : i32 to vector<16xi32>
        %add3A_728 = arith.addi %add3A_724, %add3A_727 : vector<16xi32>
        tpu.vector_store_idx %arg8[%add3A_728], %gather3A_721 : memref<4096xf32, #tpu.memory_space<vmem>>[vector<16xi32>], vector<16xf32>,
        %add3A_729 = arith.constant 16 : i32
        %add3A_730 = vector.broadcast %add3A_729 : i32 to vector<16xi32>
        %add3A_731 = arith.addi %and3A_79, %add3A_730 : vector<16xi32>
        %gather3A_732 = tpu.vector_load_idx %arg6[%add3A_421, %add3A_731] : memref<128x32xf32, #tpu.memory_space<vmem>>[vector<16xi32>, vector<16xi32>], vector<16xf32>,
        %add3A_733 = arith.constant 2048 : i32
        %add3A_734 = vector.broadcast %add3A_733 : i32 to vector<16xi32>
        %add3A_735 = arith.addi %add3A_149, %add3A_734 : vector<16xi32>
        %mul3A_736 = arith.constant 16 : i32
        %mul3A_737 = arith.muli %add3A_417, %mul3A_736 : i32
        %add3A_738 = vector.broadcast %mul3A_737 : i32 to vector<16xi32>
        %add3A_739 = arith.addi %add3A_735, %add3A_738 : vector<16xi32>
        tpu.vector_store_idx %arg8[%add3A_739], %gather3A_732 : memref<4096xf32, #tpu.memory_space<vmem>>[vector<16xi32>], vector<16xf32>,
        %add3A_740 = arith.constant 16 : i32
        %add3A_741 = vector.broadcast %add3A_740 : i32 to vector<16xi32>
        %add3A_742 = arith.addi %and3A_85, %add3A_741 : vector<16xi32>
        %gather3A_743 = tpu.vector_load_idx %arg6[%add3A_421, %add3A_742] : memref<128x32xf32, #tpu.memory_space<vmem>>[vector<16xi32>, vector<16xi32>], vector<16xf32>,
        %add3A_744 = arith.constant 2048 : i32
        %add3A_745 = vector.broadcast %add3A_744 : i32 to vector<16xi32>
        %add3A_746 = arith.addi %add3A_153, %add3A_745 : vector<16xi32>
        %mul3A_747 = arith.constant 16 : i32
        %mul3A_748 = arith.muli %add3A_417, %mul3A_747 : i32
        %add3A_749 = vector.broadcast %mul3A_748 : i32 to vector<16xi32>
        %add3A_750 = arith.addi %add3A_746, %add3A_749 : vector<16xi32>
        tpu.vector_store_idx %arg8[%add3A_750], %gather3A_743 : memref<4096xf32, #tpu.memory_space<vmem>>[vector<16xi32>], vector<16xf32>,
        %add3A_751 = arith.constant 16 : i32
        %add3A_752 = vector.broadcast %add3A_751 : i32 to vector<16xi32>
        %add3A_753 = arith.addi %and3A_91, %add3A_752 : vector<16xi32>
        %gather3A_754 = tpu.vector_load_idx %arg6[%add3A_421, %add3A_753] : memref<128x32xf32, #tpu.memory_space<vmem>>[vector<16xi32>, vector<16xi32>], vector<16xf32>,
        %add3A_755 = arith.constant 2048 : i32
        %add3A_756 = vector.broadcast %add3A_755 : i32 to vector<16xi32>
        %add3A_757 = arith.addi %add3A_157, %add3A_756 : vector<16xi32>
        %mul3A_758 = arith.constant 16 : i32
        %mul3A_759 = arith.muli %add3A_417, %mul3A_758 : i32
        %add3A_760 = vector.broadcast %mul3A_759 : i32 to vector<16xi32>
        %add3A_761 = arith.addi %add3A_757, %add3A_760 : vector<16xi32>
        tpu.vector_store_idx %arg8[%add3A_761], %gather3A_754 : memref<4096xf32, #tpu.memory_space<vmem>>[vector<16xi32>], vector<16xf32>,
        %add3A_762 = arith.constant 16 : i32
        %add3A_763 = vector.broadcast %add3A_762 : i32 to vector<16xi32>
        %add3A_764 = arith.addi %and3A_97, %add3A_763 : vector<16xi32>
        %gather3A_765 = tpu.vector_load_idx %arg6[%add3A_421, %add3A_764] : memref<128x32xf32, #tpu.memory_space<vmem>>[vector<16xi32>, vector<16xi32>], vector<16xf32>,
        %add3A_766 = arith.constant 2048 : i32
        %add3A_767 = vector.broadcast %add3A_766 : i32 to vector<16xi32>
        %add3A_768 = arith.addi %add3A_161, %add3A_767 : vector<16xi32>
        %mul3A_769 = arith.constant 16 : i32
        %mul3A_770 = arith.muli %add3A_417, %mul3A_769 : i32
        %add3A_771 = vector.broadcast %mul3A_770 : i32 to vector<16xi32>
        %add3A_772 = arith.addi %add3A_768, %add3A_771 : vector<16xi32>
        tpu.vector_store_idx %arg8[%add3A_772], %gather3A_765 : memref<4096xf32, #tpu.memory_space<vmem>>[vector<16xi32>], vector<16xf32>,
      }
      %scan3A_293 = arith.constant 8 : i32
      %dma_start3A_294 = arith.constant 0 : i32
      %dma_start3A_295 = arith.constant 0 : i32
      %dma_start3A_296 = tpu.memref_slice %arg8[%dma_start3A_295] : memref<4096xf32, #tpu.memory_space<vmem>> -> memref<1024xf32, #tpu.memory_space<vmem>>
      %dma_start3A_297 = arith.constant 0 : i32
      %dma_start3A_298 = tpu.memref_slice %arg4[%add3A_280, %dma_start3A_294, %add3A, %dma_start3A_297] : memref<200x4x32x1024xf32, #tpu.memory_space<hbm>> -> memref<1x1x1x1024xf32, #tpu.memory_space<hbm>>
      %dma_start3A_299 = tpu.memref_squeeze %dma_start3A_298 : memref<1x1x1x1024xf32, #tpu.memory_space<hbm>> -> memref<1024xf32, #tpu.memory_space<hbm>>
      %dma_start3A_300 = arith.constant 0 : i32
      %dma_start3A_301 = tpu.memref_slice %arg4[%add3A_280, %dma_start3A_294, %add3A, %dma_start3A_300] : memref<200x4x32x1024xf32, #tpu.memory_space<hbm>> -> memref<1x1x1x1024xf32, #tpu.memory_space<hbm>>
      %dma_start3A_302 = tpu.memref_squeeze %dma_start3A_301 : memref<1x1x1x1024xf32, #tpu.memory_space<hbm>> -> memref<1024xf32, #tpu.memory_space<hbm>>
      %dma_start3A_303 = arith.constant 0 : i32
      %dma_start3A_304 = tpu.memref_slice %arg8[%dma_start3A_303] : memref<4096xf32, #tpu.memory_space<vmem>> -> memref<1024xf32, #tpu.memory_space<vmem>>
      tpu.enqueue_dma source(%dma_start3A_304 : memref<1024xf32, #tpu.memory_space<vmem>>) target(%dma_start3A_302 : memref<1024xf32, #tpu.memory_space<hbm>>) target_semaphore(%arg12 : memref<!tpu.dma_semaphore, #tpu.memory_space<semaphore_mem>>)
      %dma_start3A_305 = arith.constant 1 : i32
      %dma_start3A_306 = arith.constant 1024 : i32
      %dma_start3A_307 = tpu.memref_slice %arg8[%dma_start3A_306] : memref<4096xf32, #tpu.memory_space<vmem>> -> memref<1024xf32, #tpu.memory_space<vmem>>
      %dma_start3A_308 = arith.constant 0 : i32
      %dma_start3A_309 = tpu.memref_slice %arg4[%add3A_280, %dma_start3A_305, %add3A, %dma_start3A_308] : memref<200x4x32x1024xf32, #tpu.memory_space<hbm>> -> memref<1x1x1x1024xf32, #tpu.memory_space<hbm>>
      %dma_start3A_310 = tpu.memref_squeeze %dma_start3A_309 : memref<1x1x1x1024xf32, #tpu.memory_space<hbm>> -> memref<1024xf32, #tpu.memory_space<hbm>>
      %dma_start3A_311 = arith.constant 0 : i32
      %dma_start3A_312 = tpu.memref_slice %arg4[%add3A_280, %dma_start3A_305, %add3A, %dma_start3A_311] : memref<200x4x32x1024xf32, #tpu.memory_space<hbm>> -> memref<1x1x1x1024xf32, #tpu.memory_space<hbm>>
      %dma_start3A_313 = tpu.memref_squeeze %dma_start3A_312 : memref<1x1x1x1024xf32, #tpu.memory_space<hbm>> -> memref<1024xf32, #tpu.memory_space<hbm>>
      %dma_start3A_314 = arith.constant 1024 : i32
      %dma_start3A_315 = tpu.memref_slice %arg8[%dma_start3A_314] : memref<4096xf32, #tpu.memory_space<vmem>> -> memref<1024xf32, #tpu.memory_space<vmem>>
      tpu.enqueue_dma source(%dma_start3A_315 : memref<1024xf32, #tpu.memory_space<vmem>>) target(%dma_start3A_313 : memref<1024xf32, #tpu.memory_space<hbm>>) target_semaphore(%arg12 : memref<!tpu.dma_semaphore, #tpu.memory_space<semaphore_mem>>)
      %dma_start3A_316 = arith.constant 2 : i32
      %dma_start3A_317 = arith.constant 2048 : i32
      %dma_start3A_318 = tpu.memref_slice %arg8[%dma_start3A_317] : memref<4096xf32, #tpu.memory_space<vmem>> -> memref<1024xf32, #tpu.memory_space<vmem>>
      %dma_start3A_319 = arith.constant 0 : i32
      %dma_start3A_320 = tpu.memref_slice %arg4[%add3A_280, %dma_start3A_316, %add3A, %dma_start3A_319] : memref<200x4x32x1024xf32, #tpu.memory_space<hbm>> -> memref<1x1x1x1024xf32, #tpu.memory_space<hbm>>
      %dma_start3A_321 = tpu.memref_squeeze %dma_start3A_320 : memref<1x1x1x1024xf32, #tpu.memory_space<hbm>> -> memref<1024xf32, #tpu.memory_space<hbm>>
      %dma_start3A_322 = arith.constant 0 : i32
      %dma_start3A_323 = tpu.memref_slice %arg4[%add3A_280, %dma_start3A_316, %add3A, %dma_start3A_322] : memref<200x4x32x1024xf32, #tpu.memory_space<hbm>> -> memref<1x1x1x1024xf32, #tpu.memory_space<hbm>>
      %dma_start3A_324 = tpu.memref_squeeze %dma_start3A_323 : memref<1x1x1x1024xf32, #tpu.memory_space<hbm>> -> memref<1024xf32, #tpu.memory_space<hbm>>
      %dma_start3A_325 = arith.constant 2048 : i32
      %dma_start3A_326 = tpu.memref_slice %arg8[%dma_start3A_325] : memref<4096xf32, #tpu.memory_space<vmem>> -> memref<1024xf32, #tpu.memory_space<vmem>>
      tpu.enqueue_dma source(%dma_start3A_326 : memref<1024xf32, #tpu.memory_space<vmem>>) target(%dma_start3A_324 : memref<1024xf32, #tpu.memory_space<hbm>>) target_semaphore(%arg12 : memref<!tpu.dma_semaphore, #tpu.memory_space<semaphore_mem>>)
      %dma_start3A_327 = arith.constant 3 : i32
      %dma_start3A_328 = arith.constant 3072 : i32
      %dma_start3A_329 = tpu.memref_slice %arg8[%dma_start3A_328] : memref<4096xf32, #tpu.memory_space<vmem>> -> memref<1024xf32, #tpu.memory_space<vmem>>
      %dma_start3A_330 = arith.constant 0 : i32
      %dma_start3A_331 = tpu.memref_slice %arg4[%add3A_280, %dma_start3A_327, %add3A, %dma_start3A_330] : memref<200x4x32x1024xf32, #tpu.memory_space<hbm>> -> memref<1x1x1x1024xf32, #tpu.memory_space<hbm>>
      %dma_start3A_332 = tpu.memref_squeeze %dma_start3A_331 : memref<1x1x1x1024xf32, #tpu.memory_space<hbm>> -> memref<1024xf32, #tpu.memory_space<hbm>>
      %dma_start3A_333 = arith.constant 0 : i32
      %dma_start3A_334 = tpu.memref_slice %arg4[%add3A_280, %dma_start3A_327, %add3A, %dma_start3A_333] : memref<200x4x32x1024xf32, #tpu.memory_space<hbm>> -> memref<1x1x1x1024xf32, #tpu.memory_space<hbm>>
      %dma_start3A_335 = tpu.memref_squeeze %dma_start3A_334 : memref<1x1x1x1024xf32, #tpu.memory_space<hbm>> -> memref<1024xf32, #tpu.memory_space<hbm>>
      %dma_start3A_336 = arith.constant 3072 : i32
      %dma_start3A_337 = tpu.memref_slice %arg8[%dma_start3A_336] : memref<4096xf32, #tpu.memory_space<vmem>> -> memref<1024xf32, #tpu.memory_space<vmem>>
      tpu.enqueue_dma source(%dma_start3A_337 : memref<1024xf32, #tpu.memory_space<vmem>>) target(%dma_start3A_335 : memref<1024xf32, #tpu.memory_space<hbm>>) target_semaphore(%arg12 : memref<!tpu.dma_semaphore, #tpu.memory_space<semaphore_mem>>)
      %add3A_338 = arith.constant 2 : i32
      %add3A_339 = arith.addi %add3A_280, %add3A_338 : i32
      %lt3A = arith.constant 200 : i32
      %lt3A_340 = arith.cmpi slt, %add3A_339, %lt3A : i32
      %convert_element_type3A_341 = arith.extui %lt3A_340 : i1 to i32
      %cond3A_342 = arith.constant 0 : i32
      %cond3A_343 = arith.cmpi ne, %convert_element_type3A_341, %cond3A_342 : i32
      scf.if %cond3A_343 {
        %add3A_413 = arith.constant 2 : i32
        %add3A_414 = arith.addi %add3A_280, %add3A_413 : i32
        %dma_start3A_415 = arith.constant 0 : i32
        %dma_start3A_416 = tpu.memref_slice %arg5[%add3A_414, %dma_start3A_415] : memref<200x128xi32, #tpu.memory_space<vmem>> -> memref<1x128xi32, #tpu.memory_space<vmem>>
        %dma_start3A_417 = tpu.memref_squeeze %dma_start3A_416 : memref<1x128xi32, #tpu.memory_space<vmem>> -> memref<128xi32, #tpu.memory_space<vmem>>
        %dma_start3A_418 = arith.constant 0 : i32
        %dma_start3A_419 = arith.constant 0 : i32
        %dma_start3A_420 = tpu.memref_slice %arg2[%dma_start3A_418, %dma_start3A_419] : memref<1000000x32xf32, #tpu.memory_space<hbm>> -> memref<1000000x32xf32, #tpu.memory_space<hbm>>
        tpu.enqueue_indirect_dma source(%dma_start3A_420 : memref<1000000x32xf32, #tpu.memory_space<hbm>>) target(%arg6 : memref<128x32xf32, #tpu.memory_space<vmem>>) offsets(%dma_start3A_417 : memref<128xi32, #tpu.memory_space<vmem>>) semaphore(%arg10 : memref<!tpu.dma_semaphore, #tpu.memory_space<semaphore_mem>>)
      } else {
      }
      %add3A_344 = arith.constant 1 : i32
      %add3A_345 = arith.addi %add3A_278, %add3A_344 : i32
      %dma_wait3A_346 = arith.constant 0 : i32
      %dma_wait3A_347 = tpu.memref_slice %arg5[%add3A_345, %dma_wait3A_346] : memref<200x128xi32, #tpu.memory_space<vmem>> -> memref<1x128xi32, #tpu.memory_space<vmem>>
      %dma_wait3A_348 = tpu.memref_squeeze %dma_wait3A_347 : memref<1x128xi32, #tpu.memory_space<vmem>> -> memref<128xi32, #tpu.memory_space<vmem>>
      %dma_wait3A_349 = arith.constant 0 : i32
      %dma_wait3A_350 = arith.constant 0 : i32
      %dma_wait3A_351 = tpu.memref_slice %arg2[%dma_wait3A_349, %dma_wait3A_350] : memref<1000000x32xf32, #tpu.memory_space<hbm>> -> memref<1000000x32xf32, #tpu.memory_space<hbm>>
      tpu.wait_indirect_dma semaphore(%arg11 : memref<!tpu.dma_semaphore, #tpu.memory_space<semaphore_mem>>) src(%dma_wait3A_351 : memref<1000000x32xf32, #tpu.memory_space<hbm>>) dst(%arg7 : memref<128x32xf32, #tpu.memory_space<vmem>>)
      %ge3A_352 = arith.constant 2 : i32
      %ge3A_353 = arith.cmpi sge, %add3A_345, %ge3A_352 : i32
      %convert_element_type3A_354 = arith.extui %ge3A_353 : i1 to i32
      %cond3A_355 = arith.constant 0 : i32
      %cond3A_356 = arith.cmpi ne, %convert_element_type3A_354, %cond3A_355 : i32
      scf.if %cond3A_356 {
        %sub3A = arith.constant 2 : i32
        %sub3A_413 = arith.subi %add3A_345, %sub3A : i32
        %dma_wait3A_414 = arith.constant 0 : i32
        %dma_wait3A_415 = arith.constant 0 : i32
        %dma_wait3A_416 = tpu.memref_slice %arg9[%dma_wait3A_415] : memref<4096xf32, #tpu.memory_space<vmem>> -> memref<1024xf32, #tpu.memory_space<vmem>>
        %dma_wait3A_417 = arith.constant 0 : i32
        %dma_wait3A_418 = tpu.memref_slice %arg4[%sub3A_413, %dma_wait3A_414, %add3A, %dma_wait3A_417] : memref<200x4x32x1024xf32, #tpu.memory_space<hbm>> -> memref<1x1x1x1024xf32, #tpu.memory_space<hbm>>
        %dma_wait3A_419 = tpu.memref_squeeze %dma_wait3A_418 : memref<1x1x1x1024xf32, #tpu.memory_space<hbm>> -> memref<1024xf32, #tpu.memory_space<hbm>>
        %dma_wait3A_420 = arith.constant 0 : i32
        %dma_wait3A_421 = tpu.memref_slice %arg4[%sub3A_413, %dma_wait3A_414, %add3A, %dma_wait3A_420] : memref<200x4x32x1024xf32, #tpu.memory_space<hbm>> -> memref<1x1x1x1024xf32, #tpu.memory_space<hbm>>
        %dma_wait3A_422 = tpu.memref_squeeze %dma_wait3A_421 : memref<1x1x1x1024xf32, #tpu.memory_space<hbm>> -> memref<1024xf32, #tpu.memory_space<hbm>>
        %dma_wait3A_423 = arith.constant 0 : i32
        %dma_wait3A_424 = tpu.memref_slice %arg9[%dma_wait3A_423] : memref<4096xf32, #tpu.memory_space<vmem>> -> memref<1024xf32, #tpu.memory_space<vmem>>
        tpu.wait_dma2 semaphore(%arg13 : memref<!tpu.dma_semaphore, #tpu.memory_space<semaphore_mem>>) src(%dma_wait3A_424 : memref<1024xf32, #tpu.memory_space<vmem>>) dst(%dma_wait3A_422 : memref<1024xf32, #tpu.memory_space<hbm>>)
        %dma_wait3A_425 = arith.constant 1 : i32
        %dma_wait3A_426 = arith.constant 1024 : i32
        %dma_wait3A_427 = tpu.memref_slice %arg9[%dma_wait3A_426] : memref<4096xf32, #tpu.memory_space<vmem>> -> memref<1024xf32, #tpu.memory_space<vmem>>
        %dma_wait3A_428 = arith.constant 0 : i32
        %dma_wait3A_429 = tpu.memref_slice %arg4[%sub3A_413, %dma_wait3A_425, %add3A, %dma_wait3A_428] : memref<200x4x32x1024xf32, #tpu.memory_space<hbm>> -> memref<1x1x1x1024xf32, #tpu.memory_space<hbm>>
        %dma_wait3A_430 = tpu.memref_squeeze %dma_wait3A_429 : memref<1x1x1x1024xf32, #tpu.memory_space<hbm>> -> memref<1024xf32, #tpu.memory_space<hbm>>
        %dma_wait3A_431 = arith.constant 0 : i32
        %dma_wait3A_432 = tpu.memref_slice %arg4[%sub3A_413, %dma_wait3A_425, %add3A, %dma_wait3A_431] : memref<200x4x32x1024xf32, #tpu.memory_space<hbm>> -> memref<1x1x1x1024xf32, #tpu.memory_space<hbm>>
        %dma_wait3A_433 = tpu.memref_squeeze %dma_wait3A_432 : memref<1x1x1x1024xf32, #tpu.memory_space<hbm>> -> memref<1024xf32, #tpu.memory_space<hbm>>
        %dma_wait3A_434 = arith.constant 1024 : i32
        %dma_wait3A_435 = tpu.memref_slice %arg9[%dma_wait3A_434] : memref<4096xf32, #tpu.memory_space<vmem>> -> memref<1024xf32, #tpu.memory_space<vmem>>
        tpu.wait_dma2 semaphore(%arg13 : memref<!tpu.dma_semaphore, #tpu.memory_space<semaphore_mem>>) src(%dma_wait3A_435 : memref<1024xf32, #tpu.memory_space<vmem>>) dst(%dma_wait3A_433 : memref<1024xf32, #tpu.memory_space<hbm>>)
        %dma_wait3A_436 = arith.constant 2 : i32
        %dma_wait3A_437 = arith.constant 2048 : i32
        %dma_wait3A_438 = tpu.memref_slice %arg9[%dma_wait3A_437] : memref<4096xf32, #tpu.memory_space<vmem>> -> memref<1024xf32, #tpu.memory_space<vmem>>
        %dma_wait3A_439 = arith.constant 0 : i32
        %dma_wait3A_440 = tpu.memref_slice %arg4[%sub3A_413, %dma_wait3A_436, %add3A, %dma_wait3A_439] : memref<200x4x32x1024xf32, #tpu.memory_space<hbm>> -> memref<1x1x1x1024xf32, #tpu.memory_space<hbm>>
        %dma_wait3A_441 = tpu.memref_squeeze %dma_wait3A_440 : memref<1x1x1x1024xf32, #tpu.memory_space<hbm>> -> memref<1024xf32, #tpu.memory_space<hbm>>
        %dma_wait3A_442 = arith.constant 0 : i32
        %dma_wait3A_443 = tpu.memref_slice %arg4[%sub3A_413, %dma_wait3A_436, %add3A, %dma_wait3A_442] : memref<200x4x32x1024xf32, #tpu.memory_space<hbm>> -> memref<1x1x1x1024xf32, #tpu.memory_space<hbm>>
        %dma_wait3A_444 = tpu.memref_squeeze %dma_wait3A_443 : memref<1x1x1x1024xf32, #tpu.memory_space<hbm>> -> memref<1024xf32, #tpu.memory_space<hbm>>
        %dma_wait3A_445 = arith.constant 2048 : i32
        %dma_wait3A_446 = tpu.memref_slice %arg9[%dma_wait3A_445] : memref<4096xf32, #tpu.memory_space<vmem>> -> memref<1024xf32, #tpu.memory_space<vmem>>
        tpu.wait_dma2 semaphore(%arg13 : memref<!tpu.dma_semaphore, #tpu.memory_space<semaphore_mem>>) src(%dma_wait3A_446 : memref<1024xf32, #tpu.memory_space<vmem>>) dst(%dma_wait3A_444 : memref<1024xf32, #tpu.memory_space<hbm>>)
        %dma_wait3A_447 = arith.constant 3 : i32
        %dma_wait3A_448 = arith.constant 3072 : i32
        %dma_wait3A_449 = tpu.memref_slice %arg9[%dma_wait3A_448] : memref<4096xf32, #tpu.memory_space<vmem>> -> memref<1024xf32, #tpu.memory_space<vmem>>
        %dma_wait3A_450 = arith.constant 0 : i32
        %dma_wait3A_451 = tpu.memref_slice %arg4[%sub3A_413, %dma_wait3A_447, %add3A, %dma_wait3A_450] : memref<200x4x32x1024xf32, #tpu.memory_space<hbm>> -> memref<1x1x1x1024xf32, #tpu.memory_space<hbm>>
        %dma_wait3A_452 = tpu.memref_squeeze %dma_wait3A_451 : memref<1x1x1x1024xf32, #tpu.memory_space<hbm>> -> memref<1024xf32, #tpu.memory_space<hbm>>
        %dma_wait3A_453 = arith.constant 0 : i32
        %dma_wait3A_454 = tpu.memref_slice %arg4[%sub3A_413, %dma_wait3A_447, %add3A, %dma_wait3A_453] : memref<200x4x32x1024xf32, #tpu.memory_space<hbm>> -> memref<1x1x1x1024xf32, #tpu.memory_space<hbm>>
        %dma_wait3A_455 = tpu.memref_squeeze %dma_wait3A_454 : memref<1x1x1x1024xf32, #tpu.memory_space<hbm>> -> memref<1024xf32, #tpu.memory_space<hbm>>
        %dma_wait3A_456 = arith.constant 3072 : i32
        %dma_wait3A_457 = tpu.memref_slice %arg9[%dma_wait3A_456] : memref<4096xf32, #tpu.memory_space<vmem>> -> memref<1024xf32, #tpu.memory_space<vmem>>
        tpu.wait_dma2 semaphore(%arg13 : memref<!tpu.dma_semaphore, #tpu.memory_space<semaphore_mem>>) src(%dma_wait3A_457 : memref<1024xf32, #tpu.memory_space<vmem>>) dst(%dma_wait3A_455 : memref<1024xf32, #tpu.memory_space<hbm>>)
      } else {
      }
      %scan3A_357 = arith.constant 0 : i32
      %scan3A_358 = arith.constant 8 : i32
      %scan3A_359 = arith.addi %scan3A_357, %scan3A_358 : i32
      %scan3A_360 = arith.constant 1 : i32
      scf.for %scan3A_413 = %scan3A_357 to %scan3A_359 step %scan3A_360  : i32 {
        %mul3A_414 = arith.constant 1 : i32
        %mul3A_415 = arith.muli %scan3A_413, %mul3A_414 : i32
        %add3A_416 = arith.constant 0 : i32
        %add3A_417 = arith.addi %add3A_416, %mul3A_415 : i32
        %mul3A_418 = arith.constant 16 : i32
        %mul3A_419 = arith.muli %add3A_417, %mul3A_418 : i32
        %add3A_420 = vector.broadcast %mul3A_419 : i32 to vector<16xi32>
        %add3A_421 = arith.addi %iota3A, %add3A_420 : vector<16xi32>
        %add3A_422 = arith.constant 0 : i32
        %add3A_423 = vector.broadcast %add3A_422 : i32 to vector<16xi32>
        %add3A_424 = arith.addi %and3A_7, %add3A_423 : vector<16xi32>
        %gather3A = tpu.vector_load_idx %arg7[%add3A_421, %add3A_424] : memref<128x32xf32, #tpu.memory_space<vmem>>[vector<16xi32>, vector<16xi32>], vector<16xf32>,
        %add3A_425 = arith.constant 0 : i32
        %add3A_426 = vector.broadcast %add3A_425 : i32 to vector<16xi32>
        %add3A_427 = arith.addi %add3A_101, %add3A_426 : vector<16xi32>
        %mul3A_428 = arith.constant 16 : i32
        %mul3A_429 = arith.muli %add3A_417, %mul3A_428 : i32
        %add3A_430 = vector.broadcast %mul3A_429 : i32 to vector<16xi32>
        %add3A_431 = arith.addi %add3A_427, %add3A_430 : vector<16xi32>
        tpu.vector_store_idx %arg9[%add3A_431], %gather3A : memref<4096xf32, #tpu.memory_space<vmem>>[vector<16xi32>], vector<16xf32>,
        %add3A_432 = arith.constant 0 : i32
        %add3A_433 = vector.broadcast %add3A_432 : i32 to vector<16xi32>
        %add3A_434 = arith.addi %and3A_13, %add3A_433 : vector<16xi32>
        %gather3A_435 = tpu.vector_load_idx %arg7[%add3A_421, %add3A_434] : memref<128x32xf32, #tpu.memory_space<vmem>>[vector<16xi32>, vector<16xi32>], vector<16xf32>,
        %add3A_436 = arith.constant 0 : i32
        %add3A_437 = vector.broadcast %add3A_436 : i32 to vector<16xi32>
        %add3A_438 = arith.addi %add3A_105, %add3A_437 : vector<16xi32>
        %mul3A_439 = arith.constant 16 : i32
        %mul3A_440 = arith.muli %add3A_417, %mul3A_439 : i32
        %add3A_441 = vector.broadcast %mul3A_440 : i32 to vector<16xi32>
        %add3A_442 = arith.addi %add3A_438, %add3A_441 : vector<16xi32>
        tpu.vector_store_idx %arg9[%add3A_442], %gather3A_435 : memref<4096xf32, #tpu.memory_space<vmem>>[vector<16xi32>], vector<16xf32>,
        %add3A_443 = arith.constant 0 : i32
        %add3A_444 = vector.broadcast %add3A_443 : i32 to vector<16xi32>
        %add3A_445 = arith.addi %and3A_19, %add3A_444 : vector<16xi32>
        %gather3A_446 = tpu.vector_load_idx %arg7[%add3A_421, %add3A_445] : memref<128x32xf32, #tpu.memory_space<vmem>>[vector<16xi32>, vector<16xi32>], vector<16xf32>,
        %add3A_447 = arith.constant 0 : i32
        %add3A_448 = vector.broadcast %add3A_447 : i32 to vector<16xi32>
        %add3A_449 = arith.addi %add3A_109, %add3A_448 : vector<16xi32>
        %mul3A_450 = arith.constant 16 : i32
        %mul3A_451 = arith.muli %add3A_417, %mul3A_450 : i32
        %add3A_452 = vector.broadcast %mul3A_451 : i32 to vector<16xi32>
        %add3A_453 = arith.addi %add3A_449, %add3A_452 : vector<16xi32>
        tpu.vector_store_idx %arg9[%add3A_453], %gather3A_446 : memref<4096xf32, #tpu.memory_space<vmem>>[vector<16xi32>], vector<16xf32>,
        %add3A_454 = arith.constant 0 : i32
        %add3A_455 = vector.broadcast %add3A_454 : i32 to vector<16xi32>
        %add3A_456 = arith.addi %and3A_25, %add3A_455 : vector<16xi32>
        %gather3A_457 = tpu.vector_load_idx %arg7[%add3A_421, %add3A_456] : memref<128x32xf32, #tpu.memory_space<vmem>>[vector<16xi32>, vector<16xi32>], vector<16xf32>,
        %add3A_458 = arith.constant 0 : i32
        %add3A_459 = vector.broadcast %add3A_458 : i32 to vector<16xi32>
        %add3A_460 = arith.addi %add3A_113, %add3A_459 : vector<16xi32>
        %mul3A_461 = arith.constant 16 : i32
        %mul3A_462 = arith.muli %add3A_417, %mul3A_461 : i32
        %add3A_463 = vector.broadcast %mul3A_462 : i32 to vector<16xi32>
        %add3A_464 = arith.addi %add3A_460, %add3A_463 : vector<16xi32>
        tpu.vector_store_idx %arg9[%add3A_464], %gather3A_457 : memref<4096xf32, #tpu.memory_space<vmem>>[vector<16xi32>], vector<16xf32>,
        %add3A_465 = arith.constant 0 : i32
        %add3A_466 = vector.broadcast %add3A_465 : i32 to vector<16xi32>
        %add3A_467 = arith.addi %and3A_31, %add3A_466 : vector<16xi32>
        %gather3A_468 = tpu.vector_load_idx %arg7[%add3A_421, %add3A_467] : memref<128x32xf32, #tpu.memory_space<vmem>>[vector<16xi32>, vector<16xi32>], vector<16xf32>,
        %add3A_469 = arith.constant 0 : i32
        %add3A_470 = vector.broadcast %add3A_469 : i32 to vector<16xi32>
        %add3A_471 = arith.addi %add3A_117, %add3A_470 : vector<16xi32>
        %mul3A_472 = arith.constant 16 : i32
        %mul3A_473 = arith.muli %add3A_417, %mul3A_472 : i32
        %add3A_474 = vector.broadcast %mul3A_473 : i32 to vector<16xi32>
        %add3A_475 = arith.addi %add3A_471, %add3A_474 : vector<16xi32>
        tpu.vector_store_idx %arg9[%add3A_475], %gather3A_468 : memref<4096xf32, #tpu.memory_space<vmem>>[vector<16xi32>], vector<16xf32>,
        %add3A_476 = arith.constant 0 : i32
        %add3A_477 = vector.broadcast %add3A_476 : i32 to vector<16xi32>
        %add3A_478 = arith.addi %and3A_37, %add3A_477 : vector<16xi32>
        %gather3A_479 = tpu.vector_load_idx %arg7[%add3A_421, %add3A_478] : memref<128x32xf32, #tpu.memory_space<vmem>>[vector<16xi32>, vector<16xi32>], vector<16xf32>,
        %add3A_480 = arith.constant 0 : i32
        %add3A_481 = vector.broadcast %add3A_480 : i32 to vector<16xi32>
        %add3A_482 = arith.addi %add3A_121, %add3A_481 : vector<16xi32>
        %mul3A_483 = arith.constant 16 : i32
        %mul3A_484 = arith.muli %add3A_417, %mul3A_483 : i32
        %add3A_485 = vector.broadcast %mul3A_484 : i32 to vector<16xi32>
        %add3A_486 = arith.addi %add3A_482, %add3A_485 : vector<16xi32>
        tpu.vector_store_idx %arg9[%add3A_486], %gather3A_479 : memref<4096xf32, #tpu.memory_space<vmem>>[vector<16xi32>], vector<16xf32>,
        %add3A_487 = arith.constant 0 : i32
        %add3A_488 = vector.broadcast %add3A_487 : i32 to vector<16xi32>
        %add3A_489 = arith.addi %and3A_43, %add3A_488 : vector<16xi32>
        %gather3A_490 = tpu.vector_load_idx %arg7[%add3A_421, %add3A_489] : memref<128x32xf32, #tpu.memory_space<vmem>>[vector<16xi32>, vector<16xi32>], vector<16xf32>,
        %add3A_491 = arith.constant 0 : i32
        %add3A_492 = vector.broadcast %add3A_491 : i32 to vector<16xi32>
        %add3A_493 = arith.addi %add3A_125, %add3A_492 : vector<16xi32>
        %mul3A_494 = arith.constant 16 : i32
        %mul3A_495 = arith.muli %add3A_417, %mul3A_494 : i32
        %add3A_496 = vector.broadcast %mul3A_495 : i32 to vector<16xi32>
        %add3A_497 = arith.addi %add3A_493, %add3A_496 : vector<16xi32>
        tpu.vector_store_idx %arg9[%add3A_497], %gather3A_490 : memref<4096xf32, #tpu.memory_space<vmem>>[vector<16xi32>], vector<16xf32>,
        %add3A_498 = arith.constant 0 : i32
        %add3A_499 = vector.broadcast %add3A_498 : i32 to vector<16xi32>
        %add3A_500 = arith.addi %and3A_49, %add3A_499 : vector<16xi32>
        %gather3A_501 = tpu.vector_load_idx %arg7[%add3A_421, %add3A_500] : memref<128x32xf32, #tpu.memory_space<vmem>>[vector<16xi32>, vector<16xi32>], vector<16xf32>,
        %add3A_502 = arith.constant 0 : i32
        %add3A_503 = vector.broadcast %add3A_502 : i32 to vector<16xi32>
        %add3A_504 = arith.addi %add3A_129, %add3A_503 : vector<16xi32>
        %mul3A_505 = arith.constant 16 : i32
        %mul3A_506 = arith.muli %add3A_417, %mul3A_505 : i32
        %add3A_507 = vector.broadcast %mul3A_506 : i32 to vector<16xi32>
        %add3A_508 = arith.addi %add3A_504, %add3A_507 : vector<16xi32>
        tpu.vector_store_idx %arg9[%add3A_508], %gather3A_501 : memref<4096xf32, #tpu.memory_space<vmem>>[vector<16xi32>], vector<16xf32>,
        %add3A_509 = arith.constant 0 : i32
        %add3A_510 = vector.broadcast %add3A_509 : i32 to vector<16xi32>
        %add3A_511 = arith.addi %and3A_55, %add3A_510 : vector<16xi32>
        %gather3A_512 = tpu.vector_load_idx %arg7[%add3A_421, %add3A_511] : memref<128x32xf32, #tpu.memory_space<vmem>>[vector<16xi32>, vector<16xi32>], vector<16xf32>,
        %add3A_513 = arith.constant 0 : i32
        %add3A_514 = vector.broadcast %add3A_513 : i32 to vector<16xi32>
        %add3A_515 = arith.addi %add3A_133, %add3A_514 : vector<16xi32>
        %mul3A_516 = arith.constant 16 : i32
        %mul3A_517 = arith.muli %add3A_417, %mul3A_516 : i32
        %add3A_518 = vector.broadcast %mul3A_517 : i32 to vector<16xi32>
        %add3A_519 = arith.addi %add3A_515, %add3A_518 : vector<16xi32>
        tpu.vector_store_idx %arg9[%add3A_519], %gather3A_512 : memref<4096xf32, #tpu.memory_space<vmem>>[vector<16xi32>], vector<16xf32>,
        %add3A_520 = arith.constant 0 : i32
        %add3A_521 = vector.broadcast %add3A_520 : i32 to vector<16xi32>
        %add3A_522 = arith.addi %and3A_61, %add3A_521 : vector<16xi32>
        %gather3A_523 = tpu.vector_load_idx %arg7[%add3A_421, %add3A_522] : memref<128x32xf32, #tpu.memory_space<vmem>>[vector<16xi32>, vector<16xi32>], vector<16xf32>,
        %add3A_524 = arith.constant 0 : i32
        %add3A_525 = vector.broadcast %add3A_524 : i32 to vector<16xi32>
        %add3A_526 = arith.addi %add3A_137, %add3A_525 : vector<16xi32>
        %mul3A_527 = arith.constant 16 : i32
        %mul3A_528 = arith.muli %add3A_417, %mul3A_527 : i32
        %add3A_529 = vector.broadcast %mul3A_528 : i32 to vector<16xi32>
        %add3A_530 = arith.addi %add3A_526, %add3A_529 : vector<16xi32>
        tpu.vector_store_idx %arg9[%add3A_530], %gather3A_523 : memref<4096xf32, #tpu.memory_space<vmem>>[vector<16xi32>], vector<16xf32>,
        %add3A_531 = arith.constant 0 : i32
        %add3A_532 = vector.broadcast %add3A_531 : i32 to vector<16xi32>
        %add3A_533 = arith.addi %and3A_67, %add3A_532 : vector<16xi32>
        %gather3A_534 = tpu.vector_load_idx %arg7[%add3A_421, %add3A_533] : memref<128x32xf32, #tpu.memory_space<vmem>>[vector<16xi32>, vector<16xi32>], vector<16xf32>,
        %add3A_535 = arith.constant 0 : i32
        %add3A_536 = vector.broadcast %add3A_535 : i32 to vector<16xi32>
        %add3A_537 = arith.addi %add3A_141, %add3A_536 : vector<16xi32>
        %mul3A_538 = arith.constant 16 : i32
        %mul3A_539 = arith.muli %add3A_417, %mul3A_538 : i32
        %add3A_540 = vector.broadcast %mul3A_539 : i32 to vector<16xi32>
        %add3A_541 = arith.addi %add3A_537, %add3A_540 : vector<16xi32>
        tpu.vector_store_idx %arg9[%add3A_541], %gather3A_534 : memref<4096xf32, #tpu.memory_space<vmem>>[vector<16xi32>], vector<16xf32>,
        %add3A_542 = arith.constant 0 : i32
        %add3A_543 = vector.broadcast %add3A_542 : i32 to vector<16xi32>
        %add3A_544 = arith.addi %and3A_73, %add3A_543 : vector<16xi32>
        %gather3A_545 = tpu.vector_load_idx %arg7[%add3A_421, %add3A_544] : memref<128x32xf32, #tpu.memory_space<vmem>>[vector<16xi32>, vector<16xi32>], vector<16xf32>,
        %add3A_546 = arith.constant 0 : i32
        %add3A_547 = vector.broadcast %add3A_546 : i32 to vector<16xi32>
        %add3A_548 = arith.addi %add3A_145, %add3A_547 : vector<16xi32>
        %mul3A_549 = arith.constant 16 : i32
        %mul3A_550 = arith.muli %add3A_417, %mul3A_549 : i32
        %add3A_551 = vector.broadcast %mul3A_550 : i32 to vector<16xi32>
        %add3A_552 = arith.addi %add3A_548, %add3A_551 : vector<16xi32>
        tpu.vector_store_idx %arg9[%add3A_552], %gather3A_545 : memref<4096xf32, #tpu.memory_space<vmem>>[vector<16xi32>], vector<16xf32>,
        %add3A_553 = arith.constant 0 : i32
        %add3A_554 = vector.broadcast %add3A_553 : i32 to vector<16xi32>
        %add3A_555 = arith.addi %and3A_79, %add3A_554 : vector<16xi32>
        %gather3A_556 = tpu.vector_load_idx %arg7[%add3A_421, %add3A_555] : memref<128x32xf32, #tpu.memory_space<vmem>>[vector<16xi32>, vector<16xi32>], vector<16xf32>,
        %add3A_557 = arith.constant 0 : i32
        %add3A_558 = vector.broadcast %add3A_557 : i32 to vector<16xi32>
        %add3A_559 = arith.addi %add3A_149, %add3A_558 : vector<16xi32>
        %mul3A_560 = arith.constant 16 : i32
        %mul3A_561 = arith.muli %add3A_417, %mul3A_560 : i32
        %add3A_562 = vector.broadcast %mul3A_561 : i32 to vector<16xi32>
        %add3A_563 = arith.addi %add3A_559, %add3A_562 : vector<16xi32>
        tpu.vector_store_idx %arg9[%add3A_563], %gather3A_556 : memref<4096xf32, #tpu.memory_space<vmem>>[vector<16xi32>], vector<16xf32>,
        %add3A_564 = arith.constant 0 : i32
        %add3A_565 = vector.broadcast %add3A_564 : i32 to vector<16xi32>
        %add3A_566 = arith.addi %and3A_85, %add3A_565 : vector<16xi32>
        %gather3A_567 = tpu.vector_load_idx %arg7[%add3A_421, %add3A_566] : memref<128x32xf32, #tpu.memory_space<vmem>>[vector<16xi32>, vector<16xi32>], vector<16xf32>,
        %add3A_568 = arith.constant 0 : i32
        %add3A_569 = vector.broadcast %add3A_568 : i32 to vector<16xi32>
        %add3A_570 = arith.addi %add3A_153, %add3A_569 : vector<16xi32>
        %mul3A_571 = arith.constant 16 : i32
        %mul3A_572 = arith.muli %add3A_417, %mul3A_571 : i32
        %add3A_573 = vector.broadcast %mul3A_572 : i32 to vector<16xi32>
        %add3A_574 = arith.addi %add3A_570, %add3A_573 : vector<16xi32>
        tpu.vector_store_idx %arg9[%add3A_574], %gather3A_567 : memref<4096xf32, #tpu.memory_space<vmem>>[vector<16xi32>], vector<16xf32>,
        %add3A_575 = arith.constant 0 : i32
        %add3A_576 = vector.broadcast %add3A_575 : i32 to vector<16xi32>
        %add3A_577 = arith.addi %and3A_91, %add3A_576 : vector<16xi32>
        %gather3A_578 = tpu.vector_load_idx %arg7[%add3A_421, %add3A_577] : memref<128x32xf32, #tpu.memory_space<vmem>>[vector<16xi32>, vector<16xi32>], vector<16xf32>,
        %add3A_579 = arith.constant 0 : i32
        %add3A_580 = vector.broadcast %add3A_579 : i32 to vector<16xi32>
        %add3A_581 = arith.addi %add3A_157, %add3A_580 : vector<16xi32>
        %mul3A_582 = arith.constant 16 : i32
        %mul3A_583 = arith.muli %add3A_417, %mul3A_582 : i32
        %add3A_584 = vector.broadcast %mul3A_583 : i32 to vector<16xi32>
        %add3A_585 = arith.addi %add3A_581, %add3A_584 : vector<16xi32>
        tpu.vector_store_idx %arg9[%add3A_585], %gather3A_578 : memref<4096xf32, #tpu.memory_space<vmem>>[vector<16xi32>], vector<16xf32>,
        %add3A_586 = arith.constant 0 : i32
        %add3A_587 = vector.broadcast %add3A_586 : i32 to vector<16xi32>
        %add3A_588 = arith.addi %and3A_97, %add3A_587 : vector<16xi32>
        %gather3A_589 = tpu.vector_load_idx %arg7[%add3A_421, %add3A_588] : memref<128x32xf32, #tpu.memory_space<vmem>>[vector<16xi32>, vector<16xi32>], vector<16xf32>,
        %add3A_590 = arith.constant 0 : i32
        %add3A_591 = vector.broadcast %add3A_590 : i32 to vector<16xi32>
        %add3A_592 = arith.addi %add3A_161, %add3A_591 : vector<16xi32>
        %mul3A_593 = arith.constant 16 : i32
        %mul3A_594 = arith.muli %add3A_417, %mul3A_593 : i32
        %add3A_595 = vector.broadcast %mul3A_594 : i32 to vector<16xi32>
        %add3A_596 = arith.addi %add3A_592, %add3A_595 : vector<16xi32>
        tpu.vector_store_idx %arg9[%add3A_596], %gather3A_589 : memref<4096xf32, #tpu.memory_space<vmem>>[vector<16xi32>], vector<16xf32>,
        %add3A_597 = arith.constant 16 : i32
        %add3A_598 = vector.broadcast %add3A_597 : i32 to vector<16xi32>
        %add3A_599 = arith.addi %and3A_7, %add3A_598 : vector<16xi32>
        %gather3A_600 = tpu.vector_load_idx %arg7[%add3A_421, %add3A_599] : memref<128x32xf32, #tpu.memory_space<vmem>>[vector<16xi32>, vector<16xi32>], vector<16xf32>,
        %add3A_601 = arith.constant 2048 : i32
        %add3A_602 = vector.broadcast %add3A_601 : i32 to vector<16xi32>
        %add3A_603 = arith.addi %add3A_101, %add3A_602 : vector<16xi32>
        %mul3A_604 = arith.constant 16 : i32
        %mul3A_605 = arith.muli %add3A_417, %mul3A_604 : i32
        %add3A_606 = vector.broadcast %mul3A_605 : i32 to vector<16xi32>
        %add3A_607 = arith.addi %add3A_603, %add3A_606 : vector<16xi32>
        tpu.vector_store_idx %arg9[%add3A_607], %gather3A_600 : memref<4096xf32, #tpu.memory_space<vmem>>[vector<16xi32>], vector<16xf32>,
        %add3A_608 = arith.constant 16 : i32
        %add3A_609 = vector.broadcast %add3A_608 : i32 to vector<16xi32>
        %add3A_610 = arith.addi %and3A_13, %add3A_609 : vector<16xi32>
        %gather3A_611 = tpu.vector_load_idx %arg7[%add3A_421, %add3A_610] : memref<128x32xf32, #tpu.memory_space<vmem>>[vector<16xi32>, vector<16xi32>], vector<16xf32>,
        %add3A_612 = arith.constant 2048 : i32
        %add3A_613 = vector.broadcast %add3A_612 : i32 to vector<16xi32>
        %add3A_614 = arith.addi %add3A_105, %add3A_613 : vector<16xi32>
        %mul3A_615 = arith.constant 16 : i32
        %mul3A_616 = arith.muli %add3A_417, %mul3A_615 : i32
        %add3A_617 = vector.broadcast %mul3A_616 : i32 to vector<16xi32>
        %add3A_618 = arith.addi %add3A_614, %add3A_617 : vector<16xi32>
        tpu.vector_store_idx %arg9[%add3A_618], %gather3A_611 : memref<4096xf32, #tpu.memory_space<vmem>>[vector<16xi32>], vector<16xf32>,
        %add3A_619 = arith.constant 16 : i32
        %add3A_620 = vector.broadcast %add3A_619 : i32 to vector<16xi32>
        %add3A_621 = arith.addi %and3A_19, %add3A_620 : vector<16xi32>
        %gather3A_622 = tpu.vector_load_idx %arg7[%add3A_421, %add3A_621] : memref<128x32xf32, #tpu.memory_space<vmem>>[vector<16xi32>, vector<16xi32>], vector<16xf32>,
        %add3A_623 = arith.constant 2048 : i32
        %add3A_624 = vector.broadcast %add3A_623 : i32 to vector<16xi32>
        %add3A_625 = arith.addi %add3A_109, %add3A_624 : vector<16xi32>
        %mul3A_626 = arith.constant 16 : i32
        %mul3A_627 = arith.muli %add3A_417, %mul3A_626 : i32
        %add3A_628 = vector.broadcast %mul3A_627 : i32 to vector<16xi32>
        %add3A_629 = arith.addi %add3A_625, %add3A_628 : vector<16xi32>
        tpu.vector_store_idx %arg9[%add3A_629], %gather3A_622 : memref<4096xf32, #tpu.memory_space<vmem>>[vector<16xi32>], vector<16xf32>,
        %add3A_630 = arith.constant 16 : i32
        %add3A_631 = vector.broadcast %add3A_630 : i32 to vector<16xi32>
        %add3A_632 = arith.addi %and3A_25, %add3A_631 : vector<16xi32>
        %gather3A_633 = tpu.vector_load_idx %arg7[%add3A_421, %add3A_632] : memref<128x32xf32, #tpu.memory_space<vmem>>[vector<16xi32>, vector<16xi32>], vector<16xf32>,
        %add3A_634 = arith.constant 2048 : i32
        %add3A_635 = vector.broadcast %add3A_634 : i32 to vector<16xi32>
        %add3A_636 = arith.addi %add3A_113, %add3A_635 : vector<16xi32>
        %mul3A_637 = arith.constant 16 : i32
        %mul3A_638 = arith.muli %add3A_417, %mul3A_637 : i32
        %add3A_639 = vector.broadcast %mul3A_638 : i32 to vector<16xi32>
        %add3A_640 = arith.addi %add3A_636, %add3A_639 : vector<16xi32>
        tpu.vector_store_idx %arg9[%add3A_640], %gather3A_633 : memref<4096xf32, #tpu.memory_space<vmem>>[vector<16xi32>], vector<16xf32>,
        %add3A_641 = arith.constant 16 : i32
        %add3A_642 = vector.broadcast %add3A_641 : i32 to vector<16xi32>
        %add3A_643 = arith.addi %and3A_31, %add3A_642 : vector<16xi32>
        %gather3A_644 = tpu.vector_load_idx %arg7[%add3A_421, %add3A_643] : memref<128x32xf32, #tpu.memory_space<vmem>>[vector<16xi32>, vector<16xi32>], vector<16xf32>,
        %add3A_645 = arith.constant 2048 : i32
        %add3A_646 = vector.broadcast %add3A_645 : i32 to vector<16xi32>
        %add3A_647 = arith.addi %add3A_117, %add3A_646 : vector<16xi32>
        %mul3A_648 = arith.constant 16 : i32
        %mul3A_649 = arith.muli %add3A_417, %mul3A_648 : i32
        %add3A_650 = vector.broadcast %mul3A_649 : i32 to vector<16xi32>
        %add3A_651 = arith.addi %add3A_647, %add3A_650 : vector<16xi32>
        tpu.vector_store_idx %arg9[%add3A_651], %gather3A_644 : memref<4096xf32, #tpu.memory_space<vmem>>[vector<16xi32>], vector<16xf32>,
        %add3A_652 = arith.constant 16 : i32
        %add3A_653 = vector.broadcast %add3A_652 : i32 to vector<16xi32>
        %add3A_654 = arith.addi %and3A_37, %add3A_653 : vector<16xi32>
        %gather3A_655 = tpu.vector_load_idx %arg7[%add3A_421, %add3A_654] : memref<128x32xf32, #tpu.memory_space<vmem>>[vector<16xi32>, vector<16xi32>], vector<16xf32>,
        %add3A_656 = arith.constant 2048 : i32
        %add3A_657 = vector.broadcast %add3A_656 : i32 to vector<16xi32>
        %add3A_658 = arith.addi %add3A_121, %add3A_657 : vector<16xi32>
        %mul3A_659 = arith.constant 16 : i32
        %mul3A_660 = arith.muli %add3A_417, %mul3A_659 : i32
        %add3A_661 = vector.broadcast %mul3A_660 : i32 to vector<16xi32>
        %add3A_662 = arith.addi %add3A_658, %add3A_661 : vector<16xi32>
        tpu.vector_store_idx %arg9[%add3A_662], %gather3A_655 : memref<4096xf32, #tpu.memory_space<vmem>>[vector<16xi32>], vector<16xf32>,
        %add3A_663 = arith.constant 16 : i32
        %add3A_664 = vector.broadcast %add3A_663 : i32 to vector<16xi32>
        %add3A_665 = arith.addi %and3A_43, %add3A_664 : vector<16xi32>
        %gather3A_666 = tpu.vector_load_idx %arg7[%add3A_421, %add3A_665] : memref<128x32xf32, #tpu.memory_space<vmem>>[vector<16xi32>, vector<16xi32>], vector<16xf32>,
        %add3A_667 = arith.constant 2048 : i32
        %add3A_668 = vector.broadcast %add3A_667 : i32 to vector<16xi32>
        %add3A_669 = arith.addi %add3A_125, %add3A_668 : vector<16xi32>
        %mul3A_670 = arith.constant 16 : i32
        %mul3A_671 = arith.muli %add3A_417, %mul3A_670 : i32
        %add3A_672 = vector.broadcast %mul3A_671 : i32 to vector<16xi32>
        %add3A_673 = arith.addi %add3A_669, %add3A_672 : vector<16xi32>
        tpu.vector_store_idx %arg9[%add3A_673], %gather3A_666 : memref<4096xf32, #tpu.memory_space<vmem>>[vector<16xi32>], vector<16xf32>,
        %add3A_674 = arith.constant 16 : i32
        %add3A_675 = vector.broadcast %add3A_674 : i32 to vector<16xi32>
        %add3A_676 = arith.addi %and3A_49, %add3A_675 : vector<16xi32>
        %gather3A_677 = tpu.vector_load_idx %arg7[%add3A_421, %add3A_676] : memref<128x32xf32, #tpu.memory_space<vmem>>[vector<16xi32>, vector<16xi32>], vector<16xf32>,
        %add3A_678 = arith.constant 2048 : i32
        %add3A_679 = vector.broadcast %add3A_678 : i32 to vector<16xi32>
        %add3A_680 = arith.addi %add3A_129, %add3A_679 : vector<16xi32>
        %mul3A_681 = arith.constant 16 : i32
        %mul3A_682 = arith.muli %add3A_417, %mul3A_681 : i32
        %add3A_683 = vector.broadcast %mul3A_682 : i32 to vector<16xi32>
        %add3A_684 = arith.addi %add3A_680, %add3A_683 : vector<16xi32>
        tpu.vector_store_idx %arg9[%add3A_684], %gather3A_677 : memref<4096xf32, #tpu.memory_space<vmem>>[vector<16xi32>], vector<16xf32>,
        %add3A_685 = arith.constant 16 : i32
        %add3A_686 = vector.broadcast %add3A_685 : i32 to vector<16xi32>
        %add3A_687 = arith.addi %and3A_55, %add3A_686 : vector<16xi32>
        %gather3A_688 = tpu.vector_load_idx %arg7[%add3A_421, %add3A_687] : memref<128x32xf32, #tpu.memory_space<vmem>>[vector<16xi32>, vector<16xi32>], vector<16xf32>,
        %add3A_689 = arith.constant 2048 : i32
        %add3A_690 = vector.broadcast %add3A_689 : i32 to vector<16xi32>
        %add3A_691 = arith.addi %add3A_133, %add3A_690 : vector<16xi32>
        %mul3A_692 = arith.constant 16 : i32
        %mul3A_693 = arith.muli %add3A_417, %mul3A_692 : i32
        %add3A_694 = vector.broadcast %mul3A_693 : i32 to vector<16xi32>
        %add3A_695 = arith.addi %add3A_691, %add3A_694 : vector<16xi32>
        tpu.vector_store_idx %arg9[%add3A_695], %gather3A_688 : memref<4096xf32, #tpu.memory_space<vmem>>[vector<16xi32>], vector<16xf32>,
        %add3A_696 = arith.constant 16 : i32
        %add3A_697 = vector.broadcast %add3A_696 : i32 to vector<16xi32>
        %add3A_698 = arith.addi %and3A_61, %add3A_697 : vector<16xi32>
        %gather3A_699 = tpu.vector_load_idx %arg7[%add3A_421, %add3A_698] : memref<128x32xf32, #tpu.memory_space<vmem>>[vector<16xi32>, vector<16xi32>], vector<16xf32>,
        %add3A_700 = arith.constant 2048 : i32
        %add3A_701 = vector.broadcast %add3A_700 : i32 to vector<16xi32>
        %add3A_702 = arith.addi %add3A_137, %add3A_701 : vector<16xi32>
        %mul3A_703 = arith.constant 16 : i32
        %mul3A_704 = arith.muli %add3A_417, %mul3A_703 : i32
        %add3A_705 = vector.broadcast %mul3A_704 : i32 to vector<16xi32>
        %add3A_706 = arith.addi %add3A_702, %add3A_705 : vector<16xi32>
        tpu.vector_store_idx %arg9[%add3A_706], %gather3A_699 : memref<4096xf32, #tpu.memory_space<vmem>>[vector<16xi32>], vector<16xf32>,
        %add3A_707 = arith.constant 16 : i32
        %add3A_708 = vector.broadcast %add3A_707 : i32 to vector<16xi32>
        %add3A_709 = arith.addi %and3A_67, %add3A_708 : vector<16xi32>
        %gather3A_710 = tpu.vector_load_idx %arg7[%add3A_421, %add3A_709] : memref<128x32xf32, #tpu.memory_space<vmem>>[vector<16xi32>, vector<16xi32>], vector<16xf32>,
        %add3A_711 = arith.constant 2048 : i32
        %add3A_712 = vector.broadcast %add3A_711 : i32 to vector<16xi32>
        %add3A_713 = arith.addi %add3A_141, %add3A_712 : vector<16xi32>
        %mul3A_714 = arith.constant 16 : i32
        %mul3A_715 = arith.muli %add3A_417, %mul3A_714 : i32
        %add3A_716 = vector.broadcast %mul3A_715 : i32 to vector<16xi32>
        %add3A_717 = arith.addi %add3A_713, %add3A_716 : vector<16xi32>
        tpu.vector_store_idx %arg9[%add3A_717], %gather3A_710 : memref<4096xf32, #tpu.memory_space<vmem>>[vector<16xi32>], vector<16xf32>,
        %add3A_718 = arith.constant 16 : i32
        %add3A_719 = vector.broadcast %add3A_718 : i32 to vector<16xi32>
        %add3A_720 = arith.addi %and3A_73, %add3A_719 : vector<16xi32>
        %gather3A_721 = tpu.vector_load_idx %arg7[%add3A_421, %add3A_720] : memref<128x32xf32, #tpu.memory_space<vmem>>[vector<16xi32>, vector<16xi32>], vector<16xf32>,
        %add3A_722 = arith.constant 2048 : i32
        %add3A_723 = vector.broadcast %add3A_722 : i32 to vector<16xi32>
        %add3A_724 = arith.addi %add3A_145, %add3A_723 : vector<16xi32>
        %mul3A_725 = arith.constant 16 : i32
        %mul3A_726 = arith.muli %add3A_417, %mul3A_725 : i32
        %add3A_727 = vector.broadcast %mul3A_726 : i32 to vector<16xi32>
        %add3A_728 = arith.addi %add3A_724, %add3A_727 : vector<16xi32>
        tpu.vector_store_idx %arg9[%add3A_728], %gather3A_721 : memref<4096xf32, #tpu.memory_space<vmem>>[vector<16xi32>], vector<16xf32>,
        %add3A_729 = arith.constant 16 : i32
        %add3A_730 = vector.broadcast %add3A_729 : i32 to vector<16xi32>
        %add3A_731 = arith.addi %and3A_79, %add3A_730 : vector<16xi32>
        %gather3A_732 = tpu.vector_load_idx %arg7[%add3A_421, %add3A_731] : memref<128x32xf32, #tpu.memory_space<vmem>>[vector<16xi32>, vector<16xi32>], vector<16xf32>,
        %add3A_733 = arith.constant 2048 : i32
        %add3A_734 = vector.broadcast %add3A_733 : i32 to vector<16xi32>
        %add3A_735 = arith.addi %add3A_149, %add3A_734 : vector<16xi32>
        %mul3A_736 = arith.constant 16 : i32
        %mul3A_737 = arith.muli %add3A_417, %mul3A_736 : i32
        %add3A_738 = vector.broadcast %mul3A_737 : i32 to vector<16xi32>
        %add3A_739 = arith.addi %add3A_735, %add3A_738 : vector<16xi32>
        tpu.vector_store_idx %arg9[%add3A_739], %gather3A_732 : memref<4096xf32, #tpu.memory_space<vmem>>[vector<16xi32>], vector<16xf32>,
        %add3A_740 = arith.constant 16 : i32
        %add3A_741 = vector.broadcast %add3A_740 : i32 to vector<16xi32>
        %add3A_742 = arith.addi %and3A_85, %add3A_741 : vector<16xi32>
        %gather3A_743 = tpu.vector_load_idx %arg7[%add3A_421, %add3A_742] : memref<128x32xf32, #tpu.memory_space<vmem>>[vector<16xi32>, vector<16xi32>], vector<16xf32>,
        %add3A_744 = arith.constant 2048 : i32
        %add3A_745 = vector.broadcast %add3A_744 : i32 to vector<16xi32>
        %add3A_746 = arith.addi %add3A_153, %add3A_745 : vector<16xi32>
        %mul3A_747 = arith.constant 16 : i32
        %mul3A_748 = arith.muli %add3A_417, %mul3A_747 : i32
        %add3A_749 = vector.broadcast %mul3A_748 : i32 to vector<16xi32>
        %add3A_750 = arith.addi %add3A_746, %add3A_749 : vector<16xi32>
        tpu.vector_store_idx %arg9[%add3A_750], %gather3A_743 : memref<4096xf32, #tpu.memory_space<vmem>>[vector<16xi32>], vector<16xf32>,
        %add3A_751 = arith.constant 16 : i32
        %add3A_752 = vector.broadcast %add3A_751 : i32 to vector<16xi32>
        %add3A_753 = arith.addi %and3A_91, %add3A_752 : vector<16xi32>
        %gather3A_754 = tpu.vector_load_idx %arg7[%add3A_421, %add3A_753] : memref<128x32xf32, #tpu.memory_space<vmem>>[vector<16xi32>, vector<16xi32>], vector<16xf32>,
        %add3A_755 = arith.constant 2048 : i32
        %add3A_756 = vector.broadcast %add3A_755 : i32 to vector<16xi32>
        %add3A_757 = arith.addi %add3A_157, %add3A_756 : vector<16xi32>
        %mul3A_758 = arith.constant 16 : i32
        %mul3A_759 = arith.muli %add3A_417, %mul3A_758 : i32
        %add3A_760 = vector.broadcast %mul3A_759 : i32 to vector<16xi32>
        %add3A_761 = arith.addi %add3A_757, %add3A_760 : vector<16xi32>
        tpu.vector_store_idx %arg9[%add3A_761], %gather3A_754 : memref<4096xf32, #tpu.memory_space<vmem>>[vector<16xi32>], vector<16xf32>,
        %add3A_762 = arith.constant 16 : i32
        %add3A_763 = vector.broadcast %add3A_762 : i32 to vector<16xi32>
        %add3A_764 = arith.addi %and3A_97, %add3A_763 : vector<16xi32>
        %gather3A_765 = tpu.vector_load_idx %arg7[%add3A_421, %add3A_764] : memref<128x32xf32, #tpu.memory_space<vmem>>[vector<16xi32>, vector<16xi32>], vector<16xf32>,
        %add3A_766 = arith.constant 2048 : i32
        %add3A_767 = vector.broadcast %add3A_766 : i32 to vector<16xi32>
        %add3A_768 = arith.addi %add3A_161, %add3A_767 : vector<16xi32>
        %mul3A_769 = arith.constant 16 : i32
        %mul3A_770 = arith.muli %add3A_417, %mul3A_769 : i32
        %add3A_771 = vector.broadcast %mul3A_770 : i32 to vector<16xi32>
        %add3A_772 = arith.addi %add3A_768, %add3A_771 : vector<16xi32>
        tpu.vector_store_idx %arg9[%add3A_772], %gather3A_765 : memref<4096xf32, #tpu.memory_space<vmem>>[vector<16xi32>], vector<16xf32>,
      }
      %scan3A_361 = arith.constant 8 : i32
      %dma_start3A_362 = arith.constant 0 : i32
      %dma_start3A_363 = arith.constant 0 : i32
      %dma_start3A_364 = tpu.memref_slice %arg9[%dma_start3A_363] : memref<4096xf32, #tpu.memory_space<vmem>> -> memref<1024xf32, #tpu.memory_space<vmem>>
      %dma_start3A_365 = arith.constant 0 : i32
      %dma_start3A_366 = tpu.memref_slice %arg4[%add3A_345, %dma_start3A_362, %add3A, %dma_start3A_365] : memref<200x4x32x1024xf32, #tpu.memory_space<hbm>> -> memref<1x1x1x1024xf32, #tpu.memory_space<hbm>>
      %dma_start3A_367 = tpu.memref_squeeze %dma_start3A_366 : memref<1x1x1x1024xf32, #tpu.memory_space<hbm>> -> memref<1024xf32, #tpu.memory_space<hbm>>
      %dma_start3A_368 = arith.constant 0 : i32
      %dma_start3A_369 = tpu.memref_slice %arg4[%add3A_345, %dma_start3A_362, %add3A, %dma_start3A_368] : memref<200x4x32x1024xf32, #tpu.memory_space<hbm>> -> memref<1x1x1x1024xf32, #tpu.memory_space<hbm>>
      %dma_start3A_370 = tpu.memref_squeeze %dma_start3A_369 : memref<1x1x1x1024xf32, #tpu.memory_space<hbm>> -> memref<1024xf32, #tpu.memory_space<hbm>>
      %dma_start3A_371 = arith.constant 0 : i32
      %dma_start3A_372 = tpu.memref_slice %arg9[%dma_start3A_371] : memref<4096xf32, #tpu.memory_space<vmem>> -> memref<1024xf32, #tpu.memory_space<vmem>>
      tpu.enqueue_dma source(%dma_start3A_372 : memref<1024xf32, #tpu.memory_space<vmem>>) target(%dma_start3A_370 : memref<1024xf32, #tpu.memory_space<hbm>>) target_semaphore(%arg13 : memref<!tpu.dma_semaphore, #tpu.memory_space<semaphore_mem>>)
      %dma_start3A_373 = arith.constant 1 : i32
      %dma_start3A_374 = arith.constant 1024 : i32
      %dma_start3A_375 = tpu.memref_slice %arg9[%dma_start3A_374] : memref<4096xf32, #tpu.memory_space<vmem>> -> memref<1024xf32, #tpu.memory_space<vmem>>
      %dma_start3A_376 = arith.constant 0 : i32
      %dma_start3A_377 = tpu.memref_slice %arg4[%add3A_345, %dma_start3A_373, %add3A, %dma_start3A_376] : memref<200x4x32x1024xf32, #tpu.memory_space<hbm>> -> memref<1x1x1x1024xf32, #tpu.memory_space<hbm>>
      %dma_start3A_378 = tpu.memref_squeeze %dma_start3A_377 : memref<1x1x1x1024xf32, #tpu.memory_space<hbm>> -> memref<1024xf32, #tpu.memory_space<hbm>>
      %dma_start3A_379 = arith.constant 0 : i32
      %dma_start3A_380 = tpu.memref_slice %arg4[%add3A_345, %dma_start3A_373, %add3A, %dma_start3A_379] : memref<200x4x32x1024xf32, #tpu.memory_space<hbm>> -> memref<1x1x1x1024xf32, #tpu.memory_space<hbm>>
      %dma_start3A_381 = tpu.memref_squeeze %dma_start3A_380 : memref<1x1x1x1024xf32, #tpu.memory_space<hbm>> -> memref<1024xf32, #tpu.memory_space<hbm>>
      %dma_start3A_382 = arith.constant 1024 : i32
      %dma_start3A_383 = tpu.memref_slice %arg9[%dma_start3A_382] : memref<4096xf32, #tpu.memory_space<vmem>> -> memref<1024xf32, #tpu.memory_space<vmem>>
      tpu.enqueue_dma source(%dma_start3A_383 : memref<1024xf32, #tpu.memory_space<vmem>>) target(%dma_start3A_381 : memref<1024xf32, #tpu.memory_space<hbm>>) target_semaphore(%arg13 : memref<!tpu.dma_semaphore, #tpu.memory_space<semaphore_mem>>)
      %dma_start3A_384 = arith.constant 2 : i32
      %dma_start3A_385 = arith.constant 2048 : i32
      %dma_start3A_386 = tpu.memref_slice %arg9[%dma_start3A_385] : memref<4096xf32, #tpu.memory_space<vmem>> -> memref<1024xf32, #tpu.memory_space<vmem>>
      %dma_start3A_387 = arith.constant 0 : i32
      %dma_start3A_388 = tpu.memref_slice %arg4[%add3A_345, %dma_start3A_384, %add3A, %dma_start3A_387] : memref<200x4x32x1024xf32, #tpu.memory_space<hbm>> -> memref<1x1x1x1024xf32, #tpu.memory_space<hbm>>
      %dma_start3A_389 = tpu.memref_squeeze %dma_start3A_388 : memref<1x1x1x1024xf32, #tpu.memory_space<hbm>> -> memref<1024xf32, #tpu.memory_space<hbm>>
      %dma_start3A_390 = arith.constant 0 : i32
      %dma_start3A_391 = tpu.memref_slice %arg4[%add3A_345, %dma_start3A_384, %add3A, %dma_start3A_390] : memref<200x4x32x1024xf32, #tpu.memory_space<hbm>> -> memref<1x1x1x1024xf32, #tpu.memory_space<hbm>>
      %dma_start3A_392 = tpu.memref_squeeze %dma_start3A_391 : memref<1x1x1x1024xf32, #tpu.memory_space<hbm>> -> memref<1024xf32, #tpu.memory_space<hbm>>
      %dma_start3A_393 = arith.constant 2048 : i32
      %dma_start3A_394 = tpu.memref_slice %arg9[%dma_start3A_393] : memref<4096xf32, #tpu.memory_space<vmem>> -> memref<1024xf32, #tpu.memory_space<vmem>>
      tpu.enqueue_dma source(%dma_start3A_394 : memref<1024xf32, #tpu.memory_space<vmem>>) target(%dma_start3A_392 : memref<1024xf32, #tpu.memory_space<hbm>>) target_semaphore(%arg13 : memref<!tpu.dma_semaphore, #tpu.memory_space<semaphore_mem>>)
      %dma_start3A_395 = arith.constant 3 : i32
      %dma_start3A_396 = arith.constant 3072 : i32
      %dma_start3A_397 = tpu.memref_slice %arg9[%dma_start3A_396] : memref<4096xf32, #tpu.memory_space<vmem>> -> memref<1024xf32, #tpu.memory_space<vmem>>
      %dma_start3A_398 = arith.constant 0 : i32
      %dma_start3A_399 = tpu.memref_slice %arg4[%add3A_345, %dma_start3A_395, %add3A, %dma_start3A_398] : memref<200x4x32x1024xf32, #tpu.memory_space<hbm>> -> memref<1x1x1x1024xf32, #tpu.memory_space<hbm>>
      %dma_start3A_400 = tpu.memref_squeeze %dma_start3A_399 : memref<1x1x1x1024xf32, #tpu.memory_space<hbm>> -> memref<1024xf32, #tpu.memory_space<hbm>>
      %dma_start3A_401 = arith.constant 0 : i32
      %dma_start3A_402 = tpu.memref_slice %arg4[%add3A_345, %dma_start3A_395, %add3A, %dma_start3A_401] : memref<200x4x32x1024xf32, #tpu.memory_space<hbm>> -> memref<1x1x1x1024xf32, #tpu.memory_space<hbm>>
      %dma_start3A_403 = tpu.memref_squeeze %dma_start3A_402 : memref<1x1x1x1024xf32, #tpu.memory_space<hbm>> -> memref<1024xf32, #tpu.memory_space<hbm>>
      %dma_start3A_404 = arith.constant 3072 : i32
      %dma_start3A_405 = tpu.memref_slice %arg9[%dma_start3A_404] : memref<4096xf32, #tpu.memory_space<vmem>> -> memref<1024xf32, #tpu.memory_space<vmem>>
      tpu.enqueue_dma source(%dma_start3A_405 : memref<1024xf32, #tpu.memory_space<vmem>>) target(%dma_start3A_403 : memref<1024xf32, #tpu.memory_space<hbm>>) target_semaphore(%arg13 : memref<!tpu.dma_semaphore, #tpu.memory_space<semaphore_mem>>)
      %add3A_406 = arith.constant 2 : i32
      %add3A_407 = arith.addi %add3A_345, %add3A_406 : i32
      %lt3A_408 = arith.constant 200 : i32
      %lt3A_409 = arith.cmpi slt, %add3A_407, %lt3A_408 : i32
      %convert_element_type3A_410 = arith.extui %lt3A_409 : i1 to i32
      %cond3A_411 = arith.constant 0 : i32
      %cond3A_412 = arith.cmpi ne, %convert_element_type3A_410, %cond3A_411 : i32
      scf.if %cond3A_412 {
        %add3A_413 = arith.constant 2 : i32
        %add3A_414 = arith.addi %add3A_345, %add3A_413 : i32
        %dma_start3A_415 = arith.constant 0 : i32
        %dma_start3A_416 = tpu.memref_slice %arg5[%add3A_414, %dma_start3A_415] : memref<200x128xi32, #tpu.memory_space<vmem>> -> memref<1x128xi32, #tpu.memory_space<vmem>>
        %dma_start3A_417 = tpu.memref_squeeze %dma_start3A_416 : memref<1x128xi32, #tpu.memory_space<vmem>> -> memref<128xi32, #tpu.memory_space<vmem>>
        %dma_start3A_418 = arith.constant 0 : i32
        %dma_start3A_419 = arith.constant 0 : i32
        %dma_start3A_420 = tpu.memref_slice %arg2[%dma_start3A_418, %dma_start3A_419] : memref<1000000x32xf32, #tpu.memory_space<hbm>> -> memref<1000000x32xf32, #tpu.memory_space<hbm>>
        tpu.enqueue_indirect_dma source(%dma_start3A_420 : memref<1000000x32xf32, #tpu.memory_space<hbm>>) target(%arg7 : memref<128x32xf32, #tpu.memory_space<vmem>>) offsets(%dma_start3A_417 : memref<128xi32, #tpu.memory_space<vmem>>) semaphore(%arg11 : memref<!tpu.dma_semaphore, #tpu.memory_space<semaphore_mem>>)
      } else {
      }
    }
    %scan3A_178 = arith.constant 100 : i32
    %dma_wait3A = arith.constant 198 : i32
    %dma_wait3A_179 = arith.constant 0 : i32
    %dma_wait3A_180 = arith.constant 0 : i32
    %dma_wait3A_181 = tpu.memref_slice %arg8[%dma_wait3A_180] : memref<4096xf32, #tpu.memory_space<vmem>> -> memref<1024xf32, #tpu.memory_space<vmem>>
    %dma_wait3A_182 = arith.constant 0 : i32
    %dma_wait3A_183 = tpu.memref_slice %arg4[%dma_wait3A, %dma_wait3A_179, %add3A, %dma_wait3A_182] : memref<200x4x32x1024xf32, #tpu.memory_space<hbm>> -> memref<1x1x1x1024xf32, #tpu.memory_space<hbm>>
    %dma_wait3A_184 = tpu.memref_squeeze %dma_wait3A_183 : memref<1x1x1x1024xf32, #tpu.memory_space<hbm>> -> memref<1024xf32, #tpu.memory_space<hbm>>
    %dma_wait3A_185 = arith.constant 0 : i32
    %dma_wait3A_186 = tpu.memref_slice %arg4[%dma_wait3A, %dma_wait3A_179, %add3A, %dma_wait3A_185] : memref<200x4x32x1024xf32, #tpu.memory_space<hbm>> -> memref<1x1x1x1024xf32, #tpu.memory_space<hbm>>
    %dma_wait3A_187 = tpu.memref_squeeze %dma_wait3A_186 : memref<1x1x1x1024xf32, #tpu.memory_space<hbm>> -> memref<1024xf32, #tpu.memory_space<hbm>>
    %dma_wait3A_188 = arith.constant 0 : i32
    %dma_wait3A_189 = tpu.memref_slice %arg8[%dma_wait3A_188] : memref<4096xf32, #tpu.memory_space<vmem>> -> memref<1024xf32, #tpu.memory_space<vmem>>
    tpu.wait_dma2 semaphore(%arg12 : memref<!tpu.dma_semaphore, #tpu.memory_space<semaphore_mem>>) src(%dma_wait3A_189 : memref<1024xf32, #tpu.memory_space<vmem>>) dst(%dma_wait3A_187 : memref<1024xf32, #tpu.memory_space<hbm>>)
    %dma_wait3A_190 = arith.constant 198 : i32
    %dma_wait3A_191 = arith.constant 1 : i32
    %dma_wait3A_192 = arith.constant 1024 : i32
    %dma_wait3A_193 = tpu.memref_slice %arg8[%dma_wait3A_192] : memref<4096xf32, #tpu.memory_space<vmem>> -> memref<1024xf32, #tpu.memory_space<vmem>>
    %dma_wait3A_194 = arith.constant 0 : i32
    %dma_wait3A_195 = tpu.memref_slice %arg4[%dma_wait3A_190, %dma_wait3A_191, %add3A, %dma_wait3A_194] : memref<200x4x32x1024xf32, #tpu.memory_space<hbm>> -> memref<1x1x1x1024xf32, #tpu.memory_space<hbm>>
    %dma_wait3A_196 = tpu.memref_squeeze %dma_wait3A_195 : memref<1x1x1x1024xf32, #tpu.memory_space<hbm>> -> memref<1024xf32, #tpu.memory_space<hbm>>
    %dma_wait3A_197 = arith.constant 0 : i32
    %dma_wait3A_198 = tpu.memref_slice %arg4[%dma_wait3A_190, %dma_wait3A_191, %add3A, %dma_wait3A_197] : memref<200x4x32x1024xf32, #tpu.memory_space<hbm>> -> memref<1x1x1x1024xf32, #tpu.memory_space<hbm>>
    %dma_wait3A_199 = tpu.memref_squeeze %dma_wait3A_198 : memref<1x1x1x1024xf32, #tpu.memory_space<hbm>> -> memref<1024xf32, #tpu.memory_space<hbm>>
    %dma_wait3A_200 = arith.constant 1024 : i32
    %dma_wait3A_201 = tpu.memref_slice %arg8[%dma_wait3A_200] : memref<4096xf32, #tpu.memory_space<vmem>> -> memref<1024xf32, #tpu.memory_space<vmem>>
    tpu.wait_dma2 semaphore(%arg12 : memref<!tpu.dma_semaphore, #tpu.memory_space<semaphore_mem>>) src(%dma_wait3A_201 : memref<1024xf32, #tpu.memory_space<vmem>>) dst(%dma_wait3A_199 : memref<1024xf32, #tpu.memory_space<hbm>>)
    %dma_wait3A_202 = arith.constant 198 : i32
    %dma_wait3A_203 = arith.constant 2 : i32
    %dma_wait3A_204 = arith.constant 2048 : i32
    %dma_wait3A_205 = tpu.memref_slice %arg8[%dma_wait3A_204] : memref<4096xf32, #tpu.memory_space<vmem>> -> memref<1024xf32, #tpu.memory_space<vmem>>
    %dma_wait3A_206 = arith.constant 0 : i32
    %dma_wait3A_207 = tpu.memref_slice %arg4[%dma_wait3A_202, %dma_wait3A_203, %add3A, %dma_wait3A_206] : memref<200x4x32x1024xf32, #tpu.memory_space<hbm>> -> memref<1x1x1x1024xf32, #tpu.memory_space<hbm>>
    %dma_wait3A_208 = tpu.memref_squeeze %dma_wait3A_207 : memref<1x1x1x1024xf32, #tpu.memory_space<hbm>> -> memref<1024xf32, #tpu.memory_space<hbm>>
    %dma_wait3A_209 = arith.constant 0 : i32
    %dma_wait3A_210 = tpu.memref_slice %arg4[%dma_wait3A_202, %dma_wait3A_203, %add3A, %dma_wait3A_209] : memref<200x4x32x1024xf32, #tpu.memory_space<hbm>> -> memref<1x1x1x1024xf32, #tpu.memory_space<hbm>>
    %dma_wait3A_211 = tpu.memref_squeeze %dma_wait3A_210 : memref<1x1x1x1024xf32, #tpu.memory_space<hbm>> -> memref<1024xf32, #tpu.memory_space<hbm>>
    %dma_wait3A_212 = arith.constant 2048 : i32
    %dma_wait3A_213 = tpu.memref_slice %arg8[%dma_wait3A_212] : memref<4096xf32, #tpu.memory_space<vmem>> -> memref<1024xf32, #tpu.memory_space<vmem>>
    tpu.wait_dma2 semaphore(%arg12 : memref<!tpu.dma_semaphore, #tpu.memory_space<semaphore_mem>>) src(%dma_wait3A_213 : memref<1024xf32, #tpu.memory_space<vmem>>) dst(%dma_wait3A_211 : memref<1024xf32, #tpu.memory_space<hbm>>)
    %dma_wait3A_214 = arith.constant 198 : i32
    %dma_wait3A_215 = arith.constant 3 : i32
    %dma_wait3A_216 = arith.constant 3072 : i32
    %dma_wait3A_217 = tpu.memref_slice %arg8[%dma_wait3A_216] : memref<4096xf32, #tpu.memory_space<vmem>> -> memref<1024xf32, #tpu.memory_space<vmem>>
    %dma_wait3A_218 = arith.constant 0 : i32
    %dma_wait3A_219 = tpu.memref_slice %arg4[%dma_wait3A_214, %dma_wait3A_215, %add3A, %dma_wait3A_218] : memref<200x4x32x1024xf32, #tpu.memory_space<hbm>> -> memref<1x1x1x1024xf32, #tpu.memory_space<hbm>>
    %dma_wait3A_220 = tpu.memref_squeeze %dma_wait3A_219 : memref<1x1x1x1024xf32, #tpu.memory_space<hbm>> -> memref<1024xf32, #tpu.memory_space<hbm>>
    %dma_wait3A_221 = arith.constant 0 : i32
    %dma_wait3A_222 = tpu.memref_slice %arg4[%dma_wait3A_214, %dma_wait3A_215, %add3A, %dma_wait3A_221] : memref<200x4x32x1024xf32, #tpu.memory_space<hbm>> -> memref<1x1x1x1024xf32, #tpu.memory_space<hbm>>
    %dma_wait3A_223 = tpu.memref_squeeze %dma_wait3A_222 : memref<1x1x1x1024xf32, #tpu.memory_space<hbm>> -> memref<1024xf32, #tpu.memory_space<hbm>>
    %dma_wait3A_224 = arith.constant 3072 : i32
    %dma_wait3A_225 = tpu.memref_slice %arg8[%dma_wait3A_224] : memref<4096xf32, #tpu.memory_space<vmem>> -> memref<1024xf32, #tpu.memory_space<vmem>>
    tpu.wait_dma2 semaphore(%arg12 : memref<!tpu.dma_semaphore, #tpu.memory_space<semaphore_mem>>) src(%dma_wait3A_225 : memref<1024xf32, #tpu.memory_space<vmem>>) dst(%dma_wait3A_223 : memref<1024xf32, #tpu.memory_space<hbm>>)
    %dma_wait3A_226 = arith.constant 199 : i32
    %dma_wait3A_227 = arith.constant 0 : i32
    %dma_wait3A_228 = arith.constant 0 : i32
    %dma_wait3A_229 = tpu.memref_slice %arg9[%dma_wait3A_228] : memref<4096xf32, #tpu.memory_space<vmem>> -> memref<1024xf32, #tpu.memory_space<vmem>>
    %dma_wait3A_230 = arith.constant 0 : i32
    %dma_wait3A_231 = tpu.memref_slice %arg4[%dma_wait3A_226, %dma_wait3A_227, %add3A, %dma_wait3A_230] : memref<200x4x32x1024xf32, #tpu.memory_space<hbm>> -> memref<1x1x1x1024xf32, #tpu.memory_space<hbm>>
    %dma_wait3A_232 = tpu.memref_squeeze %dma_wait3A_231 : memref<1x1x1x1024xf32, #tpu.memory_space<hbm>> -> memref<1024xf32, #tpu.memory_space<hbm>>
    %dma_wait3A_233 = arith.constant 0 : i32
    %dma_wait3A_234 = tpu.memref_slice %arg4[%dma_wait3A_226, %dma_wait3A_227, %add3A, %dma_wait3A_233] : memref<200x4x32x1024xf32, #tpu.memory_space<hbm>> -> memref<1x1x1x1024xf32, #tpu.memory_space<hbm>>
    %dma_wait3A_235 = tpu.memref_squeeze %dma_wait3A_234 : memref<1x1x1x1024xf32, #tpu.memory_space<hbm>> -> memref<1024xf32, #tpu.memory_space<hbm>>
    %dma_wait3A_236 = arith.constant 0 : i32
    %dma_wait3A_237 = tpu.memref_slice %arg9[%dma_wait3A_236] : memref<4096xf32, #tpu.memory_space<vmem>> -> memref<1024xf32, #tpu.memory_space<vmem>>
    tpu.wait_dma2 semaphore(%arg13 : memref<!tpu.dma_semaphore, #tpu.memory_space<semaphore_mem>>) src(%dma_wait3A_237 : memref<1024xf32, #tpu.memory_space<vmem>>) dst(%dma_wait3A_235 : memref<1024xf32, #tpu.memory_space<hbm>>)
    %dma_wait3A_238 = arith.constant 199 : i32
    %dma_wait3A_239 = arith.constant 1 : i32
    %dma_wait3A_240 = arith.constant 1024 : i32
    %dma_wait3A_241 = tpu.memref_slice %arg9[%dma_wait3A_240] : memref<4096xf32, #tpu.memory_space<vmem>> -> memref<1024xf32, #tpu.memory_space<vmem>>
    %dma_wait3A_242 = arith.constant 0 : i32
    %dma_wait3A_243 = tpu.memref_slice %arg4[%dma_wait3A_238, %dma_wait3A_239, %add3A, %dma_wait3A_242] : memref<200x4x32x1024xf32, #tpu.memory_space<hbm>> -> memref<1x1x1x1024xf32, #tpu.memory_space<hbm>>
    %dma_wait3A_244 = tpu.memref_squeeze %dma_wait3A_243 : memref<1x1x1x1024xf32, #tpu.memory_space<hbm>> -> memref<1024xf32, #tpu.memory_space<hbm>>
    %dma_wait3A_245 = arith.constant 0 : i32
    %dma_wait3A_246 = tpu.memref_slice %arg4[%dma_wait3A_238, %dma_wait3A_239, %add3A, %dma_wait3A_245] : memref<200x4x32x1024xf32, #tpu.memory_space<hbm>> -> memref<1x1x1x1024xf32, #tpu.memory_space<hbm>>
    %dma_wait3A_247 = tpu.memref_squeeze %dma_wait3A_246 : memref<1x1x1x1024xf32, #tpu.memory_space<hbm>> -> memref<1024xf32, #tpu.memory_space<hbm>>
    %dma_wait3A_248 = arith.constant 1024 : i32
    %dma_wait3A_249 = tpu.memref_slice %arg9[%dma_wait3A_248] : memref<4096xf32, #tpu.memory_space<vmem>> -> memref<1024xf32, #tpu.memory_space<vmem>>
    tpu.wait_dma2 semaphore(%arg13 : memref<!tpu.dma_semaphore, #tpu.memory_space<semaphore_mem>>) src(%dma_wait3A_249 : memref<1024xf32, #tpu.memory_space<vmem>>) dst(%dma_wait3A_247 : memref<1024xf32, #tpu.memory_space<hbm>>)
    %dma_wait3A_250 = arith.constant 199 : i32
    %dma_wait3A_251 = arith.constant 2 : i32
    %dma_wait3A_252 = arith.constant 2048 : i32
    %dma_wait3A_253 = tpu.memref_slice %arg9[%dma_wait3A_252] : memref<4096xf32, #tpu.memory_space<vmem>> -> memref<1024xf32, #tpu.memory_space<vmem>>
    %dma_wait3A_254 = arith.constant 0 : i32
    %dma_wait3A_255 = tpu.memref_slice %arg4[%dma_wait3A_250, %dma_wait3A_251, %add3A, %dma_wait3A_254] : memref<200x4x32x1024xf32, #tpu.memory_space<hbm>> -> memref<1x1x1x1024xf32, #tpu.memory_space<hbm>>
    %dma_wait3A_256 = tpu.memref_squeeze %dma_wait3A_255 : memref<1x1x1x1024xf32, #tpu.memory_space<hbm>> -> memref<1024xf32, #tpu.memory_space<hbm>>
    %dma_wait3A_257 = arith.constant 0 : i32
    %dma_wait3A_258 = tpu.memref_slice %arg4[%dma_wait3A_250, %dma_wait3A_251, %add3A, %dma_wait3A_257] : memref<200x4x32x1024xf32, #tpu.memory_space<hbm>> -> memref<1x1x1x1024xf32, #tpu.memory_space<hbm>>
    %dma_wait3A_259 = tpu.memref_squeeze %dma_wait3A_258 : memref<1x1x1x1024xf32, #tpu.memory_space<hbm>> -> memref<1024xf32, #tpu.memory_space<hbm>>
    %dma_wait3A_260 = arith.constant 2048 : i32
    %dma_wait3A_261 = tpu.memref_slice %arg9[%dma_wait3A_260] : memref<4096xf32, #tpu.memory_space<vmem>> -> memref<1024xf32, #tpu.memory_space<vmem>>
    tpu.wait_dma2 semaphore(%arg13 : memref<!tpu.dma_semaphore, #tpu.memory_space<semaphore_mem>>) src(%dma_wait3A_261 : memref<1024xf32, #tpu.memory_space<vmem>>) dst(%dma_wait3A_259 : memref<1024xf32, #tpu.memory_space<hbm>>)
    %dma_wait3A_262 = arith.constant 199 : i32
    %dma_wait3A_263 = arith.constant 3 : i32
    %dma_wait3A_264 = arith.constant 3072 : i32
    %dma_wait3A_265 = tpu.memref_slice %arg9[%dma_wait3A_264] : memref<4096xf32, #tpu.memory_space<vmem>> -> memref<1024xf32, #tpu.memory_space<vmem>>
    %dma_wait3A_266 = arith.constant 0 : i32
    %dma_wait3A_267 = tpu.memref_slice %arg4[%dma_wait3A_262, %dma_wait3A_263, %add3A, %dma_wait3A_266] : memref<200x4x32x1024xf32, #tpu.memory_space<hbm>> -> memref<1x1x1x1024xf32, #tpu.memory_space<hbm>>
    %dma_wait3A_268 = tpu.memref_squeeze %dma_wait3A_267 : memref<1x1x1x1024xf32, #tpu.memory_space<hbm>> -> memref<1024xf32, #tpu.memory_space<hbm>>
    %dma_wait3A_269 = arith.constant 0 : i32
    %dma_wait3A_270 = tpu.memref_slice %arg4[%dma_wait3A_262, %dma_wait3A_263, %add3A, %dma_wait3A_269] : memref<200x4x32x1024xf32, #tpu.memory_space<hbm>> -> memref<1x1x1x1024xf32, #tpu.memory_space<hbm>>
    %dma_wait3A_271 = tpu.memref_squeeze %dma_wait3A_270 : memref<1x1x1x1024xf32, #tpu.memory_space<hbm>> -> memref<1024xf32, #tpu.memory_space<hbm>>
    %dma_wait3A_272 = arith.constant 3072 : i32
    %dma_wait3A_273 = tpu.memref_slice %arg9[%dma_wait3A_272] : memref<4096xf32, #tpu.memory_space<vmem>> -> memref<1024xf32, #tpu.memory_space<vmem>>
    tpu.wait_dma2 semaphore(%arg13 : memref<!tpu.dma_semaphore, #tpu.memory_space<semaphore_mem>>) src(%dma_wait3A_273 : memref<1024xf32, #tpu.memory_space<vmem>>) dst(%dma_wait3A_271 : memref<1024xf32, #tpu.memory_space<hbm>>)
    return
  }
}

</mosaic_0001>

<sc_bundles>
// kernel: kernel.3.cloned.1.call-start
scs
__scs_entry_jumppad:
0x0: {  	(pc) =	sbr.rel $0x88, $3  }
0x1: {  	(tag) =	ssettag $0x0;
	lr =	simm.s32 $0x1  }
0x2: {  	[smem:$0x3F9F] =	sst lr;
	_ =	strace $0xD0000000  }
0x3: {  	_ = 	snop  }
0x4: {  	_ = 	snop  }
0x5: {  	_ = 	snop  }
0x6: {  	_ = 	snop  }
0x7: {  	_ = 	snop  }
__scs_overlays_trampoline_lowered:
0x8: {  	[smem:$0x3FAE] =	sst s0  }
0x9: {  	[smem:$0x3FAF] =	sst s1  }
0xa: {  	[smem:$0x3FB0] =	sst s2  }
0xb: {  	[smem:$0x3FB1] =	sst s3  }
0xc: {  	[smem:$0x3FB2] =	sst s4  }
0xd: {  	[smem:$0x3FB3] =	sst s5  }
0xe: {  	[smem:$0x3FB4] =	sst s6  }
0xf: {  	[smem:$0x3FB5] =	sst s7  }
0x10: {  	[smem:$0x3FB6] =	sst s8  }
0x11: {  	[smem:$0x3FB7] =	sst s9;
	s0 =	simm.s32 @!p0 $0x0  }
0x12: {  	s1 =	sld [smem:$0x3F9D];
	s0 =	simm.s32 @p0 $0x1  }
0x13: {  	[smem:$0x3FB8] =	sst s0;
	s0 =	simm.s32 @!p1 $0x0  }
0x14: {  	s2 =	sld [smem:$0x3F9C];
	s0 =	simm.s32 @p1 $0x1  }
0x15: {  	[smem:$0x3FB9] =	sst s0;
	s0 =	simm.s32 @!p2 $0x0  }
0x16: {  	s3 =	sld [smem:$0x3FDB];
	s0 =	simm.s32 @p2 $0x1  }
0x17: {  	s4 =	simm.s32 $0x1BF5;
	[smem:$0x3FBB] =	sst s0  }
0x18: {  	s0 =	sld [smem:$0x3F9E];
	_ =	swait.ge [sflag:s4], $0x0  }
0x19: {  	s7 =	sld [smem:$0x3F9F]  }
0x1a: {  	s8 =	sadd.s32 $0xFFFFE003, lr  }
0x1b: {  	s9 =	sadd.s32 $0xFFFFFEF7, lr;
	s5 =	simm.s32 $0xFFFFFFFF;
	p2 =	slt.u32 s8, $0xFFFFF086  }
0x1c: {  	p1 =	slt.u32 s9, $0xF7A;
	s5 =	simm.s32 @!p2 $0x0  }
0x1d: {  	s5 =	simm.s32 @p1 $0x1;
	p0 =	seq.s32 s7, s2  }
0x1e: {  	s7 =	smul.u32 @!p0 $0xF7A, s2;
	p2 =	seq.s32 @!p0 s5, $0x0  }
0x1f: {  	s9 =	smul.u32 $0xF7A, s1;
	s8 =	simm.s32 @!p0 $0x1BF5;
	p2 =	por !p2, p0  }
0x20: {  	[sflag:s8] =	ssyncset.s32 @!p0 $0xFFFFF086;
	s6 =	sadd.s32 @!p0 s3, s7;
	s7 =	simm.s32 @!p0 $0x108  }
0x21: {  	s3 =	sadd.s32 s3, s9;
	s6 =	sadd.s32 @!p0 $0x88, s6;
	s7 =	simm.s32 @p2 $0x1082  }
0x22: {  	[simem:s7], [sflag:s8] =	dma.local @!p0 [hbm:s6], $0xF7A  }
0x23: {  	s9 =	sor.u32 $0xD0000000, s2;
	s6 =	simm.s32 $0x108;
	_ =	swait.ge @!p0 [sflag:s8], $0x0  }
0x24: {  	s3 =	sadd.s32 $0x88, s3;
	s6 =	simm.s32 @!p1 $0x1082;
	[sflag:s4] =	ssyncset.s32 $0xFFFFF086  }
0x25: {  	[simem:s6], [sflag:s4] =	dma.local [hbm:s3], $0xF7A  }
0x26: {  	[smem:$0x3F9F] =	sst s1;
	(tag) =	ssettag s2;
	_ =	strace s9  }
0x27: {  	s1 =	sld [smem:$0x3FAF]  }
0x28: {  	s2 =	sld [smem:$0x3FB0]  }
0x29: {  	s4 =	sld [smem:$0x3FB2]  }
0x2a: {  	p0 =	seq.s32 s5, $0x0;
	s5 =	sld [smem:$0x3FB3]  }
0x2b: {  	s6 =	sld [smem:$0x3FB4]  }
0x2c: {  	s7 =	sld [smem:$0x3FB5]  }
0x2d: {  	s3 =	simm.s32 $0x108;
	s8 =	sld [smem:$0x3FB6]  }
0x2e: {  	s3 =	simm.s32 @!p0 $0x1082;
	s9 =	sld [smem:$0x3FB7]  }
0x2f: {  	lr =	sadd.s32 s0, s3;
	s0 =	sld [smem:$0x3FAE]  }
0x30: {  	s3 =	sld [smem:$0x3FB1]  }
0x31: {  	[smem:$0x3FBA] =	sst s10  }
0x32: {  	s10 =	sld [smem:$0x3FB8];
	_ =	sdelay $0x3  }
0x33: {  	p0 =	seq.s32 s10, $0x1;
	s10 =	sld [smem:$0x3FBA];
	_ =	sdelay $0x3  }
0x34: {  	[smem:$0x3FBA] =	sst s10  }
0x35: {  	s10 =	sld [smem:$0x3FB9];
	_ =	sdelay $0x3  }
0x36: {  	p1 =	seq.s32 s10, $0x1;
	s10 =	sld [smem:$0x3FBA];
	_ =	sdelay $0x3  }
0x37: {  	[smem:$0x3FBA] =	sst s10  }
0x38: {  	s10 =	sld [smem:$0x3FBB]  }
0x39: {  	_ = 	snop;
	(pc) =	sbr.ind lr, $3  }
0x3a: {  	_ = 	snop  }
0x3b: {  	_ = 	snop  }
0x3c: {  	p2 =	seq.s32 s10, $0x1;
	s10 =	sld [smem:$0x3FBA]  }
0x3d: {  	_ =	shalt  }
0x3e: {  	_ =	shalt  }
0x3f: {  	_ =	shalt  }
0x40: {  	_ =	shalt  }
0x41: {  	_ =	shalt  }
0x42: {  	_ =	shalt  }
0x43: {  	_ =	shalt  }
0x44: {  	_ =	shalt  }
0x45: {  	_ =	shalt  }
0x46: {  	_ =	shalt  }
0x47: {  	_ =	shalt  }
0x48: {  	_ =	shalt  }
0x49: {  	_ =	shalt  }
0x4a: {  	_ =	shalt  }
0x4b: {  	_ =	shalt  }
0x4c: {  	_ =	shalt  }
0x4d: {  	_ =	shalt  }
0x4e: {  	_ =	shalt  }
0x4f: {  	_ =	shalt  }
0x50: {  	_ =	shalt  }
0x51: {  	_ =	shalt  }
0x52: {  	_ =	shalt  }
0x53: {  	_ =	shalt  }
0x54: {  	_ =	shalt  }
0x55: {  	_ =	shalt  }
0x56: {  	_ =	shalt  }
0x57: {  	_ =	shalt  }
0x58: {  	_ =	shalt  }
0x59: {  	_ =	shalt  }
0x5a: {  	_ =	shalt  }
0x5b: {  	_ =	shalt  }
0x5c: {  	_ =	shalt  }
0x5d: {  	_ =	shalt  }
0x5e: {  	_ =	shalt  }
0x5f: {  	_ =	shalt  }
0x60: {  	_ =	shalt  }
0x61: {  	_ =	shalt  }
0x62: {  	_ =	shalt  }
0x63: {  	_ =	shalt  }
0x64: {  	_ =	shalt  }
0x65: {  	_ =	shalt  }
0x66: {  	_ =	shalt  }
0x67: {  	_ =	shalt  }
0x68: {  	_ =	shalt  }
0x69: {  	_ =	shalt  }
0x6a: {  	_ =	shalt  }
0x6b: {  	_ =	shalt  }
0x6c: {  	_ =	shalt  }
0x6d: {  	_ =	shalt  }
0x6e: {  	_ =	shalt  }
0x6f: {  	_ =	shalt  }
0x70: {  	_ =	shalt  }
0x71: {  	_ =	shalt  }
0x72: {  	_ =	shalt  }
0x73: {  	_ =	shalt  }
0x74: {  	_ =	shalt  }
0x75: {  	_ =	shalt  }
0x76: {  	_ =	shalt  }
0x77: {  	_ =	shalt  }
0x78: {  	_ =	shalt  }
0x79: {  	_ =	shalt  }
0x7a: {  	_ =	shalt  }
0x7b: {  	_ =	shalt  }
0x7c: {  	_ =	shalt  }
0x7d: {  	_ =	shalt  }
0x7e: {  	_ =	shalt  }
0x7f: {  	_ =	shalt  }
0x80: {  	_ =	shalt  }
0x81: {  	_ =	shalt  }
0x82: {  	_ =	shalt  }
0x83: {  	_ =	shalt  }
0x84: {  	_ =	shalt  }
0x85: {  	_ =	shalt  }
0x86: {  	_ =	shalt  }
0x87: {  	_ =	shalt  }
.Lfunc_end0:
.L_simem_size_0:
called_computation_lowered:
.L_overlay_start_0:
0x88: {  	s2 =	sld [smem:$0x3FD9]  }
0x89: {  	s3 =	sld [smem:$0x3FFE];
	_ =	sdelay $0x1  }
0x8a: {  	s1 =	srdreg.scid  }
0x8b: {  	s0 =	sand.u32 $0x1, s1  }
0x8c: {  	s17 =	sshll.u32 s0, $0xA;
	s2 =	sadd.s32 s3, s2  }
0x8d: {  	s2 =	sadd.s32 s2, s17  }
0x8e: {  	[smem:$0x3FC6] =	sst s2  }
0x8f: {  	_ = 	snop  }
0x90: {  	s2 =	sld [smem:$0x3FD0];
	(tm) =	ssettm $0x1  }
0x91: {  	s18 =	sld [smem:$0x3FFB];
	_ =	sdelay $0x3  }
0x92: {  	_ =	strace s18  }
0x93: {  	s3 =	sld [smem:$0x3FFC];
	_ =	sdelay $0x3  }
0x94: {  	_ =	strace s3  }
0x95: {  	s3 =	sld [smem:$0x3FFD];
	_ =	sdelay $0x3  }
0x96: {  	_ =	strace s3  }
0x97: {  	_ =	strace $0x8FFFFFFF  }
0x98: {  	s19 =	sld [smem:$0x3FDB];
	_ =	sdelay $0x1  }
0x99: {  	s4 =	simm.s32 $_scs_section_size  }
0x9a: {  	s5 =	simm.s32 $_size__tile_overlayer_lowered;
	s6 =	simm.s32 $_tile_overlayer_lowered  }
0x9b: {  	s22 =	simm.s32 $0x1BFF;
	s21 =	sshll.u32 s6, $0x1;
	s3 =	sadd.s32 s4, s19  }
0x9c: {  	s7 =	simm.s32 $0x0;
	s20 =	sshll.u32 s5, $0x1;
	s5 =	sadd.s32 s21, s3  }
0x9d: {  	[timem:s7], [sflag:s22] =	dma.local [hbm:s5], s20  }
0x9e: {  	_ =	swait.ge [sflag:s22], s20  }
0x9f: {  	s4 =	ssub.s32 $0x0, s20;
	[sflag:s22] =	ssyncset.done $0x0  }
0xa0: {  	[sflag:s22] =	ssyncadd.s32 s4;
	_ =	sdelay $0x1  }
0xa1: {  	s23 =	simm.s32 $0x1B8B  }
0xa2: {  	_ =	swait.ge [sflag:s23], $0x1  }
0xa3: {  	[sflag:s23] =	ssyncset.done $0x0  }
0xa4: {  	s25 =	simm.s32 $0x1B8E;
	s24 =	sld [smem:$0x3FFE];
	[sflag:s23] =	ssyncadd.s32 $0xFFFFFFFF  }
0xa5: {  	s26 =	simm.s32 $execute0_lowered;
	[smem:$0x3FD2] =	sst s25  }
0xa6: {  	s5 =	sshll.u32 s26, $0x1;
	_ =	strace $0x80000046;
	[dreg:$0x1] =	wrdreg $0xFFFFFFFF  }
0xa7: {  	s28 =	simm.s32 $_size_execute0_lowered;
	s3 =	sadd.s32 s3, s5;
	[dreg:$0x0] =	wrdreg $0x0  }
0xa8: {  	s5 =	sshll.u32 s28, $0x1;
	[dreg:$0x2] =	wrdreg s3  }
0xa9: {  	[dreg:$0x3] =	wrdreg s5  }
0xaa: {  	[dreg:$0x4] =	wrdreg $0xC0  }
0xab: {  	_ =	task [dreg:s7], $0x5FFFF  }
0xac: {  	[dreg:$0x1] =	wrdreg $0xFFFFFFFF  }
0xad: {  	[dreg:$0x0] =	wrdreg $0x60  }
0xae: {  	[dreg:$0x2] =	wrdreg s24  }
0xaf: {  	[dreg:$0x3] =	wrdreg s2  }
0xb0: {  	[dreg:$0x4] =	wrdreg $0x9  }
0xb1: {  	_ =	task.clear_ibuf [dreg:s7], $0x5FFFF;
	_ =	strace $0x90000046  }
0xb2: {  	s29 =	simm.s32 $0x9;
	_ =	strace $0x80000048  }
0xb3: {  	_ =	swait.ge [sflag:s29], $0x1  }
0xb4: {  	[sflag:s29] =	ssyncadd.s32 $0xFFFFFFFF  }
0xb5: {  	_ =	strace $0x90000048  }
0xb6: {  	_ =	sfence  }
0xb7: {  	s30 =	sld [smem:$0x0];
	_ =	sdelay $0x2  }
0xb8: {  	s31 =	sshll.u32 s1, $0xD;
	s1 =	sshrl.u32 s1, $0x2  }
0xb9: {  	s3 =	sand.u32 $0x4000, s31;
	s1 =	sadd.s32 s1, s30  }
0xba: {  	s0 =	sor.u32 s3, s0;
	s1 =	sshll.u32 s1, $0x11  }
0xbb: {  	s0 =	sor.u32 s1, s0  }
0xbc: {  	s0 =	sadd.s32 $0x8F2B, s0  }
0xbd: {  	[sflag:s0] =	ssyncadd.remote.s32 $0x1  }
0xbe: {  	_ =	sfence.sel $0xFFFF  }
0xbf: {  	[dreg:$0x0] =	wrdreg $0xFFFFFFFF;
	(pc) =	sbr.abs _section_cstart, $3  }
0xc0: {  	[dreg:$0x1] =	wrdreg $0xFFFFFFFF  }
0xc1: {  	_ =	task.clear_ibuf [dreg:s7], $0x2FFFF;
	_ =	strace $0x9FFFFFFF  }
0xc2: {  	(tm) =	ssettm $0x7FFFFFFF  }
0xc3: {  	_ =	shalt  }
tec
execute0_lowered:
.L_overlay_start_1:
0x0: {  	(tag) =	ssettag $0x1  }
0x1: {  	v4 =	vlaneseq.u32;
	vm14 =	vcmask $0x300  }
0x2: {  	v1 =	vimm.s32 $0xF;
	vm15 =	vcmask $0x704;
	v2 =	vimm.s32 $0x87654321  }
0x3: {  	vm13 =	vcmask $0xB08;
	vm12 =	vcmask $0xF0C;
	v1 =	vsel vm14, $0x80, v1  }
0x4: {  	vm11 =	vcmask $0x1310;
	vm10 =	vcmask $0x1714;
	v1 =	vsel vm15, $0x101, v1  }
0x5: {  	vm9 =	vcmask $0x1B18;
	v2 =	vunpack.c.l.s4.s8 v2;
	v1 =	vsel vm13, $0x182, v1  }
0x6: {  	vm8 =	vcmask $0x1F1C;
	vm7 =	vcmask $0x2320;
	v3 =	vsel vm12, $0x203, v1  }
0x7: {  	vm6 =	vcmask $0x2724;
	v1 =	vunpack.c.0.s8.s32 v2;
	v2 =	vsel vm11, $0x284, v3  }
0x8: {  	vm5 =	vcmask $0x2B28;
	v0 =	vmul.u32 $0x20, v4;
	v2 =	vsel vm10, $0x305, v2  }
0x9: {  	v34 =	vmul.u32 $0x81, v4;
	v4 =	vimm.s32 $0x8F;
	v2 =	vsel vm9, $0x386, v2  }
0xa: {  	vm4 =	vcmask $0x2F2C;
	v4 =	vsel vm14, $0x100, v4;
	v2 =	vsel vm8, $0x407, v2  }
0xb: {  	vm2 =	vcmask $0x3330;
	v4 =	vsel vm15, $0x181, v4;
	v2 =	vsel vm7, $0x488, v2  }
0xc: {  	vm1 =	vcmask $0x3734;
	v4 =	vsel vm13, $0x202, v4;
	v2 =	vsel vm6, $0x509, v2  }
0xd: {  	vm3 =	vcmask $0x3B38;
	v4 =	vsel vm12, $0x283, v4;
	v2 =	vsel vm5, $0x58A, v2  }
0xe: {  	v5 =	vimm.s32 $0x10FEDCBA;
	v4 =	vsel vm11, $0x304, v4;
	v2 =	vsel vm4, $0x60B, v2  }
0xf: {  	v7 =	vimm.s32 $0x10F;
	v4 =	vsel vm10, $0x385, v4;
	v2 =	vsel vm2, $0x68C, v2  }
0x10: {  	v9 =	vimm.s32 $0x18F;
	v6 =	vsel vm9, $0x406, v4;
	v2 =	vsel vm1, $0x70D, v2  }
0x11: {  	v4 =	vsel vm3, $0x78E, v2;
	v2 =	vunpack.c.l.s4.s8 v5;
	v5 =	vsel vm8, $0x487, v6  }
0x12: {  	v10 =	vimm.s32 $0xBA987654;
	v6 =	vimm.s32 $0x98765432;
	v5 =	vsel vm7, $0x508, v5  }
0x13: {  	v7 =	vsel vm14, $0x180, v7;
	v6 =	vunpack.c.l.s4.s8 v6;
	v5 =	vsel vm6, $0x589, v5  }
0x14: {  	v20 =	vunpack.c.0.s8.s32 v2;
	v2 =	vsel vm5, $0x60A, v5;
	v5 =	vsel vm15, $0x201, v7  }
0x15: {  	v12 =	vimm.s32 $0xCBA98765;
	v14 =	vimm.s32 $0x543210FE;
	v5 =	vsel vm13, $0x282, v5  }
0x16: {  	v21 =	vunpack.c.0.s8.s32 v6;
	v6 =	vimm.s32 $0x210FEDCB;
	v5 =	vsel vm12, $0x303, v5  }
0x17: {  	v7 =	vimm.s32 $0xA9876543;
	v6 =	vunpack.c.l.s4.s8 v6;
	v5 =	vsel vm11, $0x384, v5  }
0x18: {  	v2 =	vsel vm4, $0x68B, v2;
	v7 =	vunpack.c.l.s4.s8 v7;
	v5 =	vsel vm10, $0x405, v5  }
0x19: {  	v8 =	vcombine.low v21, v20;
	v22 =	vunpack.c.0.s8.s32 v6;
	v6 =	vsel vm9, $0x486, v5  }
0x1a: {  	v2 =	vsel vm2, $0x70C, v2;
	v23 =	vunpack.c.0.s8.s32 v7;
	v6 =	vsel vm8, $0x507, v6  }
0x1b: {  	v2 =	vsel vm1, $0x78D, v2;
	v7 =	vand.u32 $0xF, v8;
	v8 =	vsel vm7, $0x588, v6  }
0x1c: {  	v6 =	vsel vm3, $0xE, v2;
	v2 =	vsel vm6, $0x609, v8;
	v8 =	vsel vm14, $0x200, v9  }
0x1d: {  	v10 =	vunpack.c.l.s4.s8 v10;
	v9 =	vimm.s32 $0x3210FEDC;
	v8 =	vsel vm15, $0x281, v8  }
0x1e: {  	v15 =	vimm.s32 $0xDCBA9876;
	v9 =	vunpack.c.l.s4.s8 v9;
	v8 =	vsel vm13, $0x302, v8  }
0x1f: {  	v12 =	vunpack.c.l.s4.s8 v12;
	v25 =	vunpack.c.0.s8.s32 v10;
	v8 =	vsel vm12, $0x383, v8  }
0x20: {  	v24 =	vunpack.c.0.s8.s32 v9;
	v9 =	vimm.s32 $0x20F;
	v8 =	vsel vm11, $0x404, v8  }
0x21: {  	v2 =	vsel vm5, $0x68A, v2;
	v9 =	vsel vm14, $0x280, v9;
	v8 =	vsel vm10, $0x485, v8  }
0x22: {  	v2 =	vsel vm4, $0x70B, v2;
	v9 =	vsel vm15, $0x301, v9;
	v8 =	vsel vm9, $0x506, v8  }
0x23: {  	v2 =	vsel vm2, $0x78C, v2;
	v9 =	vsel vm13, $0x382, v9;
	v8 =	vsel vm8, $0x587, v8  }
0x24: {  	v2 =	vsel vm1, $0xD, v2;
	v10 =	vcombine.low v25, v24;
	v11 =	vsel vm7, $0x608, v8  }
0x25: {  	v35 =	vsel vm3, $0x8E, v2;
	v2 =	vsel vm6, $0x689, v11;
	v11 =	vsel vm12, $0x403, v9  }
0x26: {  	v27 =	vunpack.c.0.s8.s32 v12;
	v9 =	vmovc v6;
	v6 =	vand.u32 $0xF, v10;
	v10 =	vsel vm11, $0x484, v11  }
0x27: {  	[tilespmem:$0x1FBB0] =	vst v7;
	v7 =	vcombine.low v23, v22;
	v11 =	vimm.s32 $0x43210FED;
	v10 =	vsel vm10, $0x505, v10  }
0x28: {  	v2 =	vsel vm5, $0x70A, v2;
	v11 =	vunpack.c.l.s4.s8 v11;
	v10 =	vsel vm9, $0x586, v10  }
0x29: {  	v7 =	vand.u32 $0xF, v7;
	v2 =	vsel vm4, $0x78B, v2;
	v10 =	vsel vm8, $0x607, v10  }
0x2a: {  	v26 =	vunpack.c.0.s8.s32 v11;
	v11 =	vimm.s32 $0x28F;
	v10 =	vsel vm7, $0x688, v10  }
0x2b: {  	v2 =	vsel vm2, $0xC, v2;
	v11 =	vsel vm14, $0x300, v11;
	v10 =	vsel vm6, $0x709, v10  }
0x2c: {  	v2 =	vsel vm1, $0x8D, v2;
	v11 =	vsel vm15, $0x381, v11;
	v10 =	vsel vm5, $0x78A, v10  }
0x2d: {  	v12 =	vcombine.low v27, v26;
	v11 =	vsel vm13, $0x402, v11;
	v13 =	vsel vm4, $0xB, v10  }
0x2e: {  	[tilespmem:$0x1FBD0] =	vst v6;
	v6 =	vsel vm3, $0x10E, v2;
	v2 =	vsel vm2, $0x8C, v13;
	v13 =	vsel vm12, $0x483, v11  }
0x2f: {  	[tilespmem:$0x1FBC0] =	vst v7;
	v7 =	vmovc v4;
	v4 =	vand.u32 $0xF, v12;
	v2 =	vsel vm1, $0x10D, v2;
	v13 =	vsel vm11, $0x504, v13  }
0x30: {  	[tilespmem:$0x1FBE0] =	vst v4;
	v4 =	vsel vm3, $0x18E, v2;
	v2 =	vsel vm10, $0x585, v13;
	v13 =	vimm.s32 $0x30F  }
0x31: {  	v17 =	vimm.s32 $0x38F;
	v14 =	vunpack.c.l.s4.s8 v14;
	v13 =	vsel vm14, $0x380, v13  }
0x32: {  	v18 =	vimm.s32 $0x76543210;
	v15 =	vunpack.c.l.s4.s8 v15;
	v13 =	vsel vm15, $0x401, v13  }
0x33: {  	[tilespmem:$0x1FB90] =	vst v0;
	v0 =	vimm.s32 $0xFEDCBA9;
	v28 =	vunpack.c.0.s8.s32 v14;
	v13 =	vsel vm13, $0x482, v13  }
0x34: {  	v29 =	vunpack.c.0.s8.s32 v15;
	v14 =	vimm.s32 $0x6543210F;
	v13 =	vsel vm12, $0x503, v13  }
0x35: {  	v15 =	vimm.s32 $0xEDCBA987;
	v2 =	vsel vm9, $0x606, v2;
	v13 =	vsel vm11, $0x584, v13  }
0x36: {  	v14 =	vunpack.c.l.s4.s8 v14;
	v2 =	vsel vm8, $0x687, v2;
	v13 =	vsel vm10, $0x605, v13  }
0x37: {  	v15 =	vunpack.c.l.s4.s8 v15;
	v2 =	vsel vm7, $0x708, v2;
	v13 =	vsel vm9, $0x686, v13  }
0x38: {  	v30 =	vunpack.c.0.s8.s32 v14;
	v2 =	vsel vm6, $0x789, v2;
	v13 =	vsel vm8, $0x707, v13  }
0x39: {  	v31 =	vunpack.c.0.s8.s32 v15;
	v2 =	vsel vm5, $0xA, v2;
	v13 =	vsel vm7, $0x788, v13  }
0x3a: {  	v16 =	vcombine.low v29, v28;
	v2 =	vsel vm4, $0x8B, v2;
	v14 =	vsel vm6, $0x9, v13  }
0x3b: {  	v15 =	vcombine.low v31, v30;
	v2 =	vsel vm2, $0x10C, v2;
	v14 =	vsel vm5, $0x8A, v14  }
0x3c: {  	v2 =	vsel vm1, $0x18D, v2;
	v13 =	vmovc v6;
	v6 =	vand.u32 $0xF, v16;
	v16 =	vsel vm4, $0x10B, v14  }
0x3d: {  	[tilespmem:$0x1FBF0] =	vst v6;
	v6 =	vsel vm3, $0x20E, v2;
	v2 =	vsel vm2, $0x18C, v16;
	v16 =	vsel vm14, $0x400, v17  }
0x3e: {  	v8 =	vand.u32 $0xF, v15;
	v2 =	vsel vm1, $0x20D, v2;
	v17 =	vsel vm15, $0x481, v16  }
0x3f: {  	v15 =	vmovc v4;
	v4 =	vsel vm3, $0x28E, v2;
	v2 =	vsel vm13, $0x502, v17;
	v17 =	vimm.s32 $0x40F  }
0x40: {  	v19 =	vimm.s32 $0xFEDCBA98;
	v0 =	vunpack.c.l.s4.s8 v0;
	v17 =	vsel vm14, $0x480, v17  }
0x41: {  	v19 =	vunpack.c.l.s4.s8 v19;
	v18 =	vunpack.c.l.s4.s8 v18;
	v17 =	vsel vm15, $0x501, v17  }
0x42: {  	v0 =	vunpack.c.0.s8.s32 v0;
	v2 =	vsel vm12, $0x583, v2;
	v17 =	vsel vm13, $0x582, v17  }
0x43: {  	v19 =	vunpack.c.0.s8.s32 v19;
	v2 =	vsel vm11, $0x604, v2;
	v17 =	vsel vm12, $0x603, v17  }
0x44: {  	v3 =	vcombine.low v1, v0;
	v2 =	vsel vm10, $0x685, v2;
	v17 =	vsel vm11, $0x684, v17  }
0x45: {  	v0 =	vcombine.low v0, v1;
	v2 =	vsel vm9, $0x706, v2;
	v17 =	vsel vm10, $0x705, v17  }
0x46: {  	v18 =	vunpack.c.0.s8.s32 v18;
	v19 =	vand.u32 $0xF, v19;
	v2 =	vsel vm8, $0x787, v2  }
0x47: {  	v0 =	vand.u32 $0xF, v0;
	v2 =	vsel vm7, $0x8, v2;
	v32 =	vsel vm9, $0x786, v17  }
0x48: {  	v2 =	vsel vm6, $0x89, v2;
	v17 =	vmovc v6;
	v6 =	vcombine.low v19, v18;
	v18 =	vsel vm8, $0x7, v32  }
0x49: {  	v2 =	vsel vm5, $0x10A, v2;
	v19 =	vimm.s32 $0x48F;
	v18 =	vsel vm7, $0x88, v18  }
0x4a: {  	v2 =	vsel vm4, $0x18B, v2;
	v19 =	vsel vm14, $0x500, v19;
	v18 =	vsel vm6, $0x109, v18  }
0x4b: {  	v2 =	vsel vm2, $0x20C, v2;
	v19 =	vsel vm15, $0x581, v19;
	v18 =	vsel vm5, $0x18A, v18  }
0x4c: {  	v2 =	vsel vm1, $0x28D, v2;
	v19 =	vsel vm13, $0x602, v19;
	v1 =	vsel vm4, $0x20B, v18  }
0x4d: {  	[tilespmem:$0x1FC10] =	vst v6;
	v6 =	vsel vm3, $0x30E, v2;
	v2 =	vsel vm12, $0x683, v19;
	v1 =	vsel vm2, $0x28C, v1  }
0x4e: {  	[tilespmem:$0x1FC20] =	vst v0;
	v0 =	vsel vm1, $0x30D, v1;
	v1 =	vsel vm11, $0x704, v2  }
0x4f: {  	v2 =	vcombine.low v20, v21;
	v21 =	vimm.s32 $0x50F;
	v1 =	vsel vm10, $0x785, v1  }
0x50: {  	v19 =	vmovc v4;
	v4 =	vsel vm3, $0x38E, v0;
	v0 =	vsel vm9, $0x6, v1;
	v1 =	vsel vm14, $0x580, v21  }
0x51: {  	v23 =	vcombine.low v22, v23;
	v2 =	vand.u32 $0xF, v2;
	v1 =	vsel vm15, $0x601, v1  }
0x52: {  	[tilespmem:$0x1FC30] =	vst v2;
	v0 =	vsel vm8, $0x87, v0;
	v2 =	vimm.s32 $0x58F;
	v1 =	vsel vm13, $0x682, v1  }
0x53: {  	v0 =	vsel vm7, $0x108, v0;
	v2 =	vsel vm14, $0x600, v2;
	v1 =	vsel vm12, $0x703, v1  }
0x54: {  	v0 =	vsel vm6, $0x189, v0;
	v2 =	vsel vm15, $0x681, v2;
	v1 =	vsel vm11, $0x784, v1  }
0x55: {  	v0 =	vsel vm5, $0x20A, v0;
	v2 =	vsel vm13, $0x702, v2;
	v1 =	vsel vm10, $0x5, v1  }
0x56: {  	v0 =	vsel vm4, $0x28B, v0;
	v2 =	vsel vm12, $0x783, v2;
	v1 =	vsel vm9, $0x86, v1  }
0x57: {  	v0 =	vsel vm2, $0x30C, v0;
	v2 =	vsel vm11, $0x4, v2;
	v1 =	vsel vm8, $0x107, v1  }
0x58: {  	v0 =	vsel vm1, $0x38D, v0;
	v2 =	vsel vm10, $0x85, v2;
	v1 =	vsel vm7, $0x188, v1  }
0x59: {  	v21 =	vmovc v6;
	v6 =	vsel vm3, $0x40E, v0;
	v0 =	vsel vm6, $0x209, v1;
	v1 =	vsel vm9, $0x106, v2  }
0x5a: {  	v25 =	vcombine.low v24, v25;
	v2 =	vand.u32 $0xF, v23;
	v1 =	vsel vm8, $0x187, v1  }
0x5b: {  	[tilespmem:$0x1FC40] =	vst v2;
	v0 =	vsel vm5, $0x28A, v0;
	v2 =	vimm.s32 $0x60F;
	v1 =	vsel vm7, $0x208, v1  }
0x5c: {  	v0 =	vsel vm4, $0x30B, v0;
	v2 =	vsel vm14, $0x680, v2;
	v1 =	vsel vm6, $0x289, v1  }
0x5d: {  	v0 =	vsel vm2, $0x38C, v0;
	v2 =	vsel vm15, $0x701, v2;
	v1 =	vsel vm5, $0x30A, v1  }
0x5e: {  	v0 =	vsel vm1, $0x40D, v0;
	v2 =	vsel vm13, $0x782, v2;
	v1 =	vsel vm4, $0x38B, v1  }
0x5f: {  	v23 =	vmovc v4;
	v4 =	vsel vm3, $0x48E, v0;
	v0 =	vsel vm2, $0x40C, v1;
	v1 =	vsel vm12, $0x3, v2  }
0x60: {  	v2 =	vand.u32 $0xF, v25;
	v0 =	vsel vm1, $0x48D, v0;
	v1 =	vsel vm11, $0x84, v1  }
0x61: {  	[tilespmem:$0x1FC50] =	vst v2;
	v2 =	vcombine.low v26, v27;
	v27 =	vimm.s32 $0x68F;
	v1 =	vsel vm10, $0x105, v1  }
0x62: {  	v25 =	vmovc v6;
	v6 =	vsel vm3, $0x50E, v0;
	v0 =	vsel vm9, $0x186, v1;
	v1 =	vsel vm14, $0x700, v27  }
0x63: {  	v2 =	vand.u32 $0xF, v2;
	v1 =	vsel vm15, $0x781, v1  }
0x64: {  	[tilespmem:$0x1FC60] =	vst v2;
	v0 =	vsel vm8, $0x207, v0;
	v2 =	vimm.s32 $0x70F;
	v1 =	vsel vm13, $0x2, v1  }
0x65: {  	v0 =	vsel vm7, $0x288, v0;
	v2 =	vsel vm14, $0x780, v2;
	v1 =	vsel vm12, $0x83, v1  }
0x66: {  	v0 =	vsel vm6, $0x309, v0;
	v2 =	vsel vm15, $0x1, v2;
	v1 =	vsel vm11, $0x104, v1  }
0x67: {  	v0 =	vsel vm5, $0x38A, v0;
	v2 =	vsel vm13, $0x82, v2;
	v1 =	vsel vm10, $0x185, v1  }
0x68: {  	v0 =	vsel vm4, $0x40B, v0;
	v2 =	vsel vm12, $0x103, v2;
	v1 =	vsel vm9, $0x206, v1  }
0x69: {  	v0 =	vsel vm2, $0x48C, v0;
	v2 =	vsel vm11, $0x184, v2;
	v1 =	vsel vm8, $0x287, v1  }
0x6a: {  	v0 =	vsel vm1, $0x50D, v0;
	v2 =	vsel vm10, $0x205, v2;
	v1 =	vsel vm7, $0x308, v1  }
0x6b: {  	v32 =	vsel vm3, $0x58E, v0;
	v0 =	vsel vm6, $0x389, v1;
	v1 =	vsel vm9, $0x286, v2  }
0x6c: {  	v29 =	vcombine.low v28, v29;
	v31 =	vcombine.low v30, v31;
	v1 =	vsel vm8, $0x307, v1  }
0x6d: {  	v2 =	vimm.s32 $0x80F;
	v0 =	vsel vm5, $0x40A, v0;
	v1 =	vsel vm7, $0x388, v1  }
0x6e: {  	v2 =	vsel vm14, $0x880, v2;
	v0 =	vsel vm4, $0x48B, v0;
	v1 =	vsel vm6, $0x409, v1  }
0x6f: {  	v2 =	vsel vm15, $0x901, v2;
	v0 =	vsel vm2, $0x50C, v0;
	v1 =	vsel vm5, $0x48A, v1  }
0x70: {  	v2 =	vsel vm13, $0x982, v2;
	v0 =	vsel vm1, $0x58D, v0;
	v1 =	vsel vm4, $0x50B, v1  }
0x71: {  	v36 =	vsel vm3, $0x60E, v0;
	v0 =	vsel vm2, $0x58C, v1;
	v1 =	vsel vm12, $0xA03, v2  }
0x72: {  	v54 =	vand.u32 $0xF, v31;
	v0 =	vsel vm1, $0x60D, v0;
	v1 =	vsel vm11, $0xA84, v1  }
0x73: {  	v2 =	vimm.s32 $0x101F1E1D;
	v31 =	vsel vm3, $0x68E, v0;
	v0 =	vsel vm10, $0xB05, v1  }
0x74: {  	v52 =	vand.u32 $0xF, v29;
	v29 =	vmovc v6;
	v6 =	vunpack.c.0.s8.s32 v2;
	v0 =	vsel vm9, $0xB86, v0  }
0x75: {  	v2 =	vimm.s32 $0x88F;
	v1 =	vimm.s32 $0x1C1B1A19;
	v0 =	vsel vm8, $0xC07, v0  }
0x76: {  	v27 =	vmovc v4;
	v4 =	vunpack.c.0.s8.s32 v1;
	v1 =	vimm.s32 $0x14131211;
	v0 =	vsel vm7, $0xC88, v0  }
0x77: {  	[tilespmem:$0x1FC00] =	vst v8;
	v8 =	vunpack.c.0.s8.s32 v1;
	v1 =	vsel vm14, $0x900, v2;
	v0 =	vsel vm6, $0xD09, v0  }
0x78: {  	v1 =	vsel vm15, $0x981, v1;
	v0 =	vsel vm5, $0xD8A, v0  }
0x79: {  	v1 =	vsel vm13, $0xA02, v1;
	v0 =	vsel vm4, $0xE0B, v0  }
0x7a: {  	v1 =	vsel vm12, $0xA83, v1;
	v0 =	vsel vm2, $0xE8C, v0  }
0x7b: {  	v1 =	vsel vm11, $0xB04, v1;
	v0 =	vsel vm1, $0xF0D, v0  }
0x7c: {  	v41 =	vsel vm3, $0xF8E, v0;
	v0 =	vsel vm10, $0xB85, v1  }
0x7d: {  	v0 =	vsel vm9, $0xC06, v0  }
0x7e: {  	v0 =	vsel vm8, $0xC87, v0  }
0x7f: {  	v0 =	vsel vm7, $0xD08, v0  }
0x80: {  	v0 =	vsel vm6, $0xD89, v0  }
0x81: {  	v0 =	vsel vm5, $0xE0A, v0  }
0x82: {  	v0 =	vsel vm4, $0xE8B, v0  }
0x83: {  	v0 =	vsel vm2, $0xF0C, v0  }
0x84: {  	v0 =	vsel vm1, $0xF8D, v0  }
0x85: {  	v57 =	vsel vm3, $0x80E, v0;
	v0 =	vimm.s32 $0x1E1D1C1B  }
0x86: {  	v2 =	vimm.s32 $0x18171615;
	v0 =	vunpack.c.0.s8.s32 v0  }
0x87: {  	v10 =	vunpack.c.0.s8.s32 v2;
	v2 =	vimm.s32 $0x90F  }
0x88: {  	v2 =	vsel vm14, $0x980, v2;
	[tilespmem:$0x1FC70] =	vst v0;
	v0 =	vimm.s32 $0x1211101F  }
0x89: {  	v1 =	vsel vm15, $0xA01, v2;
	v0 =	vunpack.c.0.s8.s32 v0  }
0x8a: {  	v1 =	vsel vm13, $0xA82, v1  }
0x8b: {  	v1 =	vsel vm12, $0xB03, v1;
	[tilespmem:$0x1FC80] =	vst v0;
	v0 =	vimm.s32 $0x16151413  }
0x8c: {  	v1 =	vsel vm11, $0xB84, v1;
	v0 =	vunpack.c.0.s8.s32 v0  }
0x8d: {  	v1 =	vsel vm10, $0xC05, v1  }
0x8e: {  	v1 =	vsel vm9, $0xC86, v1;
	[tilespmem:$0x1FC90] =	vst v0;
	v0 =	vimm.s32 $0x1A191817  }
0x8f: {  	v1 =	vsel vm8, $0xD07, v1;
	v0 =	vunpack.c.0.s8.s32 v0  }
0x90: {  	v1 =	vsel vm7, $0xD88, v1  }
0x91: {  	v1 =	vsel vm6, $0xE09, v1;
	[tilespmem:$0x1FCA0] =	vst v0;
	v0 =	vimm.s32 $0x1F1E1D1C  }
0x92: {  	v1 =	vsel vm5, $0xE8A, v1;
	v0 =	vunpack.c.0.s8.s32 v0  }
0x93: {  	v1 =	vsel vm4, $0xF0B, v1  }
0x94: {  	v1 =	vsel vm2, $0xF8C, v1;
	[tilespmem:$0x1FCB0] =	vst v0;
	v0 =	vimm.s32 $0x13121110  }
0x95: {  	v3 =	vand.u32 $0xF, v3;
	v1 =	vsel vm1, $0x80D, v1;
	v0 =	vunpack.c.0.s8.s32 v0  }
0x96: {  	[tilespmem:$0x1FBA0] =	vst v3;
	v59 =	vsel vm3, $0x88E, v1;
	v1 =	vimm.s32 $0x17161514  }
0x97: {  	v3 =	vlaneseq.u32;
	[tilespmem:$0x1FCC0] =	vst v0;
	v0 =	vunpack.c.0.s8.s32 v1  }
0x98: {  	vm0 =	vcmask $0x1F10;
	v58 =	vor.u32 $0x10, v3;
	v2 =	vimm.s32 $0x1D1C1B1A  }
0x99: {  	v12 =	vunpack.c.0.s8.s32 v2;
	v2 =	vimm.s32 $0x11101F1E;
	[tilespmem:$0x1FCD0] =	vst v0;
	v0 =	vimm.s32 $0x1B1A1918  }
0x9a: {  	v14 =	vunpack.c.0.s8.s32 v2;
	v2 =	vimm.s32 $0x15141312;
	v0 =	vunpack.c.0.s8.s32 v0  }
0x9b: {  	v5 =	vor.u32 $0x800, v34;
	v16 =	vunpack.c.0.s8.s32 v2;
	v2 =	vimm.s32 $0x19181716  }
0x9c: {  	v18 =	vunpack.c.0.s8.s32 v2;
	v1 =	vimm.s32 $0xA0F;
	[tilespmem:$0x1FCE0] =	vst v0;
	v0 =	vimm.s32 $0x98F  }
0x9d: {  	v2 =	vimm.s32 $0xA8F;
	v1 =	vsel vm14, $0xA80, v1;
	v0 =	vsel vm14, $0xA00, v0  }
0x9e: {  	v2 =	vsel vm14, $0xB00, v2;
	v1 =	vsel vm15, $0xB01, v1;
	v0 =	vsel vm15, $0xA81, v0  }
0x9f: {  	v2 =	vsel vm15, $0xB81, v2;
	v1 =	vsel vm13, $0xB82, v1;
	v0 =	vsel vm13, $0xB02, v0  }
0xa0: {  	v2 =	vsel vm13, $0xC02, v2;
	v1 =	vsel vm12, $0xC03, v1;
	v0 =	vsel vm12, $0xB83, v0  }
0xa1: {  	v2 =	vsel vm12, $0xC83, v2;
	v1 =	vsel vm11, $0xC84, v1;
	v0 =	vsel vm11, $0xC04, v0  }
0xa2: {  	v2 =	vsel vm11, $0xD04, v2;
	v1 =	vsel vm10, $0xD05, v1;
	v0 =	vsel vm10, $0xC85, v0  }
0xa3: {  	v2 =	vsel vm10, $0xD85, v2;
	v1 =	vsel vm9, $0xD86, v1;
	v0 =	vsel vm9, $0xD06, v0  }
0xa4: {  	v2 =	vsel vm9, $0xE06, v2;
	v1 =	vsel vm8, $0xE07, v1;
	v0 =	vsel vm8, $0xD87, v0  }
0xa5: {  	v2 =	vsel vm8, $0xE87, v2;
	v1 =	vsel vm7, $0xE88, v1;
	v0 =	vsel vm7, $0xE08, v0  }
0xa6: {  	v2 =	vsel vm7, $0xF08, v2;
	v1 =	vsel vm6, $0xF09, v1;
	v0 =	vsel vm6, $0xE89, v0  }
0xa7: {  	v2 =	vsel vm6, $0xF89, v2;
	v1 =	vsel vm5, $0xF8A, v1;
	v0 =	vsel vm5, $0xF0A, v0  }
0xa8: {  	v2 =	vsel vm5, $0x80A, v2;
	v1 =	vsel vm4, $0x80B, v1;
	v0 =	vsel vm4, $0xF8B, v0  }
0xa9: {  	v2 =	vsel vm4, $0x88B, v2;
	v1 =	vsel vm2, $0x88C, v1;
	v0 =	vsel vm2, $0x80C, v0  }
0xaa: {  	v2 =	vsel vm2, $0x90C, v2;
	v1 =	vsel vm1, $0x90D, v1;
	v0 =	vsel vm1, $0x88D, v0  }
0xab: {  	v56 =	vsel vm3, $0x90E, v0;
	v0 =	vsel vm3, $0x98E, v1;
	v1 =	vimm.s32 $0xB8F  }
0xac: {  	[tilespmem:$0x1FCF0] =	vst v0;
	v0 =	vsel vm1, $0x98D, v2;
	v1 =	vsel vm14, $0xC00, v1;
	v2 =	vimm.s32 $0xC0F  }
0xad: {  	v11 =	vsel vm3, $0xA0E, v0;
	v0 =	vimm.s32 $0xB0F;
	v1 =	vsel vm15, $0xC81, v1  }
0xae: {  	v2 =	vsel vm14, $0xC80, v2;
	v0 =	vsel vm14, $0xB80, v0;
	v1 =	vsel vm13, $0xD02, v1  }
0xaf: {  	v2 =	vsel vm15, $0xD01, v2;
	v0 =	vsel vm15, $0xC01, v0;
	v1 =	vsel vm12, $0xD83, v1  }
0xb0: {  	v2 =	vsel vm13, $0xD82, v2;
	v0 =	vsel vm13, $0xC82, v0;
	v1 =	vsel vm11, $0xE04, v1  }
0xb1: {  	s3 =	stileid.u32;
	v2 =	vsel vm12, $0xE03, v2;
	v0 =	vsel vm12, $0xD03, v0;
	v1 =	vsel vm10, $0xE85, v1  }
0xb2: {  	s0 =	rddreg [dreg:$0x0];
	s4 =	sshll.u32 s3, $0x1;
	s3 =	simm.s32 $0x0;
	v2 =	vsel vm11, $0xE84, v2;
	v0 =	vsel vm11, $0xD84, v0;
	v1 =	vsel vm9, $0xF06, v1  }
0xb3: {  	[smem:$0x7FF] =	sst s3;
	v2 =	vsel vm10, $0xF05, v2;
	v0 =	vsel vm10, $0xE05, v0;
	v1 =	vsel vm8, $0xF87, v1  }
0xb4: {  	s2 =	rddreg [dreg:$0x1];
	_ =	strace $0x80000047;
	[tilespmem:$0x1FD00] =	vst v4;
	v2 =	vsel vm9, $0xF86, v2;
	v0 =	vsel vm9, $0xE86, v0;
	v1 =	vsel vm7, $0x808, v1  }
0xb5: {  	[tilespmem:$0x1FD10] =	vst v6;
	v2 =	vsel vm8, $0x807, v2;
	v0 =	vsel vm8, $0xF07, v0;
	v1 =	vsel vm6, $0x889, v1  }
0xb6: {  	[tilespmem:$0x1FD20] =	vst v8;
	v2 =	vsel vm7, $0x888, v2;
	v0 =	vsel vm7, $0xF88, v0;
	v1 =	vsel vm5, $0x90A, v1  }
0xb7: {  	[tilespmem:$0x1FD30] =	vst v10;
	v2 =	vsel vm6, $0x909, v2;
	v0 =	vsel vm6, $0x809, v0;
	v1 =	vsel vm4, $0x98B, v1  }
0xb8: {  	[tilespmem:$0x1FD40] =	vst v12;
	v2 =	vsel vm5, $0x98A, v2;
	v0 =	vsel vm5, $0x88A, v0;
	v1 =	vsel vm2, $0xA0C, v1  }
0xb9: {  	[tilespmem:$0x1FD50] =	vst v14;
	v2 =	vsel vm4, $0xA0B, v2;
	v0 =	vsel vm4, $0x90B, v0;
	v1 =	vsel vm1, $0xA8D, v1  }
0xba: {  	[tilespmem:$0x1FD60] =	vst v16;
	v0 =	vsel vm2, $0x98C, v0;
	v60 =	vsel vm3, $0xB0E, v1;
	v1 =	vimm.s32 $0xD0F  }
0xbb: {  	[tilespmem:$0x1FD70] =	vst v18;
	v2 =	vsel vm2, $0xA8C, v2;
	v0 =	vsel vm1, $0xA0D, v0;
	v1 =	vsel vm14, $0xD80, v1  }
0xbc: {  	[tilespmem:$0x1FD80] =	vst v5;
	v62 =	vsel vm3, $0xA8E, v0;
	v0 =	vsel vm1, $0xB0D, v2;
	v2 =	vimm.s32 $0xD8F  }
0xbd: {  	[tilespmem:$0x1FDF0] =	vst v34;
	v1 =	vsel vm15, $0xE01, v1;
	v28 =	vsel vm3, $0xB8E, v0;
	v0 =	vimm.s32 $0xC8F  }
0xbe: {  	[tilespmem:$0x1FE00] =	vst v7;
	v2 =	vsel vm14, $0xE00, v2;
	v1 =	vsel vm13, $0xE82, v1;
	v0 =	vsel vm14, $0xD00, v0  }
0xbf: {  	[tilespmem:$0x1FE10] =	vst v9;
	v2 =	vsel vm15, $0xE81, v2;
	v1 =	vsel vm12, $0xF03, v1;
	v0 =	vsel vm15, $0xD81, v0  }
0xc0: {  	[tilespmem:$0x1FE20] =	vst v35;
	v2 =	vsel vm13, $0xF02, v2;
	v1 =	vsel vm11, $0xF84, v1;
	v0 =	vsel vm13, $0xE02, v0  }
0xc1: {  	[tilespmem:$0x1FE30] =	vst v13;
	v2 =	vsel vm12, $0xF83, v2;
	v1 =	vsel vm10, $0x805, v1;
	v0 =	vsel vm12, $0xE83, v0  }
0xc2: {  	[tilespmem:$0x1FE40] =	vst v15;
	v2 =	vsel vm11, $0x804, v2;
	v1 =	vsel vm9, $0x886, v1;
	v0 =	vsel vm11, $0xF04, v0  }
0xc3: {  	[tilespmem:$0x1FE50] =	vst v17;
	v2 =	vsel vm10, $0x885, v2;
	v1 =	vsel vm8, $0x907, v1;
	v0 =	vsel vm10, $0xF85, v0  }
0xc4: {  	[tilespmem:$0x1FE60] =	vst v19;
	v2 =	vsel vm9, $0x906, v2;
	v1 =	vsel vm7, $0x988, v1;
	v0 =	vsel vm9, $0x806, v0  }
0xc5: {  	[tilespmem:$0x1FE70] =	vst v21;
	v2 =	vsel vm8, $0x987, v2;
	v1 =	vsel vm6, $0xA09, v1;
	v0 =	vsel vm8, $0x887, v0  }
0xc6: {  	[tilespmem:$0x1FE80] =	vst v23;
	v2 =	vsel vm7, $0xA08, v2;
	v1 =	vsel vm5, $0xA8A, v1;
	v0 =	vsel vm7, $0x908, v0  }
0xc7: {  	[tilespmem:$0x1FE90] =	vst v25;
	v2 =	vsel vm6, $0xA89, v2;
	v1 =	vsel vm4, $0xB0B, v1;
	v0 =	vsel vm6, $0x989, v0  }
0xc8: {  	[tilespmem:$0x1FEA0] =	vst v27;
	v2 =	vsel vm5, $0xB0A, v2;
	v1 =	vsel vm2, $0xB8C, v1;
	v0 =	vsel vm5, $0xA0A, v0  }
0xc9: {  	[tilespmem:$0x1FEB0] =	vst v29;
	v2 =	vsel vm4, $0xB8B, v2;
	v1 =	vsel vm1, $0xC0D, v1;
	v0 =	vsel vm4, $0xA8B, v0  }
0xca: {  	[tilespmem:$0x1FEC0] =	vst v32;
	v24 =	vsel vm3, $0xC8E, v1;
	v1 =	vimm.s32 $0xE8F;
	v0 =	vsel vm2, $0xB0C, v0  }
0xcb: {  	[tilespmem:$0x1FED0] =	vst v52;
	v2 =	vsel vm2, $0xC0C, v2;
	v1 =	vsel vm14, $0xF00, v1;
	v0 =	vsel vm1, $0xB8D, v0  }
0xcc: {  	[tilespmem:$0x1FEE0] =	vst v36;
	v1 =	vsel vm15, $0xF81, v1;
	v22 =	vsel vm3, $0xC0E, v0;
	v0 =	vsel vm1, $0xC8D, v2  }
0xcd: {  	[tilespmem:$0x1FEF0] =	vst v54;
	v2 =	vimm.s32 $0xF0F;
	v20 =	vsel vm3, $0xD0E, v0;
	v0 =	vimm.s32 $0xE0F  }
0xce: {  	[tilespmem:$0x1FF00] =	vst v31;
	v1 =	vsel vm13, $0x802, v1;
	v2 =	vsel vm14, $0xF80, v2;
	v0 =	vsel vm14, $0xE80, v0  }
0xcf: {  	[tilespmem:$0x1FF10] =	vst v41;
	v1 =	vsel vm12, $0x883, v1;
	v2 =	vsel vm15, $0x801, v2;
	v0 =	vsel vm15, $0xF01, v0  }
0xd0: {  	[tilespmem:$0x1FF20] =	vst v57;
	v1 =	vsel vm11, $0x904, v1;
	v2 =	vsel vm13, $0x882, v2;
	v0 =	vsel vm13, $0xF82, v0  }
0xd1: {  	[tilespmem:$0x1FF30] =	vst v59;
	v1 =	vsel vm10, $0x985, v1;
	v2 =	vsel vm12, $0x903, v2;
	v0 =	vsel vm12, $0x803, v0  }
0xd2: {  	[tilespmem:$0x1FFE0] =	vst v56;
	v1 =	vsel vm9, $0xA06, v1;
	v2 =	vsel vm11, $0x984, v2;
	v0 =	vsel vm11, $0x884, v0  }
0xd3: {  	[tilespmem:$0x1FFF0] =	vst v58;
	v1 =	vsel vm8, $0xA87, v1;
	v2 =	vsel vm10, $0xA05, v2;
	v0 =	vsel vm10, $0x905, v0  }
0xd4: {  	[tilespmem:$0x1FF40] =	vst v11;
	v1 =	vsel vm7, $0xB08, v1;
	v2 =	vsel vm9, $0xA86, v2;
	v0 =	vsel vm9, $0x986, v0  }
0xd5: {  	[tilespmem:$0x1FF60] =	vst v60;
	v1 =	vsel vm6, $0xB89, v1;
	v2 =	vsel vm8, $0xB07, v2;
	v0 =	vsel vm8, $0xA07, v0  }
0xd6: {  	[tilespmem:$0x1FF50] =	vst v62;
	v1 =	vsel vm5, $0xC0A, v1;
	v2 =	vsel vm7, $0xB88, v2;
	v0 =	vsel vm7, $0xA88, v0  }
0xd7: {  	s1 =	srdreg.scid;
	[tilespmem:$0x1FF70] =	vst v28;
	v1 =	vsel vm4, $0xC8B, v1;
	v2 =	vsel vm6, $0xC09, v2;
	v0 =	vsel vm6, $0xB09, v0  }
0xd8: {  	s15 =	simm.s32 $0x80;
	s18 =	simm.s32 $0x6400;
	s19 =	simm.s32 $0x7400;
	[tilespmem:$0x1FF90] =	vst v24;
	v1 =	vsel vm2, $0xD0C, v1;
	v2 =	vsel vm5, $0xC8A, v2;
	v0 =	vsel vm5, $0xB8A, v0  }
0xd9: {  	s20 =	simm.s32 $0x1;
	s21 =	simm.s32 $0x8400;
	s22 =	simm.s32 $0x8800;
	[tilespmem:$0x1FF80] =	vst v22;
	v1 =	vsel vm1, $0xD8D, v1;
	v2 =	vsel vm4, $0xD0B, v2;
	v0 =	vsel vm4, $0xC0B, v0  }
0xda: {  	s23 =	simm.s32 $0x8C00;
	s24 =	simm.s32 $0x9000;
	s28 =	simm.s32 $0x9400;
	[tilespmem:$0x1FFA0] =	vst v20;
	v30 =	vsel vm3, $0xE0E, v1;
	v1 =	vsel vm0, v10, v8;
	v0 =	vsel vm2, $0xC8C, v0  }
0xdb: {  	s29 =	simm.s32 $0x9800;
	s30 =	simm.s32 $0x9C00;
	s31 =	simm.s32 $0xA000;
	v2 =	vsel vm2, $0xD8C, v2;
	[tilespmem:$0x1FDA0] =	vst v1;
	v0 =	vsel vm1, $0xD0D, v0  }
0xdc: {  	s1 =	sand.u32 $0x1, s1;
	s8 =	sadd.s32 $0x2000, s2;
	s9 =	sadd.s32 $0x3000, s2;
	[tilespmem:$0x1FFC0] =	vst v30;
	v26 =	vsel vm3, $0xD8E, v0;
	v0 =	vsel vm1, $0xE0D, v2;
	v2 =	vsel vm0, v14, v12  }
0xdd: {  	s10 =	sadd.s32 $0x4000, s2;
	s11 =	sadd.s32 $0x5000, s2;
	s12 =	sadd.s32 $0x6000, s2;
	[tilespmem:$0x1FDC0] =	vst v2  }
0xde: {  	s13 =	sadd.s32 $0x7000, s2;
	s5 =	sor.u32 s1, s4;
	s1 =	ssub.s32 $0x2, s1;
	v33 =	vsel vm3, $0xE8E, v0;
	v0 =	vsel vm0, v6, v4;
	[tilespmem:$0x1FFB0] =	vst v26  }
.Ltmp0:
0xdf: {  	s4 =	sshll.u32 s5, $0x4;
	s7 =	sshrl.u32 s1, $0x1;
	v4 =	vsel vm0, v18, v16;
	[tilespmem:$0x1FD90] =	vst v0;
	v0 =	vcombine.low v1, v0;
	(pc) =	sbr.rel .LBB2_1-.Ltmp0, $4  }
0xe0: {  	s6 =	sadd.s32 s4, s0;
	s4 =	sadd.s32 $0xF42A00, s0;
	s25 =	ssub.s32 s1, s7;
	[tilespmem:$0x1FDD0] =	vst v4  }
0xe1: {  	s7 =	sadd.s32 $0x1000, s2;
	s1 =	simm.s32 $0x0;
	s26 =	sadd.s32 $0x600, s6;
	[tilespmem:$0x1FDB0] =	vst v0;
	v0 =	vcombine.low v4, v2  }
0xe2: {  	s6 =	sshll.u32 s5, $0x7;
	s0 =	smax.u32 s25, $0x1;
	[dreg:$0x3] =	wrdreg s26;
	[tilespmem:$0x1FFD0] =	vst v33  }
0xe3: {  	s25 =	simm.s32 $0x2;
	[dreg:$0x4] =	wrdreg s0;
	s26 =	simm.s32 $0x4;
	[tilespmem:$0x1FDE0] =	vst v0  }
.LBB2_12:
0xe4: {  	s0 =	simm.s32 $0x3  }
0xe5: {  	_ =	swait.ge [sflag:s0], $0x400  }
0xe6: {  	[sflag:s0] =	ssyncset.done $0x0  }
0xe7: {  	[sflag:s0] =	ssyncadd.s32 $0xFFFFFC00  }
0xe8: {  	_ =	swait.ge [sflag:s0], $0x400  }
0xe9: {  	[sflag:s0] =	ssyncset.done $0x0  }
0xea: {  	[sflag:s0] =	ssyncadd.s32 $0xFFFFFC00  }
0xeb: {  	_ =	swait.ge [sflag:s0], $0x400  }
0xec: {  	[sflag:s0] =	ssyncset.done $0x0  }
0xed: {  	[sflag:s0] =	ssyncadd.s32 $0xFFFFFC00  }
0xee: {  	_ =	swait.ge [sflag:s0], $0x400  }
0xef: {  	[sflag:s0] =	ssyncset.done $0x0  }
0xf0: {  	[sflag:s0] =	ssyncadd.s32 $0xFFFFFC00  }
0xf1: {  	_ =	swait.ge [sflag:s26], $0x400  }
0xf2: {  	[sflag:s26] =	ssyncset.done $0x0  }
0xf3: {  	[sflag:s26] =	ssyncadd.s32 $0xFFFFFC00  }
0xf4: {  	_ =	swait.ge [sflag:s26], $0x400  }
0xf5: {  	[sflag:s26] =	ssyncset.done $0x0  }
0xf6: {  	[sflag:s26] =	ssyncadd.s32 $0xFFFFFC00  }
0xf7: {  	_ =	swait.ge [sflag:s26], $0x400  }
0xf8: {  	[sflag:s26] =	ssyncset.done $0x0  }
0xf9: {  	[sflag:s26] =	ssyncadd.s32 $0xFFFFFC00  }
0xfa: {  	_ =	swait.ge [sflag:s26], $0x400  }
0xfb: {  	s1 =	rddreg [dreg:$0x5]  }
0xfc: {  	s17 =	rddreg [dreg:$0x4];
	s1 =	sadd.s32 $0x1, s1  }
0xfd: {  	v52 =	vld [tilespmem:$0x1FED0];
	p0 =	sne.s32 s1, s17  }
.Ltmp1:
0xfe: {  	v54 =	vld [tilespmem:$0x1FEF0];
	(pc) =	sbr.rel @!p0 .LBB2_13-.Ltmp1, $4  }
0xff: {  	v41 =	vld [tilespmem:$0x1FF10]  }
0x100: {  	v59 =	vld [tilespmem:$0x1FF30]  }
0x101: {  	[sflag:s26] =	ssyncset.done $0x0;
	v62 =	vld [tilespmem:$0x1FF50]  }
0x102: {  	v3 =	vlaneseq.u32;
	v58 =	vld [tilespmem:$0x1FFF0];
	[sflag:s26] =	ssyncadd.s32 $0xFFFFFC00  }
.LBB2_1:
0x103: {  	[dreg:$0x5] =	wrdreg s1  }
0x104: {  	s0 =	rddreg [dreg:$0x3];
	s16 =	simm.s32 $0x1000;
	s17 =	simm.s32 $0x5  }
0x105: {  	[tilespmem:s3], [sflag:$0x5] =	stream.strided.gather [hbm4b:s0+s15], $0x6400, s16, s15, $0x38;
	[tilespmem:$0xA400] =	vst v63  }
0x106: {  	_ =	swait.ge [sflag:s17], $0x6400  }
0x107: {  	[sflag:s17] =	ssyncset.done $0x0  }
0x108: {  	[sflag:s17] =	ssyncadd.s32 $0xFFFF9C00  }
0x109: {  	[tilespmem:s18], [sflag:$0x1] =	stream.indirect.gather [hbm4b:s4+s15], $0x20, s3, s15, $0xb8;
	[tilespmem:$0xA400] =	vst v63  }
0x10a: {  	s16 =	simm.s32 $0x0  }
0x10b: {  	v60 =	vmov v11;
	[tilespmem:s19], [sflag:$0x2] =	stream.indirect.gather [hbm4b:s4+s15], $0x20, s15, s15, $0xb8;
	[tilespmem:$0xA400] =	vst v63  }
.LBB2_2:
0x10c: {  	_ =	swait.ge [sflag:s20], $0x1000  }
0x10d: {  	p0 =	seq.s32 s16, $0x0;
	[sflag:s20] =	ssyncset.done $0x0  }
0x10e: {  	s0 =	simm.s32 @!p0 $0x3;
	[sflag:s20] =	ssyncadd.s32 $0xFFFFF000  }
0x10f: {  	_ =	swait.ge @!p0 [sflag:s0], $0x400  }
0x110: {  	[sflag:s0] =	ssyncset.done @!p0 $0x0  }
0x111: {  	[sflag:s0] =	ssyncadd.s32 @!p0 $0xFFFFFC00  }
0x112: {  	_ =	swait.ge @!p0 [sflag:s0], $0x400  }
0x113: {  	[sflag:s0] =	ssyncset.done @!p0 $0x0  }
0x114: {  	[sflag:s0] =	ssyncadd.s32 @!p0 $0xFFFFFC00  }
0x115: {  	_ =	swait.ge @!p0 [sflag:s0], $0x400  }
0x116: {  	v4 =	vld [tilespmem:$0x1FB90];
	_ =	sdelay $0x1  }
0x117: {  	s14 =	simm.s32 $0x0  }
0x118: {  	v0 =	vmov s14  }
0x119: {  	v0 =	vshll.u32 v0, $0x5;
	[sflag:s0] =	ssyncset.done @!p0 $0x0  }
0x11a: {  	[sflag:s0] =	ssyncadd.s32 @!p0 $0xFFFFFC00;
	v1 =	vor.u32 v4, v0  }
0x11b: {  	_ =	swait.ge @!p0 [sflag:s0], $0x400;
	v0 =	vor.u32 v3, v1  }
0x11c: {  	v6 =	vld [tilespmem:$0x1FBA0];
	_ =	sdelay $0x1  }
0x11d: {  	[sflag:s0] =	ssyncset.done @!p0 $0x0  }
0x11e: {  	[sflag:s0] =	ssyncadd.s32 @!p0 $0xFFFFFC00  }
0x11f: {  	v2 =	vor.u32 s14, v34;
	v0 =	vld.idx.msk [tilespmem:v0+s18+$0x0], $0xffff  }
0x120: {  	v45 =	vor.u32 v6, v1  }
0x121: {  	v8 =	vld [tilespmem:$0x1FBB0];
	_ =	sdelay $0x2  }
0x122: {  	[tilespmem:v2+s21+$0x0] =	vst.idx.msk $0xffff, v0  }
0x123: {  	v2 =	vor.u32 s14, v7;
	v0 =	vld.idx.msk [tilespmem:v45+s18+$0x0], $0xffff  }
0x124: {  	v46 =	vor.u32 v8, v1  }
0x125: {  	v10 =	vld [tilespmem:$0x1FBC0];
	_ =	sdelay $0x2  }
0x126: {  	[tilespmem:v2+s21+$0x0] =	vst.idx.msk $0xffff, v0  }
0x127: {  	v2 =	vor.u32 s14, v9;
	v0 =	vld.idx.msk [tilespmem:v46+s18+$0x0], $0xffff  }
0x128: {  	v47 =	vor.u32 v10, v1  }
0x129: {  	v12 =	vld [tilespmem:$0x1FBD0];
	_ =	sdelay $0x2  }
0x12a: {  	[tilespmem:v2+s21+$0x0] =	vst.idx.msk $0xffff, v0  }
0x12b: {  	v2 =	vor.u32 s14, v35;
	v0 =	vld.idx.msk [tilespmem:v47+s18+$0x0], $0xffff  }
0x12c: {  	v48 =	vor.u32 v12, v1  }
0x12d: {  	v14 =	vld [tilespmem:$0x1FBE0];
	_ =	sdelay $0x2  }
0x12e: {  	[tilespmem:v2+s21+$0x0] =	vst.idx.msk $0xffff, v0  }
0x12f: {  	v2 =	vor.u32 s14, v13;
	v0 =	vld.idx.msk [tilespmem:v48+s18+$0x0], $0xffff  }
0x130: {  	v49 =	vor.u32 v14, v1  }
0x131: {  	v16 =	vld [tilespmem:$0x1FBF0];
	_ =	sdelay $0x2  }
0x132: {  	[tilespmem:v2+s21+$0x0] =	vst.idx.msk $0xffff, v0  }
0x133: {  	v2 =	vor.u32 s14, v15;
	v0 =	vld.idx.msk [tilespmem:v49+s18+$0x0], $0xffff  }
0x134: {  	v50 =	vor.u32 v16, v1  }
0x135: {  	v18 =	vld [tilespmem:$0x1FC00];
	_ =	sdelay $0x2  }
0x136: {  	[tilespmem:v2+s21+$0x0] =	vst.idx.msk $0xffff, v0  }
0x137: {  	v2 =	vor.u32 s14, v17;
	v0 =	vld.idx.msk [tilespmem:v50+s18+$0x0], $0xffff  }
0x138: {  	v51 =	vor.u32 v18, v1  }
0x139: {  	v20 =	vld [tilespmem:$0x1FC10];
	_ =	sdelay $0x2  }
0x13a: {  	[tilespmem:v2+s21+$0x0] =	vst.idx.msk $0xffff, v0  }
0x13b: {  	v2 =	vor.u32 s14, v19;
	v0 =	vld.idx.msk [tilespmem:v51+s18+$0x0], $0xffff  }
0x13c: {  	v53 =	vor.u32 v20, v1  }
0x13d: {  	v22 =	vld [tilespmem:$0x1FC20];
	_ =	sdelay $0x2  }
0x13e: {  	[tilespmem:v2+s21+$0x0] =	vst.idx.msk $0xffff, v0  }
0x13f: {  	v2 =	vor.u32 s14, v21;
	v0 =	vld.idx.msk [tilespmem:v53+s18+$0x0], $0xffff  }
0x140: {  	v55 =	vor.u32 v22, v1  }
0x141: {  	v24 =	vld [tilespmem:$0x1FC30];
	_ =	sdelay $0x2  }
0x142: {  	[tilespmem:v2+s21+$0x0] =	vst.idx.msk $0xffff, v0  }
0x143: {  	v2 =	vor.u32 s14, v23;
	v0 =	vld.idx.msk [tilespmem:v55+s18+$0x0], $0xffff  }
0x144: {  	v56 =	vor.u32 v24, v1  }
0x145: {  	v26 =	vld [tilespmem:$0x1FC40];
	_ =	sdelay $0x2  }
0x146: {  	[tilespmem:v2+s21+$0x0] =	vst.idx.msk $0xffff, v0  }
0x147: {  	v2 =	vor.u32 s14, v25;
	v0 =	vld.idx.msk [tilespmem:v56+s18+$0x0], $0xffff  }
0x148: {  	v61 =	vor.u32 v26, v1  }
0x149: {  	v28 =	vld [tilespmem:$0x1FC50];
	_ =	sdelay $0x2  }
0x14a: {  	[tilespmem:v2+s21+$0x0] =	vst.idx.msk $0xffff, v0  }
0x14b: {  	v2 =	vor.u32 s14, v27;
	v0 =	vld.idx.msk [tilespmem:v61+s18+$0x0], $0xffff  }
0x14c: {  	v63 =	vor.u32 v28, v1  }
0x14d: {  	v30 =	vld [tilespmem:$0x1FC60];
	_ =	sdelay $0x2  }
0x14e: {  	[tilespmem:v2+s21+$0x0] =	vst.idx.msk $0xffff, v0  }
0x14f: {  	v2 =	vor.u32 s14, v29;
	v0 =	vld.idx.msk [tilespmem:v63+s18+$0x0], $0xffff  }
0x150: {  	v37 =	vor.u32 v30, v1;
	_ =	sdelay $0x3  }
0x151: {  	[tilespmem:v2+s21+$0x0] =	vst.idx.msk $0xffff, v0  }
0x152: {  	v2 =	vor.u32 s14, v32;
	v0 =	vld.idx.msk [tilespmem:v37+s18+$0x0], $0xffff  }
0x153: {  	v38 =	vor.u32 v52, v1;
	_ =	sdelay $0x3  }
0x154: {  	[tilespmem:v2+s21+$0x0] =	vst.idx.msk $0xffff, v0  }
0x155: {  	v2 =	vor.u32 s14, v36;
	v0 =	vld.idx.msk [tilespmem:v38+s18+$0x0], $0xffff  }
0x156: {  	v39 =	vor.u32 v54, v1;
	_ =	sdelay $0x3  }
0x157: {  	[tilespmem:v2+s21+$0x0] =	vst.idx.msk $0xffff, v0  }
0x158: {  	v2 =	vor.u32 s14, v31;
	v0 =	vld.idx.msk [tilespmem:v39+s18+$0x0], $0xffff  }
0x159: {  	v40 =	vor.u32 v58, v1;
	v61 =	vld [tilespmem:$0x1FD80]  }
0x15a: {  	v37 =	vld [tilespmem:$0x1FDB0];
	_ =	sdelay $0x2  }
0x15b: {  	[tilespmem:v2+s21+$0x0] =	vst.idx.msk $0xffff, v0  }
0x15c: {  	v2 =	vor.u32 s14, v61;
	v0 =	vld.idx.msk [tilespmem:v40+s18+$0x0], $0xffff  }
0x15d: {  	v44 =	vld [tilespmem:$0x1FD20];
	v42 =	vor.u32 v37, v1  }
0x15e: {  	v47 =	vld [tilespmem:$0x1FDE0]  }
0x15f: {  	v50 =	vld [tilespmem:$0x1FCE0]  }
0x160: {  	v51 =	vld [tilespmem:$0x1FCC0]  }
0x161: {  	v55 =	vld [tilespmem:$0x1FCD0];
	[tilespmem:v2+s21+$0x0] =	vst.idx.msk $0xffff, v0  }
0x162: {  	v2 =	vor.u32 s14, v41;
	v0 =	vld.idx.msk [tilespmem:v42+s18+$0x0], $0xffff  }
0x163: {  	v3 =	vor.u32 v47, v1;
	v63 =	vld [tilespmem:$0x1FCB0]  }
0x164: {  	v45 =	vld [tilespmem:$0x1FC70]  }
0x165: {  	v46 =	vld [tilespmem:$0x1FC80]  }
0x166: {  	v48 =	vld [tilespmem:$0x1FC90]  }
0x167: {  	v49 =	vld [tilespmem:$0x1FCA0];
	[tilespmem:v2+s21+$0x0] =	vst.idx.msk $0xffff, v0  }
0x168: {  	v5 =	vsel vm0, v50, v55;
	v0 =	vld.idx.msk [tilespmem:v3+s18+$0x0], $0xffff;
	v3 =	vsel vm0, v51, v63  }
0x169: {  	v11 =	vmov v34;
	[tilespmem:$0x1FB50] =	vst v3;
	v34 =	vcombine.low v5, v3;
	v3 =	vld [tilespmem:$0x1FD10];
	_ =	sdelay $0x3  }
0x16a: {  	v33 =	vsel vm0, v46, v45;
	v56 =	vld [tilespmem:$0x1FD30];
	v40 =	vsel vm0, v49, v48  }
0x16b: {  	[tilespmem:$0x1FB40] =	vst v5;
	v42 =	vcombine.low v40, v33;
	v5 =	vsel vm0, v44, v3;
	v3 =	vld [tilespmem:$0x1FD00]  }
0x16c: {  	v2 =	vor.u32 s14, v57  }
0x16d: {  	v43 =	vor.u32 v42, v1;
	_ =	sdelay $0x1  }
0x16e: {  	[tilespmem:$0x1FB30] =	vst v33;
	v33 =	vld [tilespmem:$0x1FD60]  }
0x16f: {  	v39 =	vsel vm0, v3, v56;
	v3 =	vld [tilespmem:$0x1FD50]  }
0x170: {  	[tilespmem:v2+s21+$0x0] =	vst.idx.msk $0xffff, v0  }
0x171: {  	v0 =	vld.idx.msk [tilespmem:v43+s18+$0x0], $0xffff  }
0x172: {  	v2 =	vor.u32 s14, v59;
	v44 =	vld [tilespmem:$0x1FD70]  }
0x173: {  	v38 =	vor.u32 v34, v1;
	v56 =	vld [tilespmem:$0x1FFE0]  }
0x174: {  	v33 =	vsel vm0, v33, v3;
	v3 =	vld [tilespmem:$0x1FD40];
	_ =	sdelay $0x2  }
0x175: {  	v53 =	vmov v36;
	[tilespmem:v2+s21+$0x0] =	vst.idx.msk $0xffff, v0;
	v36 =	vcombine.low v39, v5  }
0x176: {  	v0 =	vld.idx.msk [tilespmem:v38+s18+$0x0], $0xffff;
	v2 =	vor.u32 s14, v56  }
0x177: {  	[tilespmem:$0x1FB60] =	vst v5;
	v43 =	vor.u32 v36, v1;
	v5 =	vsel vm0, v3, v44;
	v3 =	vld [tilespmem:$0x1FCF0];
	_ =	sdelay $0x3  }
0x178: {  	[tilespmem:v2+s21+$0x0] =	vst.idx.msk $0xffff, v0;
	v38 =	vcombine.low v5, v33  }
0x179: {  	v0 =	vld.idx.msk [tilespmem:v43+s18+$0x0], $0xffff;
	v2 =	vor.u32 s14, v3  }
0x17a: {  	v44 =	vor.u32 v38, v1;
	_ =	sdelay $0x2  }
0x17b: {  	v46 =	vsel vm0, v48, v46;
	v48 =	vsel vm0, v45, v49  }
0x17c: {  	v43 =	vcombine.low v48, v46;
	[tilespmem:v2+s21+$0x0] =	vst.idx.msk $0xffff, v0  }
0x17d: {  	v2 =	vor.u32 s14, v60;
	v0 =	vld.idx.msk [tilespmem:v44+s18+$0x0], $0xffff  }
0x17e: {  	v49 =	vor.u32 v43, v1;
	_ =	sdelay $0x3  }
0x17f: {  	[tilespmem:v2+s21+$0x0] =	vst.idx.msk $0xffff, v0  }
0x180: {  	v2 =	vor.u32 s14, v62;
	v0 =	vld.idx.msk [tilespmem:v49+s18+$0x0], $0xffff;
	_ =	sdelay $0x2  }
0x181: {  	v51 =	vsel vm0, v55, v51;
	v63 =	vsel vm0, v63, v50  }
0x182: {  	v44 =	vcombine.low v63, v51;
	v63 =	vld [tilespmem:$0x1FF60]  }
0x183: {  	[tilespmem:v2+s21+$0x0] =	vst.idx.msk $0xffff, v0;
	v0 =	vld [tilespmem:$0x1FD90]  }
0x184: {  	[tilespmem:$0x1FB80] =	vst v46;
	v46 =	vor.u32 v44, v1;
	v2 =	vld [tilespmem:$0x1FDA0];
	_ =	sdelay $0x4  }
0x185: {  	v45 =	vcombine.low v0, v2;
	v0 =	vld.idx.msk [tilespmem:v46+s18+$0x0], $0xffff;
	v2 =	vor.u32 s14, v63;
	_ =	sdelay $0x4  }
0x186: {  	[tilespmem:v2+s21+$0x0] =	vst.idx.msk $0xffff, v0;
	v0 =	vld [tilespmem:$0x1FDC0]  }
0x187: {  	v2 =	vld [tilespmem:$0x1FDD0];
	_ =	sdelay $0x4  }
0x188: {  	[tilespmem:$0x1FB70] =	vst v48;
	v48 =	vor.u32 v45, v1;
	v46 =	vcombine.low v0, v2;
	v2 =	vld [tilespmem:$0x1FF70];
	_ =	sdelay $0x4  }
0x189: {  	v0 =	vld.idx.msk [tilespmem:v48+s18+$0x0], $0xffff;
	v2 =	vor.u32 s14, v2;
	_ =	sdelay $0x4  }
0x18a: {  	[tilespmem:v2+s21+$0x0] =	vst.idx.msk $0xffff, v0;
	v0 =	vld [tilespmem:$0x1FB30];
	_ =	sdelay $0x4  }
0x18b: {  	v49 =	vor.u32 v46, v1;
	v48 =	vcombine.low v0, v40;
	v40 =	vld [tilespmem:$0x1FF80];
	_ =	sdelay $0x4  }
0x18c: {  	v0 =	vld.idx.msk [tilespmem:v49+s18+$0x0], $0xffff;
	v2 =	vor.u32 s14, v40;
	_ =	sdelay $0x4  }
0x18d: {  	[tilespmem:v2+s21+$0x0] =	vst.idx.msk $0xffff, v0;
	v0 =	vld [tilespmem:$0x1FB40]  }
0x18e: {  	v2 =	vld [tilespmem:$0x1FB50];
	_ =	sdelay $0x4  }
0x18f: {  	v50 =	vor.u32 v48, v1;
	v49 =	vcombine.low v2, v0;
	v2 =	vld [tilespmem:$0x1FF90];
	_ =	sdelay $0x4  }
0x190: {  	v0 =	vld.idx.msk [tilespmem:v50+s18+$0x0], $0xffff;
	v2 =	vor.u32 s14, v2;
	_ =	sdelay $0x4  }
0x191: {  	[tilespmem:v2+s21+$0x0] =	vst.idx.msk $0xffff, v0;
	v0 =	vld [tilespmem:$0x1FB60];
	_ =	sdelay $0x4  }
0x192: {  	v51 =	vor.u32 v49, v1;
	v50 =	vcombine.low v0, v39;
	v39 =	vld [tilespmem:$0x1FFA0];
	_ =	sdelay $0x4  }
0x193: {  	v0 =	vld.idx.msk [tilespmem:v51+s18+$0x0], $0xffff;
	v2 =	vor.u32 s14, v39;
	_ =	sdelay $0x4  }
0x194: {  	v55 =	vmov v56;
	v56 =	vmov v3;
	v3 =	vor.u32 v50, v1;
	[tilespmem:v2+s21+$0x0] =	vst.idx.msk $0xffff, v0;
	v0 =	vld [tilespmem:$0x1FFB0];
	_ =	sdelay $0x3  }
0x195: {  	v51 =	vcombine.low v33, v5  }
0x196: {  	v3 =	vld.idx.msk [tilespmem:v3+s18+$0x0], $0xffff;
	v2 =	vor.u32 s14, v0  }
0x197: {  	v0 =	vor.u32 v51, v1;
	_ =	sdelay $0x2  }
0x198: {  	v5 =	vld [tilespmem:$0x1FFC0]  }
0x199: {  	[tilespmem:v2+s21+$0x0] =	vst.idx.msk $0xffff, v3;
	v3 =	vld [tilespmem:$0x1FB80]  }
0x19a: {  	v33 =	vld.idx.msk [tilespmem:v0+s18+$0x0], $0xffff  }
0x19b: {  	v0 =	vld [tilespmem:$0x1FB70];
	_ =	sdelay $0x1  }
0x19c: {  	v2 =	vor.u32 s14, v5;
	_ =	sdelay $0x2  }
0x19d: {  	v0 =	vcombine.low v3, v0  }
0x19e: {  	s17 =	simm.s32 $0x10  }
0x19f: {  	s5 =	sshll.u32 s16, $0xA;
	s1 =	simm.s32 $0x20;
	[tilespmem:v2+s21+$0x0] =	vst.idx.msk $0xffff, v33;
	v2 =	vmov s17;
	v33 =	vld [tilespmem:$0x1FFD0];
	v1 =	vor.u32 v0, v1  }
.LBB2_3:
0x1a0: {  	_ =	sdelay $0x2  }
0x1a1: {  	v2 =	vshll.u32 v2, $0x5  }
0x1a2: {  	v3 =	vld.idx.msk [tilespmem:v1+s18+$0x0], $0xffff;
	v1 =	vor.u32 v4, v2;
	v2 =	vor.u32 s14, v33;
	v4 =	vlaneseq.u32  }
0x1a3: {  	v4 =	vor.u32 v4, v1;
	_ =	sdelay $0x3  }
0x1a4: {  	s14 =	smov.u32 s17;
	[tilespmem:v2+s21+$0x0] =	vst.idx.msk $0xffff, v3  }
0x1a5: {  	v3 =	vor.u32 s14, v11;
	v2 =	vld.idx.msk [tilespmem:v4+s18+$0x0], $0xffff  }
0x1a6: {  	v4 =	vor.u32 v6, v1;
	_ =	sdelay $0x3  }
0x1a7: {  	[tilespmem:v3+s21+$0x0] =	vst.idx.msk $0xffff, v2  }
0x1a8: {  	v3 =	vor.u32 s14, v7;
	v2 =	vld.idx.msk [tilespmem:v4+s18+$0x0], $0xffff  }
0x1a9: {  	v4 =	vor.u32 v8, v1;
	_ =	sdelay $0x3  }
0x1aa: {  	[tilespmem:v3+s21+$0x0] =	vst.idx.msk $0xffff, v2  }
0x1ab: {  	v3 =	vor.u32 s14, v9;
	v2 =	vld.idx.msk [tilespmem:v4+s18+$0x0], $0xffff  }
0x1ac: {  	v4 =	vor.u32 v10, v1;
	_ =	sdelay $0x3  }
0x1ad: {  	[tilespmem:v3+s21+$0x0] =	vst.idx.msk $0xffff, v2  }
0x1ae: {  	v3 =	vor.u32 s14, v35;
	v2 =	vld.idx.msk [tilespmem:v4+s18+$0x0], $0xffff  }
0x1af: {  	v4 =	vor.u32 v12, v1;
	_ =	sdelay $0x3  }
0x1b0: {  	[tilespmem:v3+s21+$0x0] =	vst.idx.msk $0xffff, v2  }
0x1b1: {  	v3 =	vor.u32 s14, v13;
	v2 =	vld.idx.msk [tilespmem:v4+s18+$0x0], $0xffff  }
0x1b2: {  	v4 =	vor.u32 v14, v1;
	_ =	sdelay $0x3  }
0x1b3: {  	[tilespmem:v3+s21+$0x0] =	vst.idx.msk $0xffff, v2  }
0x1b4: {  	v3 =	vor.u32 s14, v15;
	v2 =	vld.idx.msk [tilespmem:v4+s18+$0x0], $0xffff  }
0x1b5: {  	v4 =	vor.u32 v16, v1;
	_ =	sdelay $0x3  }
0x1b6: {  	[tilespmem:v3+s21+$0x0] =	vst.idx.msk $0xffff, v2  }
0x1b7: {  	v3 =	vor.u32 s14, v17;
	v2 =	vld.idx.msk [tilespmem:v4+s18+$0x0], $0xffff  }
0x1b8: {  	v4 =	vor.u32 v18, v1;
	_ =	sdelay $0x3  }
0x1b9: {  	[tilespmem:v3+s21+$0x0] =	vst.idx.msk $0xffff, v2  }
0x1ba: {  	v3 =	vor.u32 s14, v19;
	v2 =	vld.idx.msk [tilespmem:v4+s18+$0x0], $0xffff  }
0x1bb: {  	v4 =	vor.u32 v20, v1;
	_ =	sdelay $0x3  }
0x1bc: {  	[tilespmem:v3+s21+$0x0] =	vst.idx.msk $0xffff, v2  }
0x1bd: {  	v3 =	vor.u32 s14, v21;
	v2 =	vld.idx.msk [tilespmem:v4+s18+$0x0], $0xffff  }
0x1be: {  	v4 =	vor.u32 v22, v1;
	_ =	sdelay $0x3  }
0x1bf: {  	[tilespmem:v3+s21+$0x0] =	vst.idx.msk $0xffff, v2  }
0x1c0: {  	v3 =	vor.u32 s14, v23;
	v2 =	vld.idx.msk [tilespmem:v4+s18+$0x0], $0xffff  }
0x1c1: {  	v4 =	vor.u32 v24, v1;
	_ =	sdelay $0x3  }
0x1c2: {  	[tilespmem:v3+s21+$0x0] =	vst.idx.msk $0xffff, v2  }
0x1c3: {  	v3 =	vor.u32 s14, v25;
	v2 =	vld.idx.msk [tilespmem:v4+s18+$0x0], $0xffff  }
0x1c4: {  	v4 =	vor.u32 v26, v1;
	_ =	sdelay $0x3  }
0x1c5: {  	[tilespmem:v3+s21+$0x0] =	vst.idx.msk $0xffff, v2  }
0x1c6: {  	v3 =	vor.u32 s14, v27;
	v2 =	vld.idx.msk [tilespmem:v4+s18+$0x0], $0xffff  }
0x1c7: {  	v4 =	vor.u32 v28, v1;
	_ =	sdelay $0x3  }
0x1c8: {  	[tilespmem:v3+s21+$0x0] =	vst.idx.msk $0xffff, v2  }
0x1c9: {  	v3 =	vor.u32 s14, v29;
	v2 =	vld.idx.msk [tilespmem:v4+s18+$0x0], $0xffff  }
0x1ca: {  	v4 =	vor.u32 v30, v1;
	_ =	sdelay $0x3  }
0x1cb: {  	[tilespmem:v3+s21+$0x0] =	vst.idx.msk $0xffff, v2  }
0x1cc: {  	v3 =	vor.u32 s14, v32;
	v2 =	vld.idx.msk [tilespmem:v4+s18+$0x0], $0xffff  }
0x1cd: {  	v4 =	vor.u32 v52, v1;
	_ =	sdelay $0x3  }
0x1ce: {  	[tilespmem:v3+s21+$0x0] =	vst.idx.msk $0xffff, v2  }
0x1cf: {  	v3 =	vor.u32 s14, v53;
	v2 =	vld.idx.msk [tilespmem:v4+s18+$0x0], $0xffff  }
0x1d0: {  	v4 =	vor.u32 v54, v1;
	_ =	sdelay $0x3  }
0x1d1: {  	[tilespmem:v3+s21+$0x0] =	vst.idx.msk $0xffff, v2  }
0x1d2: {  	v3 =	vor.u32 s14, v31;
	v2 =	vld.idx.msk [tilespmem:v4+s18+$0x0], $0xffff  }
0x1d3: {  	v4 =	vor.u32 v58, v1;
	_ =	sdelay $0x3  }
0x1d4: {  	[tilespmem:v3+s21+$0x0] =	vst.idx.msk $0xffff, v2  }
0x1d5: {  	v3 =	vor.u32 s14, v61;
	v2 =	vld.idx.msk [tilespmem:v4+s18+$0x0], $0xffff  }
0x1d6: {  	v4 =	vor.u32 v37, v1;
	_ =	sdelay $0x3  }
0x1d7: {  	[tilespmem:v3+s21+$0x0] =	vst.idx.msk $0xffff, v2  }
0x1d8: {  	v3 =	vor.u32 s14, v41;
	v2 =	vld.idx.msk [tilespmem:v4+s18+$0x0], $0xffff  }
0x1d9: {  	v4 =	vor.u32 v47, v1;
	_ =	sdelay $0x3  }
0x1da: {  	[tilespmem:v3+s21+$0x0] =	vst.idx.msk $0xffff, v2  }
0x1db: {  	v3 =	vor.u32 s14, v57;
	v2 =	vld.idx.msk [tilespmem:v4+s18+$0x0], $0xffff  }
0x1dc: {  	v4 =	vor.u32 v42, v1;
	_ =	sdelay $0x3  }
0x1dd: {  	[tilespmem:v3+s21+$0x0] =	vst.idx.msk $0xffff, v2  }
0x1de: {  	v3 =	vor.u32 s14, v59;
	v2 =	vld.idx.msk [tilespmem:v4+s18+$0x0], $0xffff  }
0x1df: {  	v4 =	vor.u32 v34, v1;
	_ =	sdelay $0x3  }
0x1e0: {  	[tilespmem:v3+s21+$0x0] =	vst.idx.msk $0xffff, v2  }
0x1e1: {  	v3 =	vor.u32 s14, v55;
	v2 =	vld.idx.msk [tilespmem:v4+s18+$0x0], $0xffff  }
0x1e2: {  	v4 =	vor.u32 v36, v1;
	_ =	sdelay $0x3  }
0x1e3: {  	[tilespmem:v3+s21+$0x0] =	vst.idx.msk $0xffff, v2  }
0x1e4: {  	v3 =	vor.u32 s14, v56;
	v2 =	vld.idx.msk [tilespmem:v4+s18+$0x0], $0xffff  }
0x1e5: {  	v4 =	vor.u32 v38, v1;
	_ =	sdelay $0x3  }
0x1e6: {  	[tilespmem:v3+s21+$0x0] =	vst.idx.msk $0xffff, v2  }
0x1e7: {  	v3 =	vor.u32 s14, v60;
	v2 =	vld.idx.msk [tilespmem:v4+s18+$0x0], $0xffff  }
0x1e8: {  	v4 =	vor.u32 v43, v1;
	_ =	sdelay $0x3  }
0x1e9: {  	[tilespmem:v3+s21+$0x0] =	vst.idx.msk $0xffff, v2  }
0x1ea: {  	v3 =	vor.u32 s14, v62;
	v2 =	vld.idx.msk [tilespmem:v4+s18+$0x0], $0xffff  }
0x1eb: {  	v4 =	vor.u32 v44, v1;
	_ =	sdelay $0x3  }
0x1ec: {  	[tilespmem:v3+s21+$0x0] =	vst.idx.msk $0xffff, v2  }
0x1ed: {  	v3 =	vor.u32 s14, v63;
	v2 =	vld.idx.msk [tilespmem:v4+s18+$0x0], $0xffff;
	_ =	sdelay $0x4  }
0x1ee: {  	v4 =	vor.u32 v45, v1;
	[tilespmem:v3+s21+$0x0] =	vst.idx.msk $0xffff, v2;
	v3 =	vld [tilespmem:$0x1FF70];
	_ =	sdelay $0x4  }
0x1ef: {  	v2 =	vld.idx.msk [tilespmem:v4+s18+$0x0], $0xffff;
	v3 =	vor.u32 s14, v3  }
0x1f0: {  	v4 =	vor.u32 v46, v1;
	_ =	sdelay $0x3  }
0x1f1: {  	[tilespmem:v3+s21+$0x0] =	vst.idx.msk $0xffff, v2  }
0x1f2: {  	v3 =	vor.u32 s14, v40;
	v2 =	vld.idx.msk [tilespmem:v4+s18+$0x0], $0xffff;
	_ =	sdelay $0x4  }
0x1f3: {  	v4 =	vor.u32 v48, v1;
	[tilespmem:v3+s21+$0x0] =	vst.idx.msk $0xffff, v2;
	v3 =	vld [tilespmem:$0x1FF90];
	_ =	sdelay $0x4  }
0x1f4: {  	v2 =	vld.idx.msk [tilespmem:v4+s18+$0x0], $0xffff;
	v3 =	vor.u32 s14, v3  }
0x1f5: {  	v4 =	vor.u32 v49, v1;
	_ =	sdelay $0x3  }
0x1f6: {  	[tilespmem:v3+s21+$0x0] =	vst.idx.msk $0xffff, v2  }
0x1f7: {  	v3 =	vor.u32 s14, v39;
	v2 =	vld.idx.msk [tilespmem:v4+s18+$0x0], $0xffff;
	_ =	sdelay $0x4  }
0x1f8: {  	v4 =	vor.u32 v50, v1;
	[tilespmem:v3+s21+$0x0] =	vst.idx.msk $0xffff, v2;
	v3 =	vld [tilespmem:$0x1FFB0];
	_ =	sdelay $0x4  }
0x1f9: {  	v2 =	vld.idx.msk [tilespmem:v4+s18+$0x0], $0xffff;
	v3 =	vor.u32 s14, v3  }
0x1fa: {  	v4 =	vor.u32 v51, v1;
	_ =	sdelay $0x3  }
0x1fb: {  	[tilespmem:v3+s21+$0x0] =	vst.idx.msk $0xffff, v2  }
0x1fc: {  	p1 =	sne.s32 s1, $0x70;
	v3 =	vld.idx.msk [tilespmem:v4+s18+$0x0], $0xffff;
	v4 =	vor.u32 s14, v5  }
.Ltmp2:
0x1fd: {  	_ = 	snop;
	(pc) =	sbr.rel @p1 .LBB2_3-.Ltmp2, $3  }
0x1fe: {  	_ =	sdelay $0x1  }
0x1ff: {  	s17 =	smov.u32 s1  }
0x200: {  	s1 =	sadd.s32 $0x10, s1;
	v1 =	vor.u32 v0, v1;
	v2 =	vmov s17;
	[tilespmem:v4+s21+$0x0] =	vst.idx.msk $0xffff, v3;
	v4 =	vld [tilespmem:$0x1FB90]  }
0x201: {  	_ =	sdelay $0x2  }
0x202: {  	v2 =	vshll.u32 v2, $0x5  }
0x203: {  	v1 =	vld.idx.msk [tilespmem:v1+s18+$0x0], $0xffff;
	v3 =	vor.u32 s14, v33;
	v2 =	vor.u32 v4, v2;
	v4 =	vlaneseq.u32  }
0x204: {  	v4 =	vor.u32 v4, v2;
	_ =	sdelay $0x3  }
0x205: {  	[tilespmem:v3+s21+$0x0] =	vst.idx.msk $0xffff, v1  }
0x206: {  	v3 =	vor.u32 s17, v11;
	v1 =	vld.idx.msk [tilespmem:v4+s18+$0x0], $0xffff  }
0x207: {  	v4 =	vor.u32 v6, v2;
	_ =	sdelay $0x3  }
0x208: {  	[tilespmem:v3+s21+$0x0] =	vst.idx.msk $0xffff, v1  }
0x209: {  	v3 =	vor.u32 s17, v7;
	v1 =	vld.idx.msk [tilespmem:v4+s18+$0x0], $0xffff  }
0x20a: {  	v4 =	vor.u32 v8, v2;
	_ =	sdelay $0x3  }
0x20b: {  	[tilespmem:v3+s21+$0x0] =	vst.idx.msk $0xffff, v1  }
0x20c: {  	v3 =	vor.u32 s17, v9;
	v1 =	vld.idx.msk [tilespmem:v4+s18+$0x0], $0xffff  }
0x20d: {  	v4 =	vor.u32 v10, v2;
	_ =	sdelay $0x3  }
0x20e: {  	[tilespmem:v3+s21+$0x0] =	vst.idx.msk $0xffff, v1  }
0x20f: {  	v35 =	vor.u32 s17, v35;
	v1 =	vld.idx.msk [tilespmem:v4+s18+$0x0], $0xffff  }
0x210: {  	v4 =	vor.u32 v12, v2;
	_ =	sdelay $0x3  }
0x211: {  	[tilespmem:v35+s21+$0x0] =	vst.idx.msk $0xffff, v1  }
0x212: {  	v35 =	vor.u32 s17, v13;
	v1 =	vld.idx.msk [tilespmem:v4+s18+$0x0], $0xffff  }
0x213: {  	v4 =	vor.u32 v14, v2;
	_ =	sdelay $0x3  }
0x214: {  	[tilespmem:v35+s21+$0x0] =	vst.idx.msk $0xffff, v1  }
0x215: {  	v35 =	vor.u32 s17, v15;
	v1 =	vld.idx.msk [tilespmem:v4+s18+$0x0], $0xffff  }
0x216: {  	v4 =	vor.u32 v16, v2;
	_ =	sdelay $0x3  }
0x217: {  	[tilespmem:v35+s21+$0x0] =	vst.idx.msk $0xffff, v1  }
0x218: {  	v17 =	vor.u32 s17, v17;
	v1 =	vld.idx.msk [tilespmem:v4+s18+$0x0], $0xffff  }
0x219: {  	v4 =	vor.u32 v18, v2;
	_ =	sdelay $0x3  }
0x21a: {  	[tilespmem:v17+s21+$0x0] =	vst.idx.msk $0xffff, v1  }
0x21b: {  	v35 =	vor.u32 s17, v19;
	v1 =	vld.idx.msk [tilespmem:v4+s18+$0x0], $0xffff  }
0x21c: {  	v4 =	vor.u32 v20, v2;
	_ =	sdelay $0x3  }
0x21d: {  	[tilespmem:v35+s21+$0x0] =	vst.idx.msk $0xffff, v1  }
0x21e: {  	v16 =	vor.u32 s17, v21;
	v1 =	vld.idx.msk [tilespmem:v4+s18+$0x0], $0xffff  }
0x21f: {  	v4 =	vor.u32 v22, v2;
	_ =	sdelay $0x3  }
0x220: {  	[tilespmem:v16+s21+$0x0] =	vst.idx.msk $0xffff, v1  }
0x221: {  	v17 =	vor.u32 s17, v23;
	v1 =	vld.idx.msk [tilespmem:v4+s18+$0x0], $0xffff  }
0x222: {  	v4 =	vor.u32 v24, v2;
	_ =	sdelay $0x3  }
0x223: {  	[tilespmem:v17+s21+$0x0] =	vst.idx.msk $0xffff, v1  }
0x224: {  	v25 =	vor.u32 s17, v25;
	v1 =	vld.idx.msk [tilespmem:v4+s18+$0x0], $0xffff  }
0x225: {  	v4 =	vor.u32 v26, v2;
	_ =	sdelay $0x3  }
0x226: {  	[tilespmem:v25+s21+$0x0] =	vst.idx.msk $0xffff, v1  }
0x227: {  	v26 =	vor.u32 s17, v27;
	v1 =	vld.idx.msk [tilespmem:v4+s18+$0x0], $0xffff  }
0x228: {  	v4 =	vor.u32 v28, v2;
	_ =	sdelay $0x3  }
0x229: {  	[tilespmem:v26+s21+$0x0] =	vst.idx.msk $0xffff, v1  }
0x22a: {  	v27 =	vor.u32 s17, v29;
	v1 =	vld.idx.msk [tilespmem:v4+s18+$0x0], $0xffff  }
0x22b: {  	v4 =	vor.u32 v30, v2;
	_ =	sdelay $0x3  }
0x22c: {  	[tilespmem:v27+s21+$0x0] =	vst.idx.msk $0xffff, v1  }
0x22d: {  	v35 =	vor.u32 s17, v32;
	v1 =	vld.idx.msk [tilespmem:v4+s18+$0x0], $0xffff  }
0x22e: {  	v4 =	vor.u32 v52, v2;
	_ =	sdelay $0x3  }
0x22f: {  	[tilespmem:v35+s21+$0x0] =	vst.idx.msk $0xffff, v1  }
0x230: {  	v16 =	vor.u32 s17, v53;
	v1 =	vld.idx.msk [tilespmem:v4+s18+$0x0], $0xffff  }
0x231: {  	v4 =	vor.u32 v54, v2;
	_ =	sdelay $0x3  }
0x232: {  	[tilespmem:v16+s21+$0x0] =	vst.idx.msk $0xffff, v1  }
0x233: {  	v17 =	vor.u32 s17, v31;
	v1 =	vld.idx.msk [tilespmem:v4+s18+$0x0], $0xffff  }
0x234: {  	v4 =	vor.u32 v58, v2;
	_ =	sdelay $0x3  }
0x235: {  	[tilespmem:v17+s21+$0x0] =	vst.idx.msk $0xffff, v1  }
0x236: {  	v24 =	vor.u32 s17, v61;
	v1 =	vld.idx.msk [tilespmem:v4+s18+$0x0], $0xffff  }
0x237: {  	v4 =	vor.u32 v37, v2;
	_ =	sdelay $0x3  }
0x238: {  	[tilespmem:v24+s21+$0x0] =	vst.idx.msk $0xffff, v1  }
0x239: {  	v25 =	vor.u32 s17, v41;
	v1 =	vld.idx.msk [tilespmem:v4+s18+$0x0], $0xffff  }
0x23a: {  	v4 =	vor.u32 v47, v2;
	_ =	sdelay $0x3  }
0x23b: {  	[tilespmem:v25+s21+$0x0] =	vst.idx.msk $0xffff, v1  }
0x23c: {  	v26 =	vor.u32 s17, v57;
	v1 =	vld.idx.msk [tilespmem:v4+s18+$0x0], $0xffff  }
0x23d: {  	v4 =	vor.u32 v42, v2;
	_ =	sdelay $0x3  }
0x23e: {  	[tilespmem:v26+s21+$0x0] =	vst.idx.msk $0xffff, v1  }
0x23f: {  	v27 =	vor.u32 s17, v59;
	v1 =	vld.idx.msk [tilespmem:v4+s18+$0x0], $0xffff  }
0x240: {  	v4 =	vor.u32 v34, v2;
	_ =	sdelay $0x3  }
0x241: {  	[tilespmem:v27+s21+$0x0] =	vst.idx.msk $0xffff, v1  }
0x242: {  	v32 =	vor.u32 s17, v55;
	v1 =	vld.idx.msk [tilespmem:v4+s18+$0x0], $0xffff  }
0x243: {  	v4 =	vor.u32 v36, v2;
	_ =	sdelay $0x3  }
0x244: {  	[tilespmem:v32+s21+$0x0] =	vst.idx.msk $0xffff, v1  }
0x245: {  	v35 =	vor.u32 s17, v56;
	v1 =	vld.idx.msk [tilespmem:v4+s18+$0x0], $0xffff  }
0x246: {  	v4 =	vor.u32 v38, v2;
	_ =	sdelay $0x3  }
0x247: {  	[tilespmem:v35+s21+$0x0] =	vst.idx.msk $0xffff, v1  }
0x248: {  	v6 =	vmov v43;
	v52 =	vor.u32 s17, v60;
	v1 =	vld.idx.msk [tilespmem:v4+s18+$0x0], $0xffff  }
0x249: {  	v4 =	vor.u32 v6, v2;
	_ =	sdelay $0x3  }
0x24a: {  	[tilespmem:v52+s21+$0x0] =	vst.idx.msk $0xffff, v1  }
0x24b: {  	v53 =	vor.u32 s17, v62;
	v1 =	vld.idx.msk [tilespmem:v4+s18+$0x0], $0xffff  }
0x24c: {  	v4 =	vor.u32 v44, v2;
	_ =	sdelay $0x3  }
0x24d: {  	[tilespmem:v53+s21+$0x0] =	vst.idx.msk $0xffff, v1  }
0x24e: {  	v54 =	vor.u32 s17, v63;
	v1 =	vld.idx.msk [tilespmem:v4+s18+$0x0], $0xffff  }
0x24f: {  	v55 =	vld [tilespmem:$0x1FF70];
	v4 =	vor.u32 v45, v2;
	_ =	sdelay $0x3  }
0x250: {  	[tilespmem:v54+s21+$0x0] =	vst.idx.msk $0xffff, v1  }
0x251: {  	v3 =	vor.u32 s17, v55;
	v32 =	vmov v6;
	v6 =	vmov v46;
	v1 =	vld.idx.msk [tilespmem:v4+s18+$0x0], $0xffff  }
0x252: {  	v4 =	vor.u32 v6, v2;
	_ =	sdelay $0x3  }
0x253: {  	[tilespmem:v3+s21+$0x0] =	vst.idx.msk $0xffff, v1  }
0x254: {  	v7 =	vmov v48;
	v56 =	vor.u32 s17, v40;
	v1 =	vld.idx.msk [tilespmem:v4+s18+$0x0], $0xffff  }
0x255: {  	v57 =	vld [tilespmem:$0x1FF90];
	v4 =	vor.u32 v7, v2;
	_ =	sdelay $0x3  }
0x256: {  	[tilespmem:v56+s21+$0x0] =	vst.idx.msk $0xffff, v1  }
0x257: {  	v48 =	vmov v6;
	v6 =	vmov v49;
	v3 =	vor.u32 s17, v57;
	v1 =	vld.idx.msk [tilespmem:v4+s18+$0x0], $0xffff  }
0x258: {  	v4 =	vor.u32 v6, v2;
	_ =	sdelay $0x3  }
0x259: {  	[tilespmem:v3+s21+$0x0] =	vst.idx.msk $0xffff, v1  }
0x25a: {  	v59 =	vor.u32 s17, v39;
	v1 =	vld.idx.msk [tilespmem:v4+s18+$0x0], $0xffff  }
0x25b: {  	v60 =	vld [tilespmem:$0x1FFB0];
	v4 =	vor.u32 v50, v2;
	_ =	sdelay $0x3  }
0x25c: {  	[tilespmem:v59+s21+$0x0] =	vst.idx.msk $0xffff, v1  }
0x25d: {  	v3 =	vor.u32 s17, v60;
	v1 =	vld.idx.msk [tilespmem:v4+s18+$0x0], $0xffff  }
0x25e: {  	v4 =	vor.u32 v51, v2;
	_ =	sdelay $0x3  }
0x25f: {  	[tilespmem:v3+s21+$0x0] =	vst.idx.msk $0xffff, v1  }
0x260: {  	v62 =	vor.u32 s17, v5;
	v1 =	vld.idx.msk [tilespmem:v4+s18+$0x0], $0xffff  }
0x261: {  	v2 =	vor.u32 v0, v2;
	_ =	sdelay $0x3  }
0x262: {  	[tilespmem:v62+s21+$0x0] =	vst.idx.msk $0xffff, v1  }
0x263: {  	v63 =	vor.u32 s17, v33;
	v1 =	vld.idx.msk [tilespmem:v2+s18+$0x0], $0xffff;
	_ =	sdelay $0x2  }
0x264: {  	s0 =	sshll.u32 s16, $0xF  }
0x265: {  	s14 =	sor.u32 s6, s0  }
0x266: {  	s0 =	sadd.s32 s2, s14;
	[tilespmem:v63+s21+$0x0] =	vst.idx.msk $0xffff, v1  }
0x267: {  	[hbm4b:s0+s3] =	stream.linear.scatter [tilespmem:s21], [sflag:$0x3], $0x400, $0x38;
	[tilespmem:$0xA400] =	vst v63  }
0x268: {  	p1 =	sne.s32 s16, $0x63;
	s17 =	sadd.s32 s14, s7  }
0x269: {  	[hbm4b:s17+s3] =	stream.linear.scatter [tilespmem:s22], [sflag:$0x3], $0x400, $0x38;
	[tilespmem:$0xA400] =	vst v63  }
.Ltmp3:
0x26a: {  	_ = 	snop;
	(pc) =	sbr.rel @p1 .LBB2_6-.Ltmp3, $4  }
0x26b: {  	[tilespmem:$0x1FB10] =	vst v51;
	s1 =	sadd.s32 s14, s8  }
0x26c: {  	v43 =	vmov v38;
	v8 =	vmov v61;
	[hbm4b:s1+s3] =	stream.linear.scatter [tilespmem:s23], [sflag:$0x3], $0x400, $0x38;
	[tilespmem:$0xA400] =	vst v63  }
0x26d: {  	[tilespmem:$0x1FB20] =	vst v0;
	v10 =	vmovc v37;
	v12 =	vmovc v47;
	v30 =	vmov v34;
	v38 =	vmov v36;
	v46 =	vmov v45;
	s17 =	sadd.s32 s14, s9  }
0x26e: {  	v45 =	vmovc v44;
	v49 =	vmovc v7;
	v20 =	vmov v6;
	v6 =	vmov v42;
	v51 =	vmov v50;
	[hbm4b:s17+s3] =	stream.linear.scatter [tilespmem:s24], [sflag:$0x3], $0x400, $0x38;
	[tilespmem:$0xA400] =	vst v63  }
.Ltmp4:
0x26f: {  	(pc) =	sbr.rel .LBB2_7-.Ltmp4, $4  }
0x270: {  	_ = 	snop  }
0x271: {  	_ =	swait.ge [sflag:s25], $0x1000  }
0x272: {  	[sflag:s25] =	ssyncset.done $0x0  }
0x273: {  	[sflag:s25] =	ssyncadd.s32 $0xFFFFF000  }
.LBB2_6:
0x274: {  	s0 =	sshrl.u32 s5, $0x2  }
.Ltmp5:
0x275: {  	s0 =	sadd.s32 $0x100, s0;
	(pc) =	sbr.rel @p0 .LBB2_8-.Ltmp5, $4  }
0x276: {  	[tilespmem:s18], [sflag:$0x1] =	stream.indirect.gather [hbm4b:s4+s15], $0x20, s0, s15, $0xb8;
	[tilespmem:$0xA400] =	vst v63  }
0x277: {  	_ =	swait.ge [sflag:s25], $0x1000  }
0x278: {  	[sflag:s25] =	ssyncset.done $0x0  }
0x279: {  	[sflag:s25] =	ssyncadd.s32 $0xFFFFF000  }
.LBB2_7:
0x27a: {  	_ =	swait.ge [sflag:s26], $0x400  }
0x27b: {  	[sflag:s26] =	ssyncset.done $0x0  }
0x27c: {  	[sflag:s26] =	ssyncadd.s32 $0xFFFFFC00  }
0x27d: {  	_ =	swait.ge [sflag:s26], $0x400  }
0x27e: {  	[sflag:s26] =	ssyncset.done $0x0  }
0x27f: {  	[sflag:s26] =	ssyncadd.s32 $0xFFFFFC00  }
0x280: {  	_ =	swait.ge [sflag:s26], $0x400  }
0x281: {  	[sflag:s26] =	ssyncset.done $0x0  }
0x282: {  	[sflag:s26] =	ssyncadd.s32 $0xFFFFFC00  }
0x283: {  	_ =	swait.ge [sflag:s26], $0x400  }
0x284: {  	[sflag:s26] =	ssyncset.done $0x0  }
0x285: {  	[sflag:s26] =	ssyncadd.s32 $0xFFFFFC00  }
.LBB2_8:
0x286: {  	v0 =	vld [tilespmem:$0x1FB90];
	_ =	sdelay $0x1  }
0x287: {  	s1 =	simm.s32 $0x0  }
0x288: {  	v1 =	vmov s1  }
0x289: {  	v1 =	vshll.u32 v1, $0x5  }
0x28a: {  	v2 =	vlaneseq.u32;
	v1 =	vor.u32 v0, v1  }
0x28b: {  	v3 =	vld [tilespmem:$0x1FDF0];
	v2 =	vor.u32 v2, v1  }
0x28c: {  	v4 =	vld [tilespmem:$0x1FBA0];
	_ =	sdelay $0x3  }
0x28d: {  	v5 =	vmov v3;
	v3 =	vor.u32 s1, v3;
	v2 =	vld.idx.msk [tilespmem:v2+s19+$0x0], $0xffff  }
0x28e: {  	v52 =	vmov v4;
	v4 =	vor.u32 v4, v1;
	_ =	sdelay $0x3  }
0x28f: {  	[tilespmem:v3+s28+$0x0] =	vst.idx.msk $0xffff, v2;
	v3 =	vld [tilespmem:$0x1FE00]  }
0x290: {  	v2 =	vld.idx.msk [tilespmem:v4+s19+$0x0], $0xffff  }
0x291: {  	v4 =	vld [tilespmem:$0x1FBB0];
	_ =	sdelay $0x3  }
0x292: {  	v7 =	vmov v3;
	v3 =	vor.u32 s1, v3  }
0x293: {  	v42 =	vmov v4;
	v4 =	vor.u32 v4, v1;
	_ =	sdelay $0x3  }
0x294: {  	[tilespmem:v3+s28+$0x0] =	vst.idx.msk $0xffff, v2;
	v3 =	vld [tilespmem:$0x1FE10]  }
0x295: {  	v2 =	vld.idx.msk [tilespmem:v4+s19+$0x0], $0xffff  }
0x296: {  	v4 =	vld [tilespmem:$0x1FBC0];
	_ =	sdelay $0x3  }
0x297: {  	v9 =	vmov v3;
	v3 =	vor.u32 s1, v3  }
0x298: {  	v18 =	vmov v4;
	v4 =	vor.u32 v4, v1;
	_ =	sdelay $0x3  }
0x299: {  	[tilespmem:v3+s28+$0x0] =	vst.idx.msk $0xffff, v2;
	v3 =	vld [tilespmem:$0x1FE20]  }
0x29a: {  	v2 =	vld.idx.msk [tilespmem:v4+s19+$0x0], $0xffff  }
0x29b: {  	v4 =	vld [tilespmem:$0x1FBD0];
	_ =	sdelay $0x3  }
0x29c: {  	v11 =	vmov v3;
	v3 =	vor.u32 s1, v3  }
0x29d: {  	v37 =	vmov v4;
	v4 =	vor.u32 v4, v1;
	_ =	sdelay $0x3  }
0x29e: {  	[tilespmem:v3+s28+$0x0] =	vst.idx.msk $0xffff, v2;
	v3 =	vld [tilespmem:$0x1FE30]  }
0x29f: {  	v2 =	vld.idx.msk [tilespmem:v4+s19+$0x0], $0xffff  }
0x2a0: {  	v4 =	vld [tilespmem:$0x1FBE0];
	_ =	sdelay $0x3  }
0x2a1: {  	v13 =	vmov v3;
	v3 =	vor.u32 s1, v3  }
0x2a2: {  	v26 =	vmov v4;
	v4 =	vor.u32 v4, v1;
	_ =	sdelay $0x3  }
0x2a3: {  	[tilespmem:v3+s28+$0x0] =	vst.idx.msk $0xffff, v2;
	v3 =	vld [tilespmem:$0x1FE40]  }
0x2a4: {  	v2 =	vld.idx.msk [tilespmem:v4+s19+$0x0], $0xffff  }
0x2a5: {  	v4 =	vld [tilespmem:$0x1FBF0];
	_ =	sdelay $0x3  }
0x2a6: {  	v15 =	vmov v3;
	v3 =	vor.u32 s1, v3  }
0x2a7: {  	v28 =	vmov v4;
	v4 =	vor.u32 v4, v1;
	_ =	sdelay $0x3  }
0x2a8: {  	[tilespmem:v3+s28+$0x0] =	vst.idx.msk $0xffff, v2;
	v3 =	vld [tilespmem:$0x1FE50]  }
0x2a9: {  	v2 =	vld.idx.msk [tilespmem:v4+s19+$0x0], $0xffff  }
0x2aa: {  	v4 =	vld [tilespmem:$0x1FC00];
	_ =	sdelay $0x3  }
0x2ab: {  	v17 =	vmov v3;
	v3 =	vor.u32 s1, v3  }
0x2ac: {  	v34 =	vmov v4;
	v4 =	vor.u32 v4, v1;
	_ =	sdelay $0x3  }
0x2ad: {  	[tilespmem:v3+s28+$0x0] =	vst.idx.msk $0xffff, v2;
	v3 =	vld [tilespmem:$0x1FE60]  }
0x2ae: {  	v2 =	vld.idx.msk [tilespmem:v4+s19+$0x0], $0xffff  }
0x2af: {  	v4 =	vld [tilespmem:$0x1FC10];
	_ =	sdelay $0x3  }
0x2b0: {  	v19 =	vmov v3;
	v3 =	vor.u32 s1, v3  }
0x2b1: {  	v35 =	vmov v4;
	v4 =	vor.u32 v4, v1;
	_ =	sdelay $0x3  }
0x2b2: {  	[tilespmem:v3+s28+$0x0] =	vst.idx.msk $0xffff, v2;
	v3 =	vld [tilespmem:$0x1FE70]  }
0x2b3: {  	v2 =	vld.idx.msk [tilespmem:v4+s19+$0x0], $0xffff  }
0x2b4: {  	v4 =	vld [tilespmem:$0x1FC20];
	_ =	sdelay $0x3  }
0x2b5: {  	v21 =	vmov v3;
	v3 =	vor.u32 s1, v3  }
0x2b6: {  	v24 =	vmov v4;
	v4 =	vor.u32 v4, v1;
	_ =	sdelay $0x3  }
0x2b7: {  	[tilespmem:v3+s28+$0x0] =	vst.idx.msk $0xffff, v2;
	v3 =	vld [tilespmem:$0x1FE80]  }
0x2b8: {  	v2 =	vld.idx.msk [tilespmem:v4+s19+$0x0], $0xffff  }
0x2b9: {  	v4 =	vld [tilespmem:$0x1FC30];
	_ =	sdelay $0x3  }
0x2ba: {  	v23 =	vmov v3;
	v3 =	vor.u32 s1, v3  }
0x2bb: {  	v47 =	vmov v4;
	v4 =	vor.u32 v4, v1;
	_ =	sdelay $0x3  }
0x2bc: {  	[tilespmem:v3+s28+$0x0] =	vst.idx.msk $0xffff, v2;
	v3 =	vld [tilespmem:$0x1FE90]  }
0x2bd: {  	v2 =	vld.idx.msk [tilespmem:v4+s19+$0x0], $0xffff  }
0x2be: {  	v4 =	vld [tilespmem:$0x1FC40];
	_ =	sdelay $0x3  }
0x2bf: {  	v25 =	vmov v3;
	v3 =	vor.u32 s1, v3  }
0x2c0: {  	v53 =	vmov v4;
	v4 =	vor.u32 v4, v1;
	_ =	sdelay $0x3  }
0x2c1: {  	[tilespmem:v3+s28+$0x0] =	vst.idx.msk $0xffff, v2;
	v3 =	vld [tilespmem:$0x1FEA0]  }
0x2c2: {  	v2 =	vld.idx.msk [tilespmem:v4+s19+$0x0], $0xffff  }
0x2c3: {  	v4 =	vld [tilespmem:$0x1FC50];
	_ =	sdelay $0x2  }
0x2c4: {  	v27 =	vmov v3;
	v3 =	vor.u32 s1, v3;
	_ =	sdelay $0x1  }
0x2c5: {  	v55 =	vmov v4;
	v4 =	vor.u32 v4, v1;
	_ =	sdelay $0x2  }
0x2c6: {  	[tilespmem:v3+s28+$0x0] =	vst.idx.msk $0xffff, v2;
	v3 =	vld [tilespmem:$0x1FEB0];
	_ =	sdelay $0x1  }
0x2c7: {  	v2 =	vld.idx.msk [tilespmem:v4+s19+$0x0], $0xffff  }
0x2c8: {  	v4 =	vld [tilespmem:$0x1FC60];
	_ =	sdelay $0x1  }
0x2c9: {  	v29 =	vmov v3;
	v3 =	vor.u32 s1, v3;
	_ =	sdelay $0x2  }
0x2ca: {  	v63 =	vmov v4;
	v4 =	vor.u32 v4, v1;
	_ =	sdelay $0x1  }
0x2cb: {  	[tilespmem:v3+s28+$0x0] =	vst.idx.msk $0xffff, v2;
	v3 =	vld [tilespmem:$0x1FEC0];
	_ =	sdelay $0x2  }
0x2cc: {  	v2 =	vld.idx.msk [tilespmem:v4+s19+$0x0], $0xffff  }
0x2cd: {  	v4 =	vld [tilespmem:$0x1FED0]  }
0x2ce: {  	v14 =	vmov v3;
	v3 =	vor.u32 s1, v3;
	_ =	sdelay $0x3  }
0x2cf: {  	v39 =	vmov v4;
	v4 =	vor.u32 v4, v1  }
0x2d0: {  	[tilespmem:v3+s28+$0x0] =	vst.idx.msk $0xffff, v2;
	v3 =	vld [tilespmem:$0x1FEE0];
	_ =	sdelay $0x3  }
0x2d1: {  	v2 =	vld.idx.msk [tilespmem:v4+s19+$0x0], $0xffff  }
0x2d2: {  	v4 =	vld [tilespmem:$0x1FEF0];
	v36 =	vmov v3;
	v3 =	vor.u32 s1, v3;
	_ =	sdelay $0x4  }
0x2d3: {  	v50 =	vmov v4;
	v4 =	vor.u32 v4, v1;
	[tilespmem:v3+s28+$0x0] =	vst.idx.msk $0xffff, v2;
	v3 =	vld [tilespmem:$0x1FF00];
	_ =	sdelay $0x4  }
0x2d4: {  	v2 =	vld.idx.msk [tilespmem:v4+s19+$0x0], $0xffff;
	v31 =	vmov v3;
	v3 =	vor.u32 s1, v3  }
0x2d5: {  	v4 =	vor.u32 v58, v1;
	_ =	sdelay $0x3  }
0x2d6: {  	[tilespmem:v3+s28+$0x0] =	vst.idx.msk $0xffff, v2  }
0x2d7: {  	v3 =	vor.u32 s1, v8;
	v2 =	vld.idx.msk [tilespmem:v4+s19+$0x0], $0xffff;
	_ =	sdelay $0x4  }
0x2d8: {  	v4 =	vor.u32 v10, v1;
	[tilespmem:v3+s28+$0x0] =	vst.idx.msk $0xffff, v2;
	v3 =	vld [tilespmem:$0x1FF10];
	_ =	sdelay $0x4  }
0x2d9: {  	v2 =	vld.idx.msk [tilespmem:v4+s19+$0x0], $0xffff;
	v54 =	vmov v3;
	v3 =	vor.u32 s1, v3;
	_ =	sdelay $0x4  }
0x2da: {  	v4 =	vor.u32 v12, v1;
	[tilespmem:v3+s28+$0x0] =	vst.idx.msk $0xffff, v2;
	v3 =	vld [tilespmem:$0x1FF20];
	_ =	sdelay $0x4  }
0x2db: {  	v41 =	vmov v58;
	v2 =	vld.idx.msk [tilespmem:v4+s19+$0x0], $0xffff;
	v58 =	vmov v3;
	v3 =	vor.u32 s1, v3;
	_ =	sdelay $0x4  }
0x2dc: {  	v4 =	vor.u32 v6, v1;
	[tilespmem:v3+s28+$0x0] =	vst.idx.msk $0xffff, v2;
	v3 =	vld [tilespmem:$0x1FF30];
	_ =	sdelay $0x4  }
0x2dd: {  	v2 =	vld.idx.msk [tilespmem:v4+s19+$0x0], $0xffff;
	v57 =	vmov v3;
	v3 =	vor.u32 s1, v3;
	_ =	sdelay $0x4  }
0x2de: {  	v4 =	vor.u32 v30, v1;
	[tilespmem:v3+s28+$0x0] =	vst.idx.msk $0xffff, v2;
	v3 =	vld [tilespmem:$0x1FFE0];
	_ =	sdelay $0x4  }
0x2df: {  	v2 =	vld.idx.msk [tilespmem:v4+s19+$0x0], $0xffff;
	v56 =	vmov v3;
	v3 =	vor.u32 s1, v3;
	_ =	sdelay $0x4  }
0x2e0: {  	v4 =	vor.u32 v38, v1;
	[tilespmem:v3+s28+$0x0] =	vst.idx.msk $0xffff, v2;
	v3 =	vld [tilespmem:$0x1FCF0];
	_ =	sdelay $0x4  }
0x2e1: {  	v2 =	vld.idx.msk [tilespmem:v4+s19+$0x0], $0xffff;
	v59 =	vmov v3;
	v3 =	vor.u32 s1, v3;
	_ =	sdelay $0x4  }
0x2e2: {  	v4 =	vor.u32 v43, v1;
	[tilespmem:v3+s28+$0x0] =	vst.idx.msk $0xffff, v2;
	v3 =	vld [tilespmem:$0x1FF40];
	_ =	sdelay $0x4  }
0x2e3: {  	v2 =	vld.idx.msk [tilespmem:v4+s19+$0x0], $0xffff;
	v40 =	vmov v3;
	v3 =	vor.u32 s1, v3;
	_ =	sdelay $0x4  }
0x2e4: {  	v4 =	vor.u32 v32, v1;
	[tilespmem:v3+s28+$0x0] =	vst.idx.msk $0xffff, v2;
	v3 =	vld [tilespmem:$0x1FF50];
	_ =	sdelay $0x4  }
0x2e5: {  	v2 =	vld.idx.msk [tilespmem:v4+s19+$0x0], $0xffff;
	v61 =	vmov v3;
	v3 =	vor.u32 s1, v3;
	_ =	sdelay $0x4  }
0x2e6: {  	v4 =	vor.u32 v45, v1;
	[tilespmem:v3+s28+$0x0] =	vst.idx.msk $0xffff, v2;
	v3 =	vld [tilespmem:$0x1FF60];
	_ =	sdelay $0x4  }
0x2e7: {  	v2 =	vld.idx.msk [tilespmem:v4+s19+$0x0], $0xffff;
	v60 =	vmov v3;
	v3 =	vor.u32 s1, v3;
	_ =	sdelay $0x4  }
0x2e8: {  	v4 =	vor.u32 v46, v1;
	[tilespmem:v3+s28+$0x0] =	vst.idx.msk $0xffff, v2;
	v3 =	vld [tilespmem:$0x1FF70];
	_ =	sdelay $0x4  }
0x2e9: {  	v2 =	vld.idx.msk [tilespmem:v4+s19+$0x0], $0xffff;
	v62 =	vmov v3;
	v3 =	vor.u32 s1, v3;
	_ =	sdelay $0x4  }
0x2ea: {  	v4 =	vor.u32 v48, v1;
	[tilespmem:v3+s28+$0x0] =	vst.idx.msk $0xffff, v2;
	v3 =	vld [tilespmem:$0x1FF80];
	_ =	sdelay $0x4  }
0x2eb: {  	v2 =	vld.idx.msk [tilespmem:v4+s19+$0x0], $0xffff;
	v16 =	vmov v3;
	v3 =	vor.u32 s1, v3;
	_ =	sdelay $0x4  }
0x2ec: {  	v4 =	vor.u32 v49, v1;
	[tilespmem:v3+s28+$0x0] =	vst.idx.msk $0xffff, v2;
	v3 =	vld [tilespmem:$0x1FF90];
	_ =	sdelay $0x4  }
0x2ed: {  	v2 =	vld.idx.msk [tilespmem:v4+s19+$0x0], $0xffff;
	v22 =	vmov v3;
	v3 =	vor.u32 s1, v3;
	_ =	sdelay $0x4  }
0x2ee: {  	v4 =	vor.u32 v20, v1;
	[tilespmem:v3+s28+$0x0] =	vst.idx.msk $0xffff, v2;
	v3 =	vld [tilespmem:$0x1FFA0];
	_ =	sdelay $0x4  }
0x2ef: {  	v44 =	vmov v0;
	v2 =	vld.idx.msk [tilespmem:v4+s19+$0x0], $0xffff;
	v0 =	vmov v3;
	v3 =	vor.u32 s1, v3;
	_ =	sdelay $0x3  }
0x2f0: {  	v4 =	vor.u32 v51, v1  }
0x2f1: {  	[tilespmem:v3+s28+$0x0] =	vst.idx.msk $0xffff, v2;
	v3 =	vld [tilespmem:$0x1FFB0];
	_ =	sdelay $0x3  }
0x2f2: {  	v2 =	vld.idx.msk [tilespmem:v4+s19+$0x0], $0xffff  }
0x2f3: {  	v4 =	vld [tilespmem:$0x1FB10];
	v3 =	vor.u32 s1, v3;
	_ =	sdelay $0x4  }
0x2f4: {  	v4 =	vor.u32 v4, v1;
	[tilespmem:v3+s28+$0x0] =	vst.idx.msk $0xffff, v2;
	v3 =	vld [tilespmem:$0x1FFC0];
	_ =	sdelay $0x4  }
0x2f5: {  	v2 =	vld.idx.msk [tilespmem:v4+s19+$0x0], $0xffff;
	v3 =	vor.u32 s1, v3;
	_ =	sdelay $0x4  }
0x2f6: {  	[tilespmem:v3+s28+$0x0] =	vst.idx.msk $0xffff, v2;
	v2 =	vld [tilespmem:$0x1FB20];
	_ =	sdelay $0x3  }
0x2f7: {  	s17 =	simm.s32 $0x10  }
0x2f8: {  	s0 =	simm.s32 $0x20;
	v33 =	vld [tilespmem:$0x1FFD0];
	v1 =	vor.u32 v2, v1;
	v2 =	vmov s17  }
.LBB2_9:
0x2f9: {  	_ =	sdelay $0x2  }
0x2fa: {  	v2 =	vshll.u32 v2, $0x5  }
0x2fb: {  	v3 =	vld.idx.msk [tilespmem:v1+s19+$0x0], $0xffff;
	v4 =	vlaneseq.u32;
	v1 =	vor.u32 v44, v2;
	v2 =	vor.u32 s1, v33  }
0x2fc: {  	v4 =	vor.u32 v4, v1;
	_ =	sdelay $0x3  }
0x2fd: {  	s1 =	smov.u32 s17;
	[tilespmem:v2+s28+$0x0] =	vst.idx.msk $0xffff, v3  }
0x2fe: {  	v3 =	vor.u32 s1, v5;
	v2 =	vld.idx.msk [tilespmem:v4+s19+$0x0], $0xffff  }
0x2ff: {  	v4 =	vor.u32 v52, v1;
	_ =	sdelay $0x3  }
0x300: {  	[tilespmem:v3+s28+$0x0] =	vst.idx.msk $0xffff, v2  }
0x301: {  	v3 =	vor.u32 s1, v7;
	v2 =	vld.idx.msk [tilespmem:v4+s19+$0x0], $0xffff  }
0x302: {  	v4 =	vor.u32 v42, v1;
	_ =	sdelay $0x3  }
0x303: {  	[tilespmem:v3+s28+$0x0] =	vst.idx.msk $0xffff, v2  }
0x304: {  	v3 =	vor.u32 s1, v9;
	v2 =	vld.idx.msk [tilespmem:v4+s19+$0x0], $0xffff  }
0x305: {  	v4 =	vor.u32 v18, v1;
	_ =	sdelay $0x3  }
0x306: {  	[tilespmem:v3+s28+$0x0] =	vst.idx.msk $0xffff, v2  }
0x307: {  	v3 =	vor.u32 s1, v11;
	v2 =	vld.idx.msk [tilespmem:v4+s19+$0x0], $0xffff  }
0x308: {  	v4 =	vor.u32 v37, v1;
	_ =	sdelay $0x3  }
0x309: {  	[tilespmem:v3+s28+$0x0] =	vst.idx.msk $0xffff, v2  }
0x30a: {  	v3 =	vor.u32 s1, v13;
	v2 =	vld.idx.msk [tilespmem:v4+s19+$0x0], $0xffff  }
0x30b: {  	v4 =	vor.u32 v26, v1;
	_ =	sdelay $0x3  }
0x30c: {  	[tilespmem:v3+s28+$0x0] =	vst.idx.msk $0xffff, v2  }
0x30d: {  	v3 =	vor.u32 s1, v15;
	v2 =	vld.idx.msk [tilespmem:v4+s19+$0x0], $0xffff  }
0x30e: {  	v4 =	vor.u32 v28, v1;
	_ =	sdelay $0x3  }
0x30f: {  	[tilespmem:v3+s28+$0x0] =	vst.idx.msk $0xffff, v2  }
0x310: {  	v3 =	vor.u32 s1, v17;
	v2 =	vld.idx.msk [tilespmem:v4+s19+$0x0], $0xffff  }
0x311: {  	v4 =	vor.u32 v34, v1;
	_ =	sdelay $0x3  }
0x312: {  	[tilespmem:v3+s28+$0x0] =	vst.idx.msk $0xffff, v2  }
0x313: {  	v3 =	vor.u32 s1, v19;
	v2 =	vld.idx.msk [tilespmem:v4+s19+$0x0], $0xffff  }
0x314: {  	v4 =	vor.u32 v35, v1;
	_ =	sdelay $0x3  }
0x315: {  	[tilespmem:v3+s28+$0x0] =	vst.idx.msk $0xffff, v2  }
0x316: {  	v3 =	vor.u32 s1, v21;
	v2 =	vld.idx.msk [tilespmem:v4+s19+$0x0], $0xffff  }
0x317: {  	v4 =	vor.u32 v24, v1;
	_ =	sdelay $0x3  }
0x318: {  	[tilespmem:v3+s28+$0x0] =	vst.idx.msk $0xffff, v2  }
0x319: {  	v3 =	vor.u32 s1, v23;
	v2 =	vld.idx.msk [tilespmem:v4+s19+$0x0], $0xffff  }
0x31a: {  	v4 =	vor.u32 v47, v1;
	_ =	sdelay $0x3  }
0x31b: {  	[tilespmem:v3+s28+$0x0] =	vst.idx.msk $0xffff, v2  }
0x31c: {  	v3 =	vor.u32 s1, v25;
	v2 =	vld.idx.msk [tilespmem:v4+s19+$0x0], $0xffff  }
0x31d: {  	v4 =	vor.u32 v53, v1;
	_ =	sdelay $0x3  }
0x31e: {  	[tilespmem:v3+s28+$0x0] =	vst.idx.msk $0xffff, v2  }
0x31f: {  	v3 =	vor.u32 s1, v27;
	v2 =	vld.idx.msk [tilespmem:v4+s19+$0x0], $0xffff  }
0x320: {  	v4 =	vor.u32 v55, v1;
	_ =	sdelay $0x3  }
0x321: {  	[tilespmem:v3+s28+$0x0] =	vst.idx.msk $0xffff, v2  }
0x322: {  	v3 =	vor.u32 s1, v29;
	v2 =	vld.idx.msk [tilespmem:v4+s19+$0x0], $0xffff  }
0x323: {  	v4 =	vor.u32 v63, v1;
	_ =	sdelay $0x3  }
0x324: {  	[tilespmem:v3+s28+$0x0] =	vst.idx.msk $0xffff, v2  }
0x325: {  	v3 =	vor.u32 s1, v14;
	v2 =	vld.idx.msk [tilespmem:v4+s19+$0x0], $0xffff  }
0x326: {  	v4 =	vor.u32 v39, v1;
	_ =	sdelay $0x3  }
0x327: {  	[tilespmem:v3+s28+$0x0] =	vst.idx.msk $0xffff, v2  }
0x328: {  	v3 =	vor.u32 s1, v36;
	v2 =	vld.idx.msk [tilespmem:v4+s19+$0x0], $0xffff  }
0x329: {  	v4 =	vor.u32 v50, v1;
	_ =	sdelay $0x3  }
0x32a: {  	[tilespmem:v3+s28+$0x0] =	vst.idx.msk $0xffff, v2  }
0x32b: {  	v3 =	vor.u32 s1, v31;
	v2 =	vld.idx.msk [tilespmem:v4+s19+$0x0], $0xffff  }
0x32c: {  	v4 =	vor.u32 v41, v1;
	_ =	sdelay $0x3  }
0x32d: {  	[tilespmem:v3+s28+$0x0] =	vst.idx.msk $0xffff, v2  }
0x32e: {  	v3 =	vor.u32 s1, v8;
	v2 =	vld.idx.msk [tilespmem:v4+s19+$0x0], $0xffff  }
0x32f: {  	v4 =	vor.u32 v10, v1;
	_ =	sdelay $0x3  }
0x330: {  	[tilespmem:v3+s28+$0x0] =	vst.idx.msk $0xffff, v2  }
0x331: {  	v3 =	vor.u32 s1, v54;
	v2 =	vld.idx.msk [tilespmem:v4+s19+$0x0], $0xffff  }
0x332: {  	v4 =	vor.u32 v12, v1;
	_ =	sdelay $0x3  }
0x333: {  	[tilespmem:v3+s28+$0x0] =	vst.idx.msk $0xffff, v2  }
0x334: {  	v3 =	vor.u32 s1, v58;
	v2 =	vld.idx.msk [tilespmem:v4+s19+$0x0], $0xffff  }
0x335: {  	v4 =	vor.u32 v6, v1;
	_ =	sdelay $0x3  }
0x336: {  	[tilespmem:v3+s28+$0x0] =	vst.idx.msk $0xffff, v2  }
0x337: {  	v3 =	vor.u32 s1, v57;
	v2 =	vld.idx.msk [tilespmem:v4+s19+$0x0], $0xffff  }
0x338: {  	v4 =	vor.u32 v30, v1;
	_ =	sdelay $0x3  }
0x339: {  	[tilespmem:v3+s28+$0x0] =	vst.idx.msk $0xffff, v2  }
0x33a: {  	v3 =	vor.u32 s1, v56;
	v2 =	vld.idx.msk [tilespmem:v4+s19+$0x0], $0xffff  }
0x33b: {  	v4 =	vor.u32 v38, v1;
	_ =	sdelay $0x3  }
0x33c: {  	[tilespmem:v3+s28+$0x0] =	vst.idx.msk $0xffff, v2  }
0x33d: {  	v3 =	vor.u32 s1, v59;
	v2 =	vld.idx.msk [tilespmem:v4+s19+$0x0], $0xffff  }
0x33e: {  	v4 =	vor.u32 v43, v1;
	_ =	sdelay $0x3  }
0x33f: {  	[tilespmem:v3+s28+$0x0] =	vst.idx.msk $0xffff, v2  }
0x340: {  	v3 =	vor.u32 s1, v40;
	v2 =	vld.idx.msk [tilespmem:v4+s19+$0x0], $0xffff  }
0x341: {  	v4 =	vor.u32 v32, v1;
	_ =	sdelay $0x3  }
0x342: {  	[tilespmem:v3+s28+$0x0] =	vst.idx.msk $0xffff, v2  }
0x343: {  	v3 =	vor.u32 s1, v61;
	v2 =	vld.idx.msk [tilespmem:v4+s19+$0x0], $0xffff  }
0x344: {  	v4 =	vor.u32 v45, v1;
	_ =	sdelay $0x3  }
0x345: {  	[tilespmem:v3+s28+$0x0] =	vst.idx.msk $0xffff, v2  }
0x346: {  	v3 =	vor.u32 s1, v60;
	v2 =	vld.idx.msk [tilespmem:v4+s19+$0x0], $0xffff  }
0x347: {  	v4 =	vor.u32 v46, v1;
	_ =	sdelay $0x3  }
0x348: {  	[tilespmem:v3+s28+$0x0] =	vst.idx.msk $0xffff, v2  }
0x349: {  	v3 =	vor.u32 s1, v62;
	v2 =	vld.idx.msk [tilespmem:v4+s19+$0x0], $0xffff  }
0x34a: {  	v4 =	vor.u32 v48, v1;
	_ =	sdelay $0x3  }
0x34b: {  	[tilespmem:v3+s28+$0x0] =	vst.idx.msk $0xffff, v2  }
0x34c: {  	v3 =	vor.u32 s1, v16;
	v2 =	vld.idx.msk [tilespmem:v4+s19+$0x0], $0xffff  }
0x34d: {  	v4 =	vor.u32 v49, v1;
	_ =	sdelay $0x3  }
0x34e: {  	[tilespmem:v3+s28+$0x0] =	vst.idx.msk $0xffff, v2  }
0x34f: {  	v3 =	vor.u32 s1, v22;
	v2 =	vld.idx.msk [tilespmem:v4+s19+$0x0], $0xffff  }
0x350: {  	v4 =	vor.u32 v20, v1;
	_ =	sdelay $0x3  }
0x351: {  	[tilespmem:v3+s28+$0x0] =	vst.idx.msk $0xffff, v2  }
0x352: {  	v3 =	vor.u32 s1, v0;
	v2 =	vld.idx.msk [tilespmem:v4+s19+$0x0], $0xffff;
	_ =	sdelay $0x2  }
0x353: {  	v4 =	vor.u32 v51, v1;
	_ =	sdelay $0x1  }
0x354: {  	[tilespmem:v3+s28+$0x0] =	vst.idx.msk $0xffff, v2;
	v3 =	vld [tilespmem:$0x1FFB0];
	_ =	sdelay $0x2  }
0x355: {  	v2 =	vld.idx.msk [tilespmem:v4+s19+$0x0], $0xffff  }
0x356: {  	v4 =	vld [tilespmem:$0x1FB10]  }
0x357: {  	v3 =	vor.u32 s1, v3;
	_ =	sdelay $0x3  }
0x358: {  	v4 =	vor.u32 v4, v1  }
0x359: {  	[tilespmem:v3+s28+$0x0] =	vst.idx.msk $0xffff, v2;
	v2 =	vld [tilespmem:$0x1FFC0];
	_ =	sdelay $0x3  }
0x35a: {  	v3 =	vld.idx.msk [tilespmem:v4+s19+$0x0], $0xffff  }
0x35b: {  	p0 =	sne.s32 s0, $0x70;
	v4 =	vor.u32 s1, v2;
	v2 =	vld [tilespmem:$0x1FB20]  }
.Ltmp6:
0x35c: {  	_ = 	snop;
	(pc) =	sbr.rel @p0 .LBB2_9-.Ltmp6, $3  }
0x35d: {  	_ =	sdelay $0x1  }
0x35e: {  	s17 =	smov.u32 s0  }
0x35f: {  	s0 =	sadd.s32 $0x10, s0;
	v1 =	vor.u32 v2, v1;
	v2 =	vmov s17;
	[tilespmem:v4+s28+$0x0] =	vst.idx.msk $0xffff, v3  }
0x360: {  	_ =	sdelay $0x2  }
0x361: {  	v2 =	vshll.u32 v2, $0x5  }
0x362: {  	v1 =	vld.idx.msk [tilespmem:v1+s19+$0x0], $0xffff;
	v3 =	vor.u32 s1, v33;
	v4 =	vlaneseq.u32;
	v2 =	vor.u32 v44, v2  }
0x363: {  	v4 =	vor.u32 v4, v2;
	_ =	sdelay $0x3  }
0x364: {  	[tilespmem:v3+s28+$0x0] =	vst.idx.msk $0xffff, v1  }
0x365: {  	v44 =	vor.u32 s17, v5;
	v1 =	vld.idx.msk [tilespmem:v4+s19+$0x0], $0xffff  }
0x366: {  	v4 =	vor.u32 v52, v2;
	_ =	sdelay $0x3  }
0x367: {  	[tilespmem:v44+s28+$0x0] =	vst.idx.msk $0xffff, v1  }
0x368: {  	v52 =	vor.u32 s17, v7;
	v1 =	vld.idx.msk [tilespmem:v4+s19+$0x0], $0xffff  }
0x369: {  	v4 =	vor.u32 v42, v2;
	_ =	sdelay $0x3  }
0x36a: {  	[tilespmem:v52+s28+$0x0] =	vst.idx.msk $0xffff, v1  }
0x36b: {  	v44 =	vor.u32 s17, v9;
	v1 =	vld.idx.msk [tilespmem:v4+s19+$0x0], $0xffff  }
0x36c: {  	v4 =	vor.u32 v18, v2;
	_ =	sdelay $0x3  }
0x36d: {  	[tilespmem:v44+s28+$0x0] =	vst.idx.msk $0xffff, v1  }
0x36e: {  	v52 =	vor.u32 s17, v11;
	v1 =	vld.idx.msk [tilespmem:v4+s19+$0x0], $0xffff  }
0x36f: {  	v4 =	vor.u32 v37, v2;
	_ =	sdelay $0x3  }
0x370: {  	[tilespmem:v52+s28+$0x0] =	vst.idx.msk $0xffff, v1  }
0x371: {  	v42 =	vor.u32 s17, v13;
	v1 =	vld.idx.msk [tilespmem:v4+s19+$0x0], $0xffff  }
0x372: {  	v4 =	vor.u32 v26, v2;
	_ =	sdelay $0x3  }
0x373: {  	[tilespmem:v42+s28+$0x0] =	vst.idx.msk $0xffff, v1  }
0x374: {  	v44 =	vor.u32 s17, v15;
	v1 =	vld.idx.msk [tilespmem:v4+s19+$0x0], $0xffff  }
0x375: {  	v4 =	vor.u32 v28, v2;
	_ =	sdelay $0x3  }
0x376: {  	[tilespmem:v44+s28+$0x0] =	vst.idx.msk $0xffff, v1  }
0x377: {  	v52 =	vor.u32 s17, v17;
	v1 =	vld.idx.msk [tilespmem:v4+s19+$0x0], $0xffff  }
0x378: {  	v4 =	vor.u32 v34, v2;
	_ =	sdelay $0x3  }
0x379: {  	[tilespmem:v52+s28+$0x0] =	vst.idx.msk $0xffff, v1  }
0x37a: {  	v37 =	vor.u32 s17, v19;
	v1 =	vld.idx.msk [tilespmem:v4+s19+$0x0], $0xffff  }
0x37b: {  	v4 =	vor.u32 v35, v2;
	_ =	sdelay $0x3  }
0x37c: {  	[tilespmem:v37+s28+$0x0] =	vst.idx.msk $0xffff, v1  }
0x37d: {  	v42 =	vor.u32 s17, v21;
	v1 =	vld.idx.msk [tilespmem:v4+s19+$0x0], $0xffff  }
0x37e: {  	v4 =	vor.u32 v24, v2;
	_ =	sdelay $0x3  }
0x37f: {  	[tilespmem:v42+s28+$0x0] =	vst.idx.msk $0xffff, v1  }
0x380: {  	v44 =	vor.u32 s17, v23;
	v1 =	vld.idx.msk [tilespmem:v4+s19+$0x0], $0xffff  }
0x381: {  	v4 =	vor.u32 v47, v2;
	_ =	sdelay $0x3  }
0x382: {  	[tilespmem:v44+s28+$0x0] =	vst.idx.msk $0xffff, v1  }
0x383: {  	v47 =	vor.u32 s17, v25;
	v1 =	vld.idx.msk [tilespmem:v4+s19+$0x0], $0xffff  }
0x384: {  	v4 =	vor.u32 v53, v2;
	_ =	sdelay $0x3  }
0x385: {  	[tilespmem:v47+s28+$0x0] =	vst.idx.msk $0xffff, v1  }
0x386: {  	v52 =	vor.u32 s17, v27;
	v1 =	vld.idx.msk [tilespmem:v4+s19+$0x0], $0xffff  }
0x387: {  	v4 =	vor.u32 v55, v2;
	_ =	sdelay $0x3  }
0x388: {  	[tilespmem:v52+s28+$0x0] =	vst.idx.msk $0xffff, v1  }
0x389: {  	v53 =	vor.u32 s17, v29;
	v1 =	vld.idx.msk [tilespmem:v4+s19+$0x0], $0xffff  }
0x38a: {  	v4 =	vor.u32 v63, v2;
	_ =	sdelay $0x3  }
0x38b: {  	[tilespmem:v53+s28+$0x0] =	vst.idx.msk $0xffff, v1  }
0x38c: {  	v55 =	vor.u32 s17, v14;
	v1 =	vld.idx.msk [tilespmem:v4+s19+$0x0], $0xffff  }
0x38d: {  	v4 =	vor.u32 v39, v2;
	_ =	sdelay $0x3  }
0x38e: {  	[tilespmem:v55+s28+$0x0] =	vst.idx.msk $0xffff, v1  }
0x38f: {  	v63 =	vor.u32 s17, v36;
	v1 =	vld.idx.msk [tilespmem:v4+s19+$0x0], $0xffff  }
0x390: {  	v4 =	vor.u32 v50, v2;
	_ =	sdelay $0x3  }
0x391: {  	[tilespmem:v63+s28+$0x0] =	vst.idx.msk $0xffff, v1  }
0x392: {  	v34 =	vor.u32 s17, v31;
	v1 =	vld.idx.msk [tilespmem:v4+s19+$0x0], $0xffff  }
0x393: {  	v4 =	vor.u32 v41, v2;
	_ =	sdelay $0x3  }
0x394: {  	[tilespmem:v34+s28+$0x0] =	vst.idx.msk $0xffff, v1  }
0x395: {  	v35 =	vor.u32 s17, v8;
	v1 =	vld.idx.msk [tilespmem:v4+s19+$0x0], $0xffff  }
0x396: {  	v4 =	vor.u32 v10, v2;
	_ =	sdelay $0x3  }
0x397: {  	[tilespmem:v35+s28+$0x0] =	vst.idx.msk $0xffff, v1  }
0x398: {  	v37 =	vor.u32 s17, v54;
	v1 =	vld.idx.msk [tilespmem:v4+s19+$0x0], $0xffff  }
0x399: {  	v4 =	vor.u32 v12, v2;
	_ =	sdelay $0x3  }
0x39a: {  	[tilespmem:v37+s28+$0x0] =	vst.idx.msk $0xffff, v1  }
0x39b: {  	v39 =	vor.u32 s17, v58;
	v1 =	vld.idx.msk [tilespmem:v4+s19+$0x0], $0xffff  }
0x39c: {  	v4 =	vor.u32 v6, v2;
	_ =	sdelay $0x3  }
0x39d: {  	[tilespmem:v39+s28+$0x0] =	vst.idx.msk $0xffff, v1  }
0x39e: {  	v41 =	vor.u32 s17, v57;
	v1 =	vld.idx.msk [tilespmem:v4+s19+$0x0], $0xffff  }
0x39f: {  	v4 =	vor.u32 v30, v2;
	_ =	sdelay $0x3  }
0x3a0: {  	[tilespmem:v41+s28+$0x0] =	vst.idx.msk $0xffff, v1  }
0x3a1: {  	v42 =	vor.u32 s17, v56;
	v1 =	vld.idx.msk [tilespmem:v4+s19+$0x0], $0xffff  }
0x3a2: {  	v4 =	vor.u32 v38, v2;
	_ =	sdelay $0x3  }
0x3a3: {  	[tilespmem:v42+s28+$0x0] =	vst.idx.msk $0xffff, v1  }
0x3a4: {  	v44 =	vor.u32 s17, v59;
	v1 =	vld.idx.msk [tilespmem:v4+s19+$0x0], $0xffff  }
0x3a5: {  	v4 =	vor.u32 v43, v2;
	_ =	sdelay $0x3  }
0x3a6: {  	[tilespmem:v44+s28+$0x0] =	vst.idx.msk $0xffff, v1  }
0x3a7: {  	v47 =	vor.u32 s17, v40;
	v1 =	vld.idx.msk [tilespmem:v4+s19+$0x0], $0xffff  }
0x3a8: {  	v4 =	vor.u32 v32, v2;
	_ =	sdelay $0x3  }
0x3a9: {  	[tilespmem:v47+s28+$0x0] =	vst.idx.msk $0xffff, v1  }
0x3aa: {  	v50 =	vor.u32 s17, v61;
	v1 =	vld.idx.msk [tilespmem:v4+s19+$0x0], $0xffff  }
0x3ab: {  	v4 =	vor.u32 v45, v2;
	_ =	sdelay $0x3  }
0x3ac: {  	[tilespmem:v50+s28+$0x0] =	vst.idx.msk $0xffff, v1  }
0x3ad: {  	v52 =	vor.u32 s17, v60;
	v1 =	vld.idx.msk [tilespmem:v4+s19+$0x0], $0xffff  }
0x3ae: {  	v4 =	vor.u32 v46, v2;
	_ =	sdelay $0x3  }
0x3af: {  	[tilespmem:v52+s28+$0x0] =	vst.idx.msk $0xffff, v1  }
0x3b0: {  	v53 =	vor.u32 s17, v62;
	v1 =	vld.idx.msk [tilespmem:v4+s19+$0x0], $0xffff  }
0x3b1: {  	v4 =	vor.u32 v48, v2;
	_ =	sdelay $0x3  }
0x3b2: {  	[tilespmem:v53+s28+$0x0] =	vst.idx.msk $0xffff, v1  }
0x3b3: {  	v54 =	vor.u32 s17, v16;
	v1 =	vld.idx.msk [tilespmem:v4+s19+$0x0], $0xffff  }
0x3b4: {  	v4 =	vor.u32 v49, v2;
	_ =	sdelay $0x3  }
0x3b5: {  	[tilespmem:v54+s28+$0x0] =	vst.idx.msk $0xffff, v1  }
0x3b6: {  	v55 =	vor.u32 s17, v22;
	v1 =	vld.idx.msk [tilespmem:v4+s19+$0x0], $0xffff  }
0x3b7: {  	v4 =	vor.u32 v20, v2;
	_ =	sdelay $0x3  }
0x3b8: {  	[tilespmem:v55+s28+$0x0] =	vst.idx.msk $0xffff, v1  }
0x3b9: {  	v56 =	vor.u32 s17, v0;
	v1 =	vld.idx.msk [tilespmem:v4+s19+$0x0], $0xffff  }
0x3ba: {  	v57 =	vld [tilespmem:$0x1FFB0];
	v4 =	vor.u32 v51, v2  }
0x3bb: {  	v59 =	vld [tilespmem:$0x1FB10];
	_ =	sdelay $0x2  }
0x3bc: {  	[tilespmem:v56+s28+$0x0] =	vst.idx.msk $0xffff, v1  }
0x3bd: {  	v3 =	vor.u32 s17, v57;
	v1 =	vld.idx.msk [tilespmem:v4+s19+$0x0], $0xffff  }
0x3be: {  	v60 =	vld [tilespmem:$0x1FFC0];
	v4 =	vor.u32 v59, v2  }
0x3bf: {  	v62 =	vld [tilespmem:$0x1FB20];
	_ =	sdelay $0x2  }
0x3c0: {  	[tilespmem:v3+s28+$0x0] =	vst.idx.msk $0xffff, v1  }
0x3c1: {  	v61 =	vor.u32 s17, v60;
	v1 =	vld.idx.msk [tilespmem:v4+s19+$0x0], $0xffff  }
0x3c2: {  	v0 =	vor.u32 v62, v2;
	_ =	sdelay $0x3  }
0x3c3: {  	[tilespmem:v61+s28+$0x0] =	vst.idx.msk $0xffff, v1  }
0x3c4: {  	v63 =	vor.u32 s17, v33;
	v0 =	vld.idx.msk [tilespmem:v0+s19+$0x0], $0xffff;
	_ =	sdelay $0x4  }
0x3c5: {  	s0 =	sadd.s32 s14, s10;
	[tilespmem:v63+s28+$0x0] =	vst.idx.msk $0xffff, v0  }
0x3c6: {  	[hbm4b:s0+s3] =	stream.linear.scatter [tilespmem:s28], [sflag:$0x4], $0x400, $0x38;
	[tilespmem:$0xA400] =	vst v63  }
0x3c7: {  	p0 =	seq.s32 s16, $0x63;
	s17 =	sadd.s32 s14, s11  }
0x3c8: {  	[hbm4b:s17+s3] =	stream.linear.scatter [tilespmem:s29], [sflag:$0x4], $0x400, $0x38;
	[tilespmem:$0xA400] =	vst v63  }
.Ltmp7:
0x3c9: {  	_ = 	snop;
	(pc) =	sbr.rel @p0 .LBB2_12-.Ltmp7, $4  }
0x3ca: {  	s1 =	sadd.s32 s14, s12  }
0x3cb: {  	[hbm4b:s1+s3] =	stream.linear.scatter [tilespmem:s30], [sflag:$0x4], $0x400, $0x38;
	[tilespmem:$0xA400] =	vst v63  }
0x3cc: {  	v6 =	vmov v40;
	s17 =	sadd.s32 s14, s13  }
0x3cd: {  	v34 =	vmovc v5;
	v57 =	vmovc v58;
	v35 =	vmov v11;
	v11 =	vmov v6;
	v32 =	vmov v14;
	[hbm4b:s17+s3] =	stream.linear.scatter [tilespmem:s31], [sflag:$0x4], $0x400, $0x38;
	[tilespmem:$0xA400] =	vst v63  }
0x3ce: {  	v52 =	vld [tilespmem:$0x1FED0]  }
.Ltmp8:
0x3cf: {  	v54 =	vld [tilespmem:$0x1FEF0];
	(pc) =	sbr.rel .LBB2_2-.Ltmp8, $4  }
0x3d0: {  	v41 =	vld [tilespmem:$0x1FF10]  }
0x3d1: {  	s0 =	sshrl.u32 s5, $0x2;
	v59 =	vld [tilespmem:$0x1FF30]  }
0x3d2: {  	s16 =	sadd.s32 $0x1, s16;
	v62 =	vld [tilespmem:$0x1FF50];
	s0 =	sadd.s32 $0x180, s0  }
0x3d3: {  	v60 =	vmov v11;
	v3 =	vlaneseq.u32;
	v58 =	vld [tilespmem:$0x1FFF0];
	[tilespmem:s19], [sflag:$0x2] =	stream.indirect.gather [hbm4b:s4+s15], $0x20, s0, s15, $0xb8  }
.LBB2_13:
0x3d4: {  	_ =	sfence.sel $0x180000  }
0x3d5: {  	[bflag:$0x0] =	sbarrier.arrive $0xFFFF  }
0x3d6: {  	_ =	strace $0x90000047  }
0x3d7: {  	s0 =	stileid.u32;
	[bflag:$0x2] =	sbarrier.arrive $0xFFFF  }
0x3d8: {  	p0 =	sne.s32 s0, $0x0;
	s0 =	rddreg [dreg:$0x2]  }
0x3d9: {  	s0 =	sadd.s32 @!p0 $0x100000, s0  }
0x3da: {  	[sflag:s0] =	ssyncadd.tile.s32 @!p0 $0x1;
	_ =	shalt  }
.Lfunc_end2:
_tile_overlayer_lowered:
.L_overlay_start_2:
0x3db: {  	(tag) =	ssettag $0x2  }
0x3dc: {  	s0 =	rddreg [dreg:$0x0];
	s2 =	stileid.u32  }
0x3dd: {  	s1 =	rddreg [dreg:$0x1];
	p0 =	sne.s32 s2, $0x0  }
0x3de: {  	s3 =	rddreg [dreg:$0x2];
	[bflag:$0x3] =	sbarrier.arrive $0xFFFF;
	s2 =	simm.s32 @!p0 $0x1C05  }
0x3df: {  	[timem:s3], [sflag:s2] =	dma.local @!p0 [hbm:s0], s1  }
0x3e0: {  	s0 =	simm.s32 @!p0 $0x5  }
0x3e1: {  	_ =	swait.ge @!p0 [sflag:s0], s1  }
0x3e2: {  	s1 =	ssub.s32 @!p0 $0x0, s1;
	[sflag:s0] =	ssyncset.done @!p0 $0x0  }
0x3e3: {  	[sflag:s0] =	ssyncadd.s32 @!p0 s1  }
0x3e4: {  	[bflag:$0x3] =	sbarrier.arrive $0xFFFF  }
0x3e5: {  	_ =	shalt  }

</sc_bundles>
